<compile_context>
chip_gen: v7x
topology: tpu7x:2x2x1
jax: 0.10.2.dev20260603
libtpu: 0.0.44.dev20260713+nightly
codegen_flags: <defaults>
</compile_context>

<pallas_src>
import functools

import jax
import jax.numpy as jnp
from jax import lax
from jax.experimental import pallas as pl
from jax.experimental.pallas import tpu as pltpu
from jax.experimental.pallas import tpu_sc as plsc

N = 4096
D = 1024
E = 8
TOPK = 2
FF = 2048
NP = N * TOPK
TILE = 256
NBLK = (NP + E * TILE) // TILE
PADN = NBLK * TILE

SC_NC = 2
SC_NS = 16
SC_NW = SC_NC * SC_NS
SC_CHUNK = 64


def _silu(v):
    return v * jax.nn.sigmoid(v)



def _router_body(x_ref, r_ref, w1_ref, w2_ref, i1_ref, i2_ref):
    logits = jnp.dot(x_ref[...], r_ref[...], preferred_element_type=jnp.float32)
    m = jnp.max(logits, axis=1, keepdims=True)
    ex = jnp.exp(logits - m)
    probs = ex / jnp.sum(ex, axis=1, keepdims=True)
    idx = lax.broadcasted_iota(jnp.int32, probs.shape, 1)
    w1 = jnp.max(probs, axis=1)
    i1 = jnp.argmax(probs, axis=1).astype(jnp.int32)
    masked = jnp.where(idx == i1[:, None], -1.0, probs)
    w2 = jnp.max(masked, axis=1)
    i2 = jnp.argmax(masked, axis=1).astype(jnp.int32)
    w1_ref[...] = w1[:, None]
    w2_ref[...] = w2[:, None]
    i1_ref[...] = i1[:, None]
    i2_ref[...] = i2[:, None]


def _route(xf, router):
    TB = 1024
    return pl.pallas_call(
        _router_body,
        grid=(N // TB,),
        in_specs=[
            pl.BlockSpec((TB, D), lambda i: (i, 0)),
            pl.BlockSpec((D, E), lambda i: (0, 0)),
        ],
        out_specs=[pl.BlockSpec((TB, 1), lambda i: (i, 0))] * 4,
        out_shape=[
            jax.ShapeDtypeStruct((N, 1), jnp.float32),
            jax.ShapeDtypeStruct((N, 1), jnp.float32),
            jax.ShapeDtypeStruct((N, 1), jnp.int32),
            jax.ShapeDtypeStruct((N, 1), jnp.int32),
        ],
        compiler_params=pltpu.CompilerParams(
            dimension_semantics=("arbitrary",)),
    )(xf, router)



def _shared_body(xb_ref, sg_ref, su_ref, sd_ref, shared_ref):
    xb = xb_ref[...]
    h = _silu(jnp.dot(xb, sg_ref[...], preferred_element_type=jnp.float32))
    h = h * jnp.dot(xb, su_ref[...], preferred_element_type=jnp.float32)
    shared_ref[...] = jnp.dot(h.astype(jnp.bfloat16), sd_ref[...],
                              preferred_element_type=jnp.float32)


def _shared_ffn(xb, sg, su, sd):
    TB = 256
    return pl.pallas_call(
        _shared_body,
        grid=(N // TB,),
        in_specs=[
            pl.BlockSpec((TB, D), lambda i: (i, 0)),
            pl.BlockSpec((D, FF), lambda i: (0, 0)),
            pl.BlockSpec((D, FF), lambda i: (0, 0)),
            pl.BlockSpec((FF, D), lambda i: (0, 0)),
        ],
        out_specs=pl.BlockSpec((TB, D), lambda i: (i, 0)),
        out_shape=jax.ShapeDtypeStruct((N, D), jnp.float32),
        compiler_params=pltpu.CompilerParams(
            dimension_semantics=("arbitrary",)),
    )(xb, sg, su, sd)



def _sc_gather(table, idx, rows_total, d, chunk):
    per_w = rows_total // SC_NW
    n_chunks = per_w // chunk
    mesh = plsc.VectorSubcoreMesh(core_axis_name="c", subcore_axis_name="s")

    @functools.partial(
        pl.kernel,
        out_type=jax.ShapeDtypeStruct((rows_total, d), table.dtype),
        mesh=mesh,
        scratch_types=[
            pltpu.VMEM((chunk,), jnp.int32),
            pltpu.VMEM((chunk,), jnp.int32),
            pltpu.VMEM((chunk, d), table.dtype),
            pltpu.VMEM((chunk, d), table.dtype),
            pltpu.SemaphoreType.DMA,
            pltpu.SemaphoreType.DMA,
            pltpu.SemaphoreType.DMA,
            pltpu.SemaphoreType.DMA,
        ],
    )
    def k(table_hbm, idx_hbm, out_hbm,
          idx_v0, idx_v1, rows_v0, rows_v1, g0, g1, w0, w1):
        idx_v = (idx_v0, idx_v1)
        rows_v = (rows_v0, rows_v1)
        gsem = (g0, g1)
        wsem = (w0, w1)
        wid = lax.axis_index("c") * SC_NS + lax.axis_index("s")
        base = wid * per_w

        def off(c):
            return base + c * chunk

        pltpu.sync_copy(idx_hbm.at[pl.ds(off(0), chunk)], idx_v[0])
        pltpu.async_copy(table_hbm.at[idx_v[0]], rows_v[0], gsem[0])
        for c in range(n_chunks):
            b = c % 2
            nb = (c + 1) % 2
            if c + 1 < n_chunks:
                pltpu.sync_copy(idx_hbm.at[pl.ds(off(c + 1), chunk)],
                                idx_v[nb])
                if c >= 1:
                    pltpu.make_async_copy(
                        rows_v[nb], out_hbm.at[pl.ds(off(c - 1), chunk)],
                        wsem[nb]).wait()
                pltpu.async_copy(table_hbm.at[idx_v[nb]], rows_v[nb],
                                 gsem[nb])
            pltpu.make_async_copy(table_hbm.at[idx_v[b]], rows_v[b],
                                  gsem[b]).wait()
            pltpu.async_copy(rows_v[b], out_hbm.at[pl.ds(off(c), chunk)],
                             wsem[b])
        pltpu.make_async_copy(
            rows_v[(n_chunks - 1) % 2],
            out_hbm.at[pl.ds(off(n_chunks - 1), chunk)],
            wsem[(n_chunks - 1) % 2]).wait()
        if n_chunks >= 2:
            pltpu.make_async_copy(
                rows_v[n_chunks % 2],
                out_hbm.at[pl.ds(off(n_chunks - 2), chunk)],
                wsem[n_chunks % 2]).wait()

    return k(table, idx)



def _combine_body(sh_ref, y0_ref, y1_ref, out_ref):
    out_ref[...] = sh_ref[...] + y0_ref[...] + y1_ref[...]


def _combine(shared, yg):
    TB = 256
    half = N // TB
    return pl.pallas_call(
        _combine_body,
        grid=(half,),
        in_specs=[
            pl.BlockSpec((TB, D), lambda i: (i, 0)),
            pl.BlockSpec((TB, D), lambda i: (i, 0)),
            pl.BlockSpec((TB, D), lambda i: (i + half, 0)),
        ],
        out_specs=pl.BlockSpec((TB, D), lambda i: (i, 0)),
        out_shape=jax.ShapeDtypeStruct((N, D), jnp.float32),
        compiler_params=pltpu.CompilerParams(
            dimension_semantics=("arbitrary",)),
    )(shared, yg, yg)



def _ffn_body(eid_ref, xs_ref, w_ref, g_ref, u_ref, d_ref, ys_ref):
    xs = xs_ref[...].astype(jnp.bfloat16)
    h = _silu(jnp.dot(xs, g_ref[0], preferred_element_type=jnp.float32))
    h = h * jnp.dot(xs, u_ref[0], preferred_element_type=jnp.float32)
    h = h * w_ref[...]
    ys_ref[...] = jnp.dot(h.astype(jnp.bfloat16), d_ref[0],
                          preferred_element_type=jnp.float32)


def _expert_ffn(xs, w_s, blk_eid, gate, up, down):
    grid_spec = pltpu.PrefetchScalarGridSpec(
        num_scalar_prefetch=1,
        grid=(NBLK,),
        in_specs=[
            pl.BlockSpec((TILE, D), lambda i, e: (i, 0)),
            pl.BlockSpec((TILE, 1), lambda i, e: (i, 0)),
            pl.BlockSpec((1, D, FF), lambda i, e: (e[i], 0, 0)),
            pl.BlockSpec((1, D, FF), lambda i, e: (e[i], 0, 0)),
            pl.BlockSpec((1, FF, D), lambda i, e: (e[i], 0, 0)),
        ],
        out_specs=pl.BlockSpec((TILE, D), lambda i, e: (i, 0)),
    )
    return pl.pallas_call(
        _ffn_body,
        grid_spec=grid_spec,
        out_shape=jax.ShapeDtypeStruct((PADN, D), jnp.float32),
        compiler_params=pltpu.CompilerParams(
            dimension_semantics=("arbitrary",)),
    )(blk_eid, xs, w_s, gate, up, down)



@jax.jit
def kernel(x, router, shared_gate, shared_up, shared_down, gate, up, down):
    B, T, _ = x.shape
    xf = x.reshape(N, D)
    xb = xf.astype(jnp.bfloat16)

    w1, w2, i1, i2 = _route(xf, router)

    ei = jnp.concatenate([i1[:, 0], i2[:, 0]])
    wi = jnp.concatenate([w1[:, 0], w2[:, 0]])
    onehot = (ei[:, None] == jnp.arange(E, dtype=jnp.int32)[None, :])
    csum = jnp.cumsum(onehot.astype(jnp.int32), axis=0)
    counts = csum[-1]
    rank = jnp.take_along_axis(csum, ei[:, None], axis=1)[:, 0] - 1
    pcounts = ((counts + TILE - 1) // TILE) * TILE
    pstart = jnp.concatenate(
        [jnp.zeros(1, counts.dtype), jnp.cumsum(pcounts)[:-1]])
    dest = (pstart[ei] + rank).astype(jnp.int32)
    tok = jnp.tile(jnp.arange(N, dtype=jnp.int32), 2)
    tok_s = jnp.zeros(PADN, jnp.int32).at[dest].set(tok)
    w_s = jnp.zeros((PADN, 1), jnp.float32).at[dest, 0].set(wi)
    bstart = pstart // TILE
    blk = jnp.arange(NBLK, dtype=bstart.dtype)
    blk_eid = (jnp.sum(blk[:, None] >= bstart[None, :], axis=1) - 1
               ).astype(jnp.int32)

    xb32 = lax.bitcast_convert_type(xb.reshape(N, D // 2, 2), jnp.int32)
    xs32 = _sc_gather(xb32, tok_s, PADN, D // 2, 64)
    xs = lax.bitcast_convert_type(xs32, jnp.bfloat16).reshape(PADN, D)

    shared = _shared_ffn(xb,
                         shared_gate.astype(jnp.bfloat16),
                         shared_up.astype(jnp.bfloat16),
                         shared_down.astype(jnp.bfloat16))

    ys = _expert_ffn(xs, w_s, blk_eid,
                     gate.astype(jnp.bfloat16),
                     up.astype(jnp.bfloat16),
                     down.astype(jnp.bfloat16))

    yg = _sc_gather(ys, dest, NP, D, 32)

    out = _combine(shared, yg)
    return out.reshape(B, T, D)

# --- scband reference (transcript-rebuilt; emitter-appended) ---
"""Pipeline reference for scband-mo-e-67242007986669 (READ-ONLY COPY).

The authoritative reference and input builder live on the scoring server;
editing this copy changes nothing except your own understanding.
"""

import jax, jax.numpy as jnp
import numpy as np

B, T, D = 2, 2048, 1024
E = 8
K = 2
FF = 2048


def silu(v):
    return v * jax.nn.sigmoid(v)


def setup_inputs(seed: int = 0) -> dict:
    key = jax.random.key(seed)
    ks = jax.random.split(key, 8)
    s_in = 1.0 / np.sqrt(D)
    s_out = 1.0 / np.sqrt(FF)
    x = jax.random.normal(ks[0], (B, T, D), dtype=jnp.float32)
    router = jax.random.normal(ks[1], (D, E), dtype=jnp.float32) * s_in
    shared_gate = jax.random.normal(ks[2], (D, FF), dtype=jnp.float32) * s_in
    shared_up = jax.random.normal(ks[3], (D, FF), dtype=jnp.float32) * s_in
    shared_down = jax.random.normal(ks[4], (FF, D), dtype=jnp.float32) * s_out
    gate = jax.random.normal(ks[5], (E, D, FF), dtype=jnp.float32) * s_in
    up = jax.random.normal(ks[6], (E, D, FF), dtype=jnp.float32) * s_in
    down = jax.random.normal(ks[7], (E, FF, D), dtype=jnp.float32) * s_out
    return {
        "x": x,
        "router": router,
        "shared_gate": shared_gate,
        "shared_up": shared_up,
        "shared_down": shared_down,
        "gate": gate,
        "up": up,
        "down": down,
    }


def reference(x, router, shared_gate, shared_up, shared_down, gate, up, down):
    Bq, Tq, Dq = x.shape
    N = Bq * Tq
    xf = x.reshape(N, Dq)
    # shared expert (always-on)
    shared = (silu(xf @ shared_gate) * (xf @ shared_up)) @ shared_down
    # gating: softmax over experts then top-k
    probs = jax.nn.softmax(xf @ router, axis=-1)
    topk_scores, topk_idx = jax.lax.top_k(probs, K)
    out = jnp.zeros_like(xf)
    for i in range(E):
        # per-token routing weight for expert i (0 if not routed)
        w = jnp.sum(jnp.where(topk_idx == i, topk_scores, 0.0), axis=-1)
        # (silu(x@Wg) * (x@Wu) * w) @ Wd  == w * FFN_i(x); tokens with w=0 contribute 0
        eo = (silu(xf @ gate[i]) * (xf @ up[i]) * w[:, None]) @ down[i]
        out = out + eo
    return (shared + out).reshape(Bq, Tq, Dq)

if __name__ == "__main__":
    import jax
    _d = setup_inputs()
    print(jax.jit(kernel)(*tuple(_d.values())))

</pallas_src>

<mosaic_0001>
#map = affine_map<(d0, d1) -> (0, 0)>
#map1 = affine_map<(d0, d1) -> (0)>
module attributes {stable_mosaic.version = 14 : i64} {
  func.func @k(%arg0: i32, %arg1: i32, %arg2: memref<10240x1024xf32, #tpu.memory_space<hbm>>, %arg3: memref<8192xi32, #tpu.memory_space<hbm>>, %arg4: memref<8192x1024xf32, #tpu.memory_space<hbm>>, %arg5: memref<32xi32, #tpu.memory_space<vmem>>, %arg6: memref<32xi32, #tpu.memory_space<vmem>>, %arg7: memref<32x1024xf32, #tpu.memory_space<vmem>>, %arg8: memref<32x1024xf32, #tpu.memory_space<vmem>>, %arg9: memref<!tpu.dma_semaphore, #tpu.memory_space<semaphore_mem>>, %arg10: memref<!tpu.dma_semaphore, #tpu.memory_space<semaphore_mem>>, %arg11: memref<!tpu.dma_semaphore, #tpu.memory_space<semaphore_mem>>, %arg12: memref<!tpu.dma_semaphore, #tpu.memory_space<semaphore_mem>>) attributes {dimension_semantics = [#tpu.dimension_semantics<core_parallel>, #tpu.dimension_semantics<subcore_parallel>], iteration_bounds = array<i64: 2, 16>, scalar_prefetch = 0 : i64, scratch_operands = 8 : i64, tpu.core_type = #tpu.core_type<sc_vector_subcore>, window_params = [{transform_indices = #map}, {transform_indices = #map1}, {transform_indices = #map}]} {
    %mul3A = arith.constant 16 : i32
    %mul3A_0 = arith.muli %arg0, %mul3A : i32
    %add3A = arith.addi %mul3A_0, %arg1 : i32
    %mul3A_1 = arith.constant 256 : i32
    %mul3A_2 = arith.muli %add3A, %mul3A_1 : i32
    %add3A_3 = arith.constant 0 : i32
    %add3A_4 = arith.addi %mul3A_2, %add3A_3 : i32
    "tpu.region"() ({
      %run_scoped3A = tpu.sem_alloc : memref<!tpu.dma_semaphore, #tpu.memory_space<semaphore_mem>>
      %dma_start3A_161 = tpu.memref_slice %arg3[%add3A_4] : memref<8192xi32, #tpu.memory_space<hbm>> -> memref<32xi32, #tpu.memory_space<hbm>>
      %dma_start3A_162 = tpu.memref_slice %arg3[%add3A_4] : memref<8192xi32, #tpu.memory_space<hbm>> -> memref<32xi32, #tpu.memory_space<hbm>>
      tpu.enqueue_dma source(%dma_start3A_162 : memref<32xi32, #tpu.memory_space<hbm>>) target(%arg5 : memref<32xi32, #tpu.memory_space<vmem>>) target_semaphore(%run_scoped3A : memref<!tpu.dma_semaphore, #tpu.memory_space<semaphore_mem>>)
      %dma_wait3A_163 = tpu.memref_slice %arg3[%add3A_4] : memref<8192xi32, #tpu.memory_space<hbm>> -> memref<32xi32, #tpu.memory_space<hbm>>
      %dma_wait3A_164 = tpu.memref_slice %arg3[%add3A_4] : memref<8192xi32, #tpu.memory_space<hbm>> -> memref<32xi32, #tpu.memory_space<hbm>>
      tpu.wait_dma2 semaphore(%run_scoped3A : memref<!tpu.dma_semaphore, #tpu.memory_space<semaphore_mem>>) src(%dma_wait3A_164 : memref<32xi32, #tpu.memory_space<hbm>>) dst(%arg5 : memref<32xi32, #tpu.memory_space<vmem>>)
      tpu.yield
    }) : () -> ()
    %dma_start3A = arith.constant 0 : i32
    %dma_start3A_5 = arith.constant 0 : i32
    %dma_start3A_6 = tpu.memref_slice %arg2[%dma_start3A, %dma_start3A_5] : memref<10240x1024xf32, #tpu.memory_space<hbm>> -> memref<10240x1024xf32, #tpu.memory_space<hbm>>
    tpu.enqueue_indirect_dma source(%dma_start3A_6 : memref<10240x1024xf32, #tpu.memory_space<hbm>>) target(%arg7 : memref<32x1024xf32, #tpu.memory_space<vmem>>) offsets(%arg5 : memref<32xi32, #tpu.memory_space<vmem>>) semaphore(%arg9 : memref<!tpu.dma_semaphore, #tpu.memory_space<semaphore_mem>>)
    %add3A_7 = arith.constant 32 : i32
    %add3A_8 = arith.addi %mul3A_2, %add3A_7 : i32
    "tpu.region"() ({
      %run_scoped3A = tpu.sem_alloc : memref<!tpu.dma_semaphore, #tpu.memory_space<semaphore_mem>>
      %dma_start3A_161 = tpu.memref_slice %arg3[%add3A_8] : memref<8192xi32, #tpu.memory_space<hbm>> -> memref<32xi32, #tpu.memory_space<hbm>>
      %dma_start3A_162 = tpu.memref_slice %arg3[%add3A_8] : memref<8192xi32, #tpu.memory_space<hbm>> -> memref<32xi32, #tpu.memory_space<hbm>>
      tpu.enqueue_dma source(%dma_start3A_162 : memref<32xi32, #tpu.memory_space<hbm>>) target(%arg6 : memref<32xi32, #tpu.memory_space<vmem>>) target_semaphore(%run_scoped3A : memref<!tpu.dma_semaphore, #tpu.memory_space<semaphore_mem>>)
      %dma_wait3A_163 = tpu.memref_slice %arg3[%add3A_8] : memref<8192xi32, #tpu.memory_space<hbm>> -> memref<32xi32, #tpu.memory_space<hbm>>
      %dma_wait3A_164 = tpu.memref_slice %arg3[%add3A_8] : memref<8192xi32, #tpu.memory_space<hbm>> -> memref<32xi32, #tpu.memory_space<hbm>>
      tpu.wait_dma2 semaphore(%run_scoped3A : memref<!tpu.dma_semaphore, #tpu.memory_space<semaphore_mem>>) src(%dma_wait3A_164 : memref<32xi32, #tpu.memory_space<hbm>>) dst(%arg6 : memref<32xi32, #tpu.memory_space<vmem>>)
      tpu.yield
    }) : () -> ()
    %dma_start3A_9 = arith.constant 0 : i32
    %dma_start3A_10 = arith.constant 0 : i32
    %dma_start3A_11 = tpu.memref_slice %arg2[%dma_start3A_9, %dma_start3A_10] : memref<10240x1024xf32, #tpu.memory_space<hbm>> -> memref<10240x1024xf32, #tpu.memory_space<hbm>>
    tpu.enqueue_indirect_dma source(%dma_start3A_11 : memref<10240x1024xf32, #tpu.memory_space<hbm>>) target(%arg8 : memref<32x1024xf32, #tpu.memory_space<vmem>>) offsets(%arg6 : memref<32xi32, #tpu.memory_space<vmem>>) semaphore(%arg10 : memref<!tpu.dma_semaphore, #tpu.memory_space<semaphore_mem>>)
    %dma_wait3A = arith.constant 0 : i32
    %dma_wait3A_12 = arith.constant 0 : i32
    %dma_wait3A_13 = tpu.memref_slice %arg2[%dma_wait3A, %dma_wait3A_12] : memref<10240x1024xf32, #tpu.memory_space<hbm>> -> memref<10240x1024xf32, #tpu.memory_space<hbm>>
    tpu.wait_indirect_dma semaphore(%arg9 : memref<!tpu.dma_semaphore, #tpu.memory_space<semaphore_mem>>) src(%dma_wait3A_13 : memref<10240x1024xf32, #tpu.memory_space<hbm>>) dst(%arg7 : memref<32x1024xf32, #tpu.memory_space<vmem>>)
    %add3A_14 = arith.constant 0 : i32
    %add3A_15 = arith.addi %mul3A_2, %add3A_14 : i32
    %dma_start3A_16 = arith.constant 0 : i32
    %dma_start3A_17 = tpu.memref_slice %arg4[%add3A_15, %dma_start3A_16] : memref<8192x1024xf32, #tpu.memory_space<hbm>> -> memref<32x1024xf32, #tpu.memory_space<hbm>>
    %dma_start3A_18 = arith.constant 0 : i32
    %dma_start3A_19 = tpu.memref_slice %arg4[%add3A_15, %dma_start3A_18] : memref<8192x1024xf32, #tpu.memory_space<hbm>> -> memref<32x1024xf32, #tpu.memory_space<hbm>>
    tpu.enqueue_dma source(%arg7 : memref<32x1024xf32, #tpu.memory_space<vmem>>) target(%dma_start3A_19 : memref<32x1024xf32, #tpu.memory_space<hbm>>) target_semaphore(%arg11 : memref<!tpu.dma_semaphore, #tpu.memory_space<semaphore_mem>>)
    %add3A_20 = arith.constant 64 : i32
    %add3A_21 = arith.addi %mul3A_2, %add3A_20 : i32
    "tpu.region"() ({
      %run_scoped3A = tpu.sem_alloc : memref<!tpu.dma_semaphore, #tpu.memory_space<semaphore_mem>>
      %dma_start3A_161 = tpu.memref_slice %arg3[%add3A_21] : memref<8192xi32, #tpu.memory_space<hbm>> -> memref<32xi32, #tpu.memory_space<hbm>>
      %dma_start3A_162 = tpu.memref_slice %arg3[%add3A_21] : memref<8192xi32, #tpu.memory_space<hbm>> -> memref<32xi32, #tpu.memory_space<hbm>>
      tpu.enqueue_dma source(%dma_start3A_162 : memref<32xi32, #tpu.memory_space<hbm>>) target(%arg5 : memref<32xi32, #tpu.memory_space<vmem>>) target_semaphore(%run_scoped3A : memref<!tpu.dma_semaphore, #tpu.memory_space<semaphore_mem>>)
      %dma_wait3A_163 = tpu.memref_slice %arg3[%add3A_21] : memref<8192xi32, #tpu.memory_space<hbm>> -> memref<32xi32, #tpu.memory_space<hbm>>
      %dma_wait3A_164 = tpu.memref_slice %arg3[%add3A_21] : memref<8192xi32, #tpu.memory_space<hbm>> -> memref<32xi32, #tpu.memory_space<hbm>>
      tpu.wait_dma2 semaphore(%run_scoped3A : memref<!tpu.dma_semaphore, #tpu.memory_space<semaphore_mem>>) src(%dma_wait3A_164 : memref<32xi32, #tpu.memory_space<hbm>>) dst(%arg5 : memref<32xi32, #tpu.memory_space<vmem>>)
      tpu.yield
    }) : () -> ()
    %add3A_22 = arith.constant 0 : i32
    %add3A_23 = arith.addi %mul3A_2, %add3A_22 : i32
    %dma_wait3A_24 = arith.constant 0 : i32
    %dma_wait3A_25 = tpu.memref_slice %arg4[%add3A_23, %dma_wait3A_24] : memref<8192x1024xf32, #tpu.memory_space<hbm>> -> memref<32x1024xf32, #tpu.memory_space<hbm>>
    %dma_wait3A_26 = arith.constant 0 : i32
    %dma_wait3A_27 = tpu.memref_slice %arg4[%add3A_23, %dma_wait3A_26] : memref<8192x1024xf32, #tpu.memory_space<hbm>> -> memref<32x1024xf32, #tpu.memory_space<hbm>>
    tpu.wait_dma2 semaphore(%arg11 : memref<!tpu.dma_semaphore, #tpu.memory_space<semaphore_mem>>) src(%arg7 : memref<32x1024xf32, #tpu.memory_space<vmem>>) dst(%dma_wait3A_27 : memref<32x1024xf32, #tpu.memory_space<hbm>>)
    %dma_start3A_28 = arith.constant 0 : i32
    %dma_start3A_29 = arith.constant 0 : i32
    %dma_start3A_30 = tpu.memref_slice %arg2[%dma_start3A_28, %dma_start3A_29] : memref<10240x1024xf32, #tpu.memory_space<hbm>> -> memref<10240x1024xf32, #tpu.memory_space<hbm>>
    tpu.enqueue_indirect_dma source(%dma_start3A_30 : memref<10240x1024xf32, #tpu.memory_space<hbm>>) target(%arg7 : memref<32x1024xf32, #tpu.memory_space<vmem>>) offsets(%arg5 : memref<32xi32, #tpu.memory_space<vmem>>) semaphore(%arg9 : memref<!tpu.dma_semaphore, #tpu.memory_space<semaphore_mem>>)
    %dma_wait3A_31 = arith.constant 0 : i32
    %dma_wait3A_32 = arith.constant 0 : i32
    %dma_wait3A_33 = tpu.memref_slice %arg2[%dma_wait3A_31, %dma_wait3A_32] : memref<10240x1024xf32, #tpu.memory_space<hbm>> -> memref<10240x1024xf32, #tpu.memory_space<hbm>>
    tpu.wait_indirect_dma semaphore(%arg10 : memref<!tpu.dma_semaphore, #tpu.memory_space<semaphore_mem>>) src(%dma_wait3A_33 : memref<10240x1024xf32, #tpu.memory_space<hbm>>) dst(%arg8 : memref<32x1024xf32, #tpu.memory_space<vmem>>)
    %add3A_34 = arith.constant 32 : i32
    %add3A_35 = arith.addi %mul3A_2, %add3A_34 : i32
    %dma_start3A_36 = arith.constant 0 : i32
    %dma_start3A_37 = tpu.memref_slice %arg4[%add3A_35, %dma_start3A_36] : memref<8192x1024xf32, #tpu.memory_space<hbm>> -> memref<32x1024xf32, #tpu.memory_space<hbm>>
    %dma_start3A_38 = arith.constant 0 : i32
    %dma_start3A_39 = tpu.memref_slice %arg4[%add3A_35, %dma_start3A_38] : memref<8192x1024xf32, #tpu.memory_space<hbm>> -> memref<32x1024xf32, #tpu.memory_space<hbm>>
    tpu.enqueue_dma source(%arg8 : memref<32x1024xf32, #tpu.memory_space<vmem>>) target(%dma_start3A_39 : memref<32x1024xf32, #tpu.memory_space<hbm>>) target_semaphore(%arg12 : memref<!tpu.dma_semaphore, #tpu.memory_space<semaphore_mem>>)
    %add3A_40 = arith.constant 96 : i32
    %add3A_41 = arith.addi %mul3A_2, %add3A_40 : i32
    "tpu.region"() ({
      %run_scoped3A = tpu.sem_alloc : memref<!tpu.dma_semaphore, #tpu.memory_space<semaphore_mem>>
      %dma_start3A_161 = tpu.memref_slice %arg3[%add3A_41] : memref<8192xi32, #tpu.memory_space<hbm>> -> memref<32xi32, #tpu.memory_space<hbm>>
      %dma_start3A_162 = tpu.memref_slice %arg3[%add3A_41] : memref<8192xi32, #tpu.memory_space<hbm>> -> memref<32xi32, #tpu.memory_space<hbm>>
      tpu.enqueue_dma source(%dma_start3A_162 : memref<32xi32, #tpu.memory_space<hbm>>) target(%arg6 : memref<32xi32, #tpu.memory_space<vmem>>) target_semaphore(%run_scoped3A : memref<!tpu.dma_semaphore, #tpu.memory_space<semaphore_mem>>)
      %dma_wait3A_163 = tpu.memref_slice %arg3[%add3A_41] : memref<8192xi32, #tpu.memory_space<hbm>> -> memref<32xi32, #tpu.memory_space<hbm>>
      %dma_wait3A_164 = tpu.memref_slice %arg3[%add3A_41] : memref<8192xi32, #tpu.memory_space<hbm>> -> memref<32xi32, #tpu.memory_space<hbm>>
      tpu.wait_dma2 semaphore(%run_scoped3A : memref<!tpu.dma_semaphore, #tpu.memory_space<semaphore_mem>>) src(%dma_wait3A_164 : memref<32xi32, #tpu.memory_space<hbm>>) dst(%arg6 : memref<32xi32, #tpu.memory_space<vmem>>)
      tpu.yield
    }) : () -> ()
    %add3A_42 = arith.constant 32 : i32
    %add3A_43 = arith.addi %mul3A_2, %add3A_42 : i32
    %dma_wait3A_44 = arith.constant 0 : i32
    %dma_wait3A_45 = tpu.memref_slice %arg4[%add3A_43, %dma_wait3A_44] : memref<8192x1024xf32, #tpu.memory_space<hbm>> -> memref<32x1024xf32, #tpu.memory_space<hbm>>
    %dma_wait3A_46 = arith.constant 0 : i32
    %dma_wait3A_47 = tpu.memref_slice %arg4[%add3A_43, %dma_wait3A_46] : memref<8192x1024xf32, #tpu.memory_space<hbm>> -> memref<32x1024xf32, #tpu.memory_space<hbm>>
    tpu.wait_dma2 semaphore(%arg12 : memref<!tpu.dma_semaphore, #tpu.memory_space<semaphore_mem>>) src(%arg8 : memref<32x1024xf32, #tpu.memory_space<vmem>>) dst(%dma_wait3A_47 : memref<32x1024xf32, #tpu.memory_space<hbm>>)
    %dma_start3A_48 = arith.constant 0 : i32
    %dma_start3A_49 = arith.constant 0 : i32
    %dma_start3A_50 = tpu.memref_slice %arg2[%dma_start3A_48, %dma_start3A_49] : memref<10240x1024xf32, #tpu.memory_space<hbm>> -> memref<10240x1024xf32, #tpu.memory_space<hbm>>
    tpu.enqueue_indirect_dma source(%dma_start3A_50 : memref<10240x1024xf32, #tpu.memory_space<hbm>>) target(%arg8 : memref<32x1024xf32, #tpu.memory_space<vmem>>) offsets(%arg6 : memref<32xi32, #tpu.memory_space<vmem>>) semaphore(%arg10 : memref<!tpu.dma_semaphore, #tpu.memory_space<semaphore_mem>>)
    %dma_wait3A_51 = arith.constant 0 : i32
    %dma_wait3A_52 = arith.constant 0 : i32
    %dma_wait3A_53 = tpu.memref_slice %arg2[%dma_wait3A_51, %dma_wait3A_52] : memref<10240x1024xf32, #tpu.memory_space<hbm>> -> memref<10240x1024xf32, #tpu.memory_space<hbm>>
    tpu.wait_indirect_dma semaphore(%arg9 : memref<!tpu.dma_semaphore, #tpu.memory_space<semaphore_mem>>) src(%dma_wait3A_53 : memref<10240x1024xf32, #tpu.memory_space<hbm>>) dst(%arg7 : memref<32x1024xf32, #tpu.memory_space<vmem>>)
    %add3A_54 = arith.constant 64 : i32
    %add3A_55 = arith.addi %mul3A_2, %add3A_54 : i32
    %dma_start3A_56 = arith.constant 0 : i32
    %dma_start3A_57 = tpu.memref_slice %arg4[%add3A_55, %dma_start3A_56] : memref<8192x1024xf32, #tpu.memory_space<hbm>> -> memref<32x1024xf32, #tpu.memory_space<hbm>>
    %dma_start3A_58 = arith.constant 0 : i32
    %dma_start3A_59 = tpu.memref_slice %arg4[%add3A_55, %dma_start3A_58] : memref<8192x1024xf32, #tpu.memory_space<hbm>> -> memref<32x1024xf32, #tpu.memory_space<hbm>>
    tpu.enqueue_dma source(%arg7 : memref<32x1024xf32, #tpu.memory_space<vmem>>) target(%dma_start3A_59 : memref<32x1024xf32, #tpu.memory_space<hbm>>) target_semaphore(%arg11 : memref<!tpu.dma_semaphore, #tpu.memory_space<semaphore_mem>>)
    %add3A_60 = arith.constant 128 : i32
    %add3A_61 = arith.addi %mul3A_2, %add3A_60 : i32
    "tpu.region"() ({
      %run_scoped3A = tpu.sem_alloc : memref<!tpu.dma_semaphore, #tpu.memory_space<semaphore_mem>>
      %dma_start3A_161 = tpu.memref_slice %arg3[%add3A_61] : memref<8192xi32, #tpu.memory_space<hbm>> -> memref<32xi32, #tpu.memory_space<hbm>>
      %dma_start3A_162 = tpu.memref_slice %arg3[%add3A_61] : memref<8192xi32, #tpu.memory_space<hbm>> -> memref<32xi32, #tpu.memory_space<hbm>>
      tpu.enqueue_dma source(%dma_start3A_162 : memref<32xi32, #tpu.memory_space<hbm>>) target(%arg5 : memref<32xi32, #tpu.memory_space<vmem>>) target_semaphore(%run_scoped3A : memref<!tpu.dma_semaphore, #tpu.memory_space<semaphore_mem>>)
      %dma_wait3A_163 = tpu.memref_slice %arg3[%add3A_61] : memref<8192xi32, #tpu.memory_space<hbm>> -> memref<32xi32, #tpu.memory_space<hbm>>
      %dma_wait3A_164 = tpu.memref_slice %arg3[%add3A_61] : memref<8192xi32, #tpu.memory_space<hbm>> -> memref<32xi32, #tpu.memory_space<hbm>>
      tpu.wait_dma2 semaphore(%run_scoped3A : memref<!tpu.dma_semaphore, #tpu.memory_space<semaphore_mem>>) src(%dma_wait3A_164 : memref<32xi32, #tpu.memory_space<hbm>>) dst(%arg5 : memref<32xi32, #tpu.memory_space<vmem>>)
      tpu.yield
    }) : () -> ()
    %add3A_62 = arith.constant 64 : i32
    %add3A_63 = arith.addi %mul3A_2, %add3A_62 : i32
    %dma_wait3A_64 = arith.constant 0 : i32
    %dma_wait3A_65 = tpu.memref_slice %arg4[%add3A_63, %dma_wait3A_64] : memref<8192x1024xf32, #tpu.memory_space<hbm>> -> memref<32x1024xf32, #tpu.memory_space<hbm>>
    %dma_wait3A_66 = arith.constant 0 : i32
    %dma_wait3A_67 = tpu.memref_slice %arg4[%add3A_63, %dma_wait3A_66] : memref<8192x1024xf32, #tpu.memory_space<hbm>> -> memref<32x1024xf32, #tpu.memory_space<hbm>>
    tpu.wait_dma2 semaphore(%arg11 : memref<!tpu.dma_semaphore, #tpu.memory_space<semaphore_mem>>) src(%arg7 : memref<32x1024xf32, #tpu.memory_space<vmem>>) dst(%dma_wait3A_67 : memref<32x1024xf32, #tpu.memory_space<hbm>>)
    %dma_start3A_68 = arith.constant 0 : i32
    %dma_start3A_69 = arith.constant 0 : i32
    %dma_start3A_70 = tpu.memref_slice %arg2[%dma_start3A_68, %dma_start3A_69] : memref<10240x1024xf32, #tpu.memory_space<hbm>> -> memref<10240x1024xf32, #tpu.memory_space<hbm>>
    tpu.enqueue_indirect_dma source(%dma_start3A_70 : memref<10240x1024xf32, #tpu.memory_space<hbm>>) target(%arg7 : memref<32x1024xf32, #tpu.memory_space<vmem>>) offsets(%arg5 : memref<32xi32, #tpu.memory_space<vmem>>) semaphore(%arg9 : memref<!tpu.dma_semaphore, #tpu.memory_space<semaphore_mem>>)
    %dma_wait3A_71 = arith.constant 0 : i32
    %dma_wait3A_72 = arith.constant 0 : i32
    %dma_wait3A_73 = tpu.memref_slice %arg2[%dma_wait3A_71, %dma_wait3A_72] : memref<10240x1024xf32, #tpu.memory_space<hbm>> -> memref<10240x1024xf32, #tpu.memory_space<hbm>>
    tpu.wait_indirect_dma semaphore(%arg10 : memref<!tpu.dma_semaphore, #tpu.memory_space<semaphore_mem>>) src(%dma_wait3A_73 : memref<10240x1024xf32, #tpu.memory_space<hbm>>) dst(%arg8 : memref<32x1024xf32, #tpu.memory_space<vmem>>)
    %add3A_74 = arith.constant 96 : i32
    %add3A_75 = arith.addi %mul3A_2, %add3A_74 : i32
    %dma_start3A_76 = arith.constant 0 : i32
    %dma_start3A_77 = tpu.memref_slice %arg4[%add3A_75, %dma_start3A_76] : memref<8192x1024xf32, #tpu.memory_space<hbm>> -> memref<32x1024xf32, #tpu.memory_space<hbm>>
    %dma_start3A_78 = arith.constant 0 : i32
    %dma_start3A_79 = tpu.memref_slice %arg4[%add3A_75, %dma_start3A_78] : memref<8192x1024xf32, #tpu.memory_space<hbm>> -> memref<32x1024xf32, #tpu.memory_space<hbm>>
    tpu.enqueue_dma source(%arg8 : memref<32x1024xf32, #tpu.memory_space<vmem>>) target(%dma_start3A_79 : memref<32x1024xf32, #tpu.memory_space<hbm>>) target_semaphore(%arg12 : memref<!tpu.dma_semaphore, #tpu.memory_space<semaphore_mem>>)
    %add3A_80 = arith.constant 160 : i32
    %add3A_81 = arith.addi %mul3A_2, %add3A_80 : i32
    "tpu.region"() ({
      %run_scoped3A = tpu.sem_alloc : memref<!tpu.dma_semaphore, #tpu.memory_space<semaphore_mem>>
      %dma_start3A_161 = tpu.memref_slice %arg3[%add3A_81] : memref<8192xi32, #tpu.memory_space<hbm>> -> memref<32xi32, #tpu.memory_space<hbm>>
      %dma_start3A_162 = tpu.memref_slice %arg3[%add3A_81] : memref<8192xi32, #tpu.memory_space<hbm>> -> memref<32xi32, #tpu.memory_space<hbm>>
      tpu.enqueue_dma source(%dma_start3A_162 : memref<32xi32, #tpu.memory_space<hbm>>) target(%arg6 : memref<32xi32, #tpu.memory_space<vmem>>) target_semaphore(%run_scoped3A : memref<!tpu.dma_semaphore, #tpu.memory_space<semaphore_mem>>)
      %dma_wait3A_163 = tpu.memref_slice %arg3[%add3A_81] : memref<8192xi32, #tpu.memory_space<hbm>> -> memref<32xi32, #tpu.memory_space<hbm>>
      %dma_wait3A_164 = tpu.memref_slice %arg3[%add3A_81] : memref<8192xi32, #tpu.memory_space<hbm>> -> memref<32xi32, #tpu.memory_space<hbm>>
      tpu.wait_dma2 semaphore(%run_scoped3A : memref<!tpu.dma_semaphore, #tpu.memory_space<semaphore_mem>>) src(%dma_wait3A_164 : memref<32xi32, #tpu.memory_space<hbm>>) dst(%arg6 : memref<32xi32, #tpu.memory_space<vmem>>)
      tpu.yield
    }) : () -> ()
    %add3A_82 = arith.constant 96 : i32
    %add3A_83 = arith.addi %mul3A_2, %add3A_82 : i32
    %dma_wait3A_84 = arith.constant 0 : i32
    %dma_wait3A_85 = tpu.memref_slice %arg4[%add3A_83, %dma_wait3A_84] : memref<8192x1024xf32, #tpu.memory_space<hbm>> -> memref<32x1024xf32, #tpu.memory_space<hbm>>
    %dma_wait3A_86 = arith.constant 0 : i32
    %dma_wait3A_87 = tpu.memref_slice %arg4[%add3A_83, %dma_wait3A_86] : memref<8192x1024xf32, #tpu.memory_space<hbm>> -> memref<32x1024xf32, #tpu.memory_space<hbm>>
    tpu.wait_dma2 semaphore(%arg12 : memref<!tpu.dma_semaphore, #tpu.memory_space<semaphore_mem>>) src(%arg8 : memref<32x1024xf32, #tpu.memory_space<vmem>>) dst(%dma_wait3A_87 : memref<32x1024xf32, #tpu.memory_space<hbm>>)
    %dma_start3A_88 = arith.constant 0 : i32
    %dma_start3A_89 = arith.constant 0 : i32
    %dma_start3A_90 = tpu.memref_slice %arg2[%dma_start3A_88, %dma_start3A_89] : memref<10240x1024xf32, #tpu.memory_space<hbm>> -> memref<10240x1024xf32, #tpu.memory_space<hbm>>
    tpu.enqueue_indirect_dma source(%dma_start3A_90 : memref<10240x1024xf32, #tpu.memory_space<hbm>>) target(%arg8 : memref<32x1024xf32, #tpu.memory_space<vmem>>) offsets(%arg6 : memref<32xi32, #tpu.memory_space<vmem>>) semaphore(%arg10 : memref<!tpu.dma_semaphore, #tpu.memory_space<semaphore_mem>>)
    %dma_wait3A_91 = arith.constant 0 : i32
    %dma_wait3A_92 = arith.constant 0 : i32
    %dma_wait3A_93 = tpu.memref_slice %arg2[%dma_wait3A_91, %dma_wait3A_92] : memref<10240x1024xf32, #tpu.memory_space<hbm>> -> memref<10240x1024xf32, #tpu.memory_space<hbm>>
    tpu.wait_indirect_dma semaphore(%arg9 : memref<!tpu.dma_semaphore, #tpu.memory_space<semaphore_mem>>) src(%dma_wait3A_93 : memref<10240x1024xf32, #tpu.memory_space<hbm>>) dst(%arg7 : memref<32x1024xf32, #tpu.memory_space<vmem>>)
    %add3A_94 = arith.constant 128 : i32
    %add3A_95 = arith.addi %mul3A_2, %add3A_94 : i32
    %dma_start3A_96 = arith.constant 0 : i32
    %dma_start3A_97 = tpu.memref_slice %arg4[%add3A_95, %dma_start3A_96] : memref<8192x1024xf32, #tpu.memory_space<hbm>> -> memref<32x1024xf32, #tpu.memory_space<hbm>>
    %dma_start3A_98 = arith.constant 0 : i32
    %dma_start3A_99 = tpu.memref_slice %arg4[%add3A_95, %dma_start3A_98] : memref<8192x1024xf32, #tpu.memory_space<hbm>> -> memref<32x1024xf32, #tpu.memory_space<hbm>>
    tpu.enqueue_dma source(%arg7 : memref<32x1024xf32, #tpu.memory_space<vmem>>) target(%dma_start3A_99 : memref<32x1024xf32, #tpu.memory_space<hbm>>) target_semaphore(%arg11 : memref<!tpu.dma_semaphore, #tpu.memory_space<semaphore_mem>>)
    %add3A_100 = arith.constant 192 : i32
    %add3A_101 = arith.addi %mul3A_2, %add3A_100 : i32
    "tpu.region"() ({
      %run_scoped3A = tpu.sem_alloc : memref<!tpu.dma_semaphore, #tpu.memory_space<semaphore_mem>>
      %dma_start3A_161 = tpu.memref_slice %arg3[%add3A_101] : memref<8192xi32, #tpu.memory_space<hbm>> -> memref<32xi32, #tpu.memory_space<hbm>>
      %dma_start3A_162 = tpu.memref_slice %arg3[%add3A_101] : memref<8192xi32, #tpu.memory_space<hbm>> -> memref<32xi32, #tpu.memory_space<hbm>>
      tpu.enqueue_dma source(%dma_start3A_162 : memref<32xi32, #tpu.memory_space<hbm>>) target(%arg5 : memref<32xi32, #tpu.memory_space<vmem>>) target_semaphore(%run_scoped3A : memref<!tpu.dma_semaphore, #tpu.memory_space<semaphore_mem>>)
      %dma_wait3A_163 = tpu.memref_slice %arg3[%add3A_101] : memref<8192xi32, #tpu.memory_space<hbm>> -> memref<32xi32, #tpu.memory_space<hbm>>
      %dma_wait3A_164 = tpu.memref_slice %arg3[%add3A_101] : memref<8192xi32, #tpu.memory_space<hbm>> -> memref<32xi32, #tpu.memory_space<hbm>>
      tpu.wait_dma2 semaphore(%run_scoped3A : memref<!tpu.dma_semaphore, #tpu.memory_space<semaphore_mem>>) src(%dma_wait3A_164 : memref<32xi32, #tpu.memory_space<hbm>>) dst(%arg5 : memref<32xi32, #tpu.memory_space<vmem>>)
      tpu.yield
    }) : () -> ()
    %add3A_102 = arith.constant 128 : i32
    %add3A_103 = arith.addi %mul3A_2, %add3A_102 : i32
    %dma_wait3A_104 = arith.constant 0 : i32
    %dma_wait3A_105 = tpu.memref_slice %arg4[%add3A_103, %dma_wait3A_104] : memref<8192x1024xf32, #tpu.memory_space<hbm>> -> memref<32x1024xf32, #tpu.memory_space<hbm>>
    %dma_wait3A_106 = arith.constant 0 : i32
    %dma_wait3A_107 = tpu.memref_slice %arg4[%add3A_103, %dma_wait3A_106] : memref<8192x1024xf32, #tpu.memory_space<hbm>> -> memref<32x1024xf32, #tpu.memory_space<hbm>>
    tpu.wait_dma2 semaphore(%arg11 : memref<!tpu.dma_semaphore, #tpu.memory_space<semaphore_mem>>) src(%arg7 : memref<32x1024xf32, #tpu.memory_space<vmem>>) dst(%dma_wait3A_107 : memref<32x1024xf32, #tpu.memory_space<hbm>>)
    %dma_start3A_108 = arith.constant 0 : i32
    %dma_start3A_109 = arith.constant 0 : i32
    %dma_start3A_110 = tpu.memref_slice %arg2[%dma_start3A_108, %dma_start3A_109] : memref<10240x1024xf32, #tpu.memory_space<hbm>> -> memref<10240x1024xf32, #tpu.memory_space<hbm>>
    tpu.enqueue_indirect_dma source(%dma_start3A_110 : memref<10240x1024xf32, #tpu.memory_space<hbm>>) target(%arg7 : memref<32x1024xf32, #tpu.memory_space<vmem>>) offsets(%arg5 : memref<32xi32, #tpu.memory_space<vmem>>) semaphore(%arg9 : memref<!tpu.dma_semaphore, #tpu.memory_space<semaphore_mem>>)
    %dma_wait3A_111 = arith.constant 0 : i32
    %dma_wait3A_112 = arith.constant 0 : i32
    %dma_wait3A_113 = tpu.memref_slice %arg2[%dma_wait3A_111, %dma_wait3A_112] : memref<10240x1024xf32, #tpu.memory_space<hbm>> -> memref<10240x1024xf32, #tpu.memory_space<hbm>>
    tpu.wait_indirect_dma semaphore(%arg10 : memref<!tpu.dma_semaphore, #tpu.memory_space<semaphore_mem>>) src(%dma_wait3A_113 : memref<10240x1024xf32, #tpu.memory_space<hbm>>) dst(%arg8 : memref<32x1024xf32, #tpu.memory_space<vmem>>)
    %add3A_114 = arith.constant 160 : i32
    %add3A_115 = arith.addi %mul3A_2, %add3A_114 : i32
    %dma_start3A_116 = arith.constant 0 : i32
    %dma_start3A_117 = tpu.memref_slice %arg4[%add3A_115, %dma_start3A_116] : memref<8192x1024xf32, #tpu.memory_space<hbm>> -> memref<32x1024xf32, #tpu.memory_space<hbm>>
    %dma_start3A_118 = arith.constant 0 : i32
    %dma_start3A_119 = tpu.memref_slice %arg4[%add3A_115, %dma_start3A_118] : memref<8192x1024xf32, #tpu.memory_space<hbm>> -> memref<32x1024xf32, #tpu.memory_space<hbm>>
    tpu.enqueue_dma source(%arg8 : memref<32x1024xf32, #tpu.memory_space<vmem>>) target(%dma_start3A_119 : memref<32x1024xf32, #tpu.memory_space<hbm>>) target_semaphore(%arg12 : memref<!tpu.dma_semaphore, #tpu.memory_space<semaphore_mem>>)
    %add3A_120 = arith.constant 224 : i32
    %add3A_121 = arith.addi %mul3A_2, %add3A_120 : i32
    "tpu.region"() ({
      %run_scoped3A = tpu.sem_alloc : memref<!tpu.dma_semaphore, #tpu.memory_space<semaphore_mem>>
      %dma_start3A_161 = tpu.memref_slice %arg3[%add3A_121] : memref<8192xi32, #tpu.memory_space<hbm>> -> memref<32xi32, #tpu.memory_space<hbm>>
      %dma_start3A_162 = tpu.memref_slice %arg3[%add3A_121] : memref<8192xi32, #tpu.memory_space<hbm>> -> memref<32xi32, #tpu.memory_space<hbm>>
      tpu.enqueue_dma source(%dma_start3A_162 : memref<32xi32, #tpu.memory_space<hbm>>) target(%arg6 : memref<32xi32, #tpu.memory_space<vmem>>) target_semaphore(%run_scoped3A : memref<!tpu.dma_semaphore, #tpu.memory_space<semaphore_mem>>)
      %dma_wait3A_163 = tpu.memref_slice %arg3[%add3A_121] : memref<8192xi32, #tpu.memory_space<hbm>> -> memref<32xi32, #tpu.memory_space<hbm>>
      %dma_wait3A_164 = tpu.memref_slice %arg3[%add3A_121] : memref<8192xi32, #tpu.memory_space<hbm>> -> memref<32xi32, #tpu.memory_space<hbm>>
      tpu.wait_dma2 semaphore(%run_scoped3A : memref<!tpu.dma_semaphore, #tpu.memory_space<semaphore_mem>>) src(%dma_wait3A_164 : memref<32xi32, #tpu.memory_space<hbm>>) dst(%arg6 : memref<32xi32, #tpu.memory_space<vmem>>)
      tpu.yield
    }) : () -> ()
    %add3A_122 = arith.constant 160 : i32
    %add3A_123 = arith.addi %mul3A_2, %add3A_122 : i32
    %dma_wait3A_124 = arith.constant 0 : i32
    %dma_wait3A_125 = tpu.memref_slice %arg4[%add3A_123, %dma_wait3A_124] : memref<8192x1024xf32, #tpu.memory_space<hbm>> -> memref<32x1024xf32, #tpu.memory_space<hbm>>
    %dma_wait3A_126 = arith.constant 0 : i32
    %dma_wait3A_127 = tpu.memref_slice %arg4[%add3A_123, %dma_wait3A_126] : memref<8192x1024xf32, #tpu.memory_space<hbm>> -> memref<32x1024xf32, #tpu.memory_space<hbm>>
    tpu.wait_dma2 semaphore(%arg12 : memref<!tpu.dma_semaphore, #tpu.memory_space<semaphore_mem>>) src(%arg8 : memref<32x1024xf32, #tpu.memory_space<vmem>>) dst(%dma_wait3A_127 : memref<32x1024xf32, #tpu.memory_space<hbm>>)
    %dma_start3A_128 = arith.constant 0 : i32
    %dma_start3A_129 = arith.constant 0 : i32
    %dma_start3A_130 = tpu.memref_slice %arg2[%dma_start3A_128, %dma_start3A_129] : memref<10240x1024xf32, #tpu.memory_space<hbm>> -> memref<10240x1024xf32, #tpu.memory_space<hbm>>
    tpu.enqueue_indirect_dma source(%dma_start3A_130 : memref<10240x1024xf32, #tpu.memory_space<hbm>>) target(%arg8 : memref<32x1024xf32, #tpu.memory_space<vmem>>) offsets(%arg6 : memref<32xi32, #tpu.memory_space<vmem>>) semaphore(%arg10 : memref<!tpu.dma_semaphore, #tpu.memory_space<semaphore_mem>>)
    %dma_wait3A_131 = arith.constant 0 : i32
    %dma_wait3A_132 = arith.constant 0 : i32
    %dma_wait3A_133 = tpu.memref_slice %arg2[%dma_wait3A_131, %dma_wait3A_132] : memref<10240x1024xf32, #tpu.memory_space<hbm>> -> memref<10240x1024xf32, #tpu.memory_space<hbm>>
    tpu.wait_indirect_dma semaphore(%arg9 : memref<!tpu.dma_semaphore, #tpu.memory_space<semaphore_mem>>) src(%dma_wait3A_133 : memref<10240x1024xf32, #tpu.memory_space<hbm>>) dst(%arg7 : memref<32x1024xf32, #tpu.memory_space<vmem>>)
    %add3A_134 = arith.constant 192 : i32
    %add3A_135 = arith.addi %mul3A_2, %add3A_134 : i32
    %dma_start3A_136 = arith.constant 0 : i32
    %dma_start3A_137 = tpu.memref_slice %arg4[%add3A_135, %dma_start3A_136] : memref<8192x1024xf32, #tpu.memory_space<hbm>> -> memref<32x1024xf32, #tpu.memory_space<hbm>>
    %dma_start3A_138 = arith.constant 0 : i32
    %dma_start3A_139 = tpu.memref_slice %arg4[%add3A_135, %dma_start3A_138] : memref<8192x1024xf32, #tpu.memory_space<hbm>> -> memref<32x1024xf32, #tpu.memory_space<hbm>>
    tpu.enqueue_dma source(%arg7 : memref<32x1024xf32, #tpu.memory_space<vmem>>) target(%dma_start3A_139 : memref<32x1024xf32, #tpu.memory_space<hbm>>) target_semaphore(%arg11 : memref<!tpu.dma_semaphore, #tpu.memory_space<semaphore_mem>>)
    %dma_wait3A_140 = arith.constant 0 : i32
    %dma_wait3A_141 = arith.constant 0 : i32
    %dma_wait3A_142 = tpu.memref_slice %arg2[%dma_wait3A_140, %dma_wait3A_141] : memref<10240x1024xf32, #tpu.memory_space<hbm>> -> memref<10240x1024xf32, #tpu.memory_space<hbm>>
    tpu.wait_indirect_dma semaphore(%arg10 : memref<!tpu.dma_semaphore, #tpu.memory_space<semaphore_mem>>) src(%dma_wait3A_142 : memref<10240x1024xf32, #tpu.memory_space<hbm>>) dst(%arg8 : memref<32x1024xf32, #tpu.memory_space<vmem>>)
    %add3A_143 = arith.constant 224 : i32
    %add3A_144 = arith.addi %mul3A_2, %add3A_143 : i32
    %dma_start3A_145 = arith.constant 0 : i32
    %dma_start3A_146 = tpu.memref_slice %arg4[%add3A_144, %dma_start3A_145] : memref<8192x1024xf32, #tpu.memory_space<hbm>> -> memref<32x1024xf32, #tpu.memory_space<hbm>>
    %dma_start3A_147 = arith.constant 0 : i32
    %dma_start3A_148 = tpu.memref_slice %arg4[%add3A_144, %dma_start3A_147] : memref<8192x1024xf32, #tpu.memory_space<hbm>> -> memref<32x1024xf32, #tpu.memory_space<hbm>>
    tpu.enqueue_dma source(%arg8 : memref<32x1024xf32, #tpu.memory_space<vmem>>) target(%dma_start3A_148 : memref<32x1024xf32, #tpu.memory_space<hbm>>) target_semaphore(%arg12 : memref<!tpu.dma_semaphore, #tpu.memory_space<semaphore_mem>>)
    %add3A_149 = arith.constant 224 : i32
    %add3A_150 = arith.addi %mul3A_2, %add3A_149 : i32
    %dma_wait3A_151 = arith.constant 0 : i32
    %dma_wait3A_152 = tpu.memref_slice %arg4[%add3A_150, %dma_wait3A_151] : memref<8192x1024xf32, #tpu.memory_space<hbm>> -> memref<32x1024xf32, #tpu.memory_space<hbm>>
    %dma_wait3A_153 = arith.constant 0 : i32
    %dma_wait3A_154 = tpu.memref_slice %arg4[%add3A_150, %dma_wait3A_153] : memref<8192x1024xf32, #tpu.memory_space<hbm>> -> memref<32x1024xf32, #tpu.memory_space<hbm>>
    tpu.wait_dma2 semaphore(%arg12 : memref<!tpu.dma_semaphore, #tpu.memory_space<semaphore_mem>>) src(%arg8 : memref<32x1024xf32, #tpu.memory_space<vmem>>) dst(%dma_wait3A_154 : memref<32x1024xf32, #tpu.memory_space<hbm>>)
    %add3A_155 = arith.constant 192 : i32
    %add3A_156 = arith.addi %mul3A_2, %add3A_155 : i32
    %dma_wait3A_157 = arith.constant 0 : i32
    %dma_wait3A_158 = tpu.memref_slice %arg4[%add3A_156, %dma_wait3A_157] : memref<8192x1024xf32, #tpu.memory_space<hbm>> -> memref<32x1024xf32, #tpu.memory_space<hbm>>
    %dma_wait3A_159 = arith.constant 0 : i32
    %dma_wait3A_160 = tpu.memref_slice %arg4[%add3A_156, %dma_wait3A_159] : memref<8192x1024xf32, #tpu.memory_space<hbm>> -> memref<32x1024xf32, #tpu.memory_space<hbm>>
    tpu.wait_dma2 semaphore(%arg11 : memref<!tpu.dma_semaphore, #tpu.memory_space<semaphore_mem>>) src(%arg7 : memref<32x1024xf32, #tpu.memory_space<vmem>>) dst(%dma_wait3A_160 : memref<32x1024xf32, #tpu.memory_space<hbm>>)
    return
  }
}

#map = affine_map<(d0, d1) -> (0, 0)>
#map1 = affine_map<(d0, d1) -> (0)>
module attributes {stable_mosaic.version = 14 : i64} {
  func.func @k(%arg0: i32, %arg1: i32, %arg2: memref<4096x512xi32, #tpu.memory_space<hbm>>, %arg3: memref<10240xi32, #tpu.memory_space<hbm>>, %arg4: memref<10240x512xi32, #tpu.memory_space<hbm>>, %arg5: memref<64xi32, #tpu.memory_space<vmem>>, %arg6: memref<64xi32, #tpu.memory_space<vmem>>, %arg7: memref<64x512xi32, #tpu.memory_space<vmem>>, %arg8: memref<64x512xi32, #tpu.memory_space<vmem>>, %arg9: memref<!tpu.dma_semaphore, #tpu.memory_space<semaphore_mem>>, %arg10: memref<!tpu.dma_semaphore, #tpu.memory_space<semaphore_mem>>, %arg11: memref<!tpu.dma_semaphore, #tpu.memory_space<semaphore_mem>>, %arg12: memref<!tpu.dma_semaphore, #tpu.memory_space<semaphore_mem>>) attributes {dimension_semantics = [#tpu.dimension_semantics<core_parallel>, #tpu.dimension_semantics<subcore_parallel>], iteration_bounds = array<i64: 2, 16>, scalar_prefetch = 0 : i64, scratch_operands = 8 : i64, tpu.core_type = #tpu.core_type<sc_vector_subcore>, window_params = [{transform_indices = #map}, {transform_indices = #map1}, {transform_indices = #map}]} {
    %mul3A = arith.constant 16 : i32
    %mul3A_0 = arith.muli %arg0, %mul3A : i32
    %add3A = arith.addi %mul3A_0, %arg1 : i32
    %mul3A_1 = arith.constant 320 : i32
    %mul3A_2 = arith.muli %add3A, %mul3A_1 : i32
    %add3A_3 = arith.constant 0 : i32
    %add3A_4 = arith.addi %mul3A_2, %add3A_3 : i32
    "tpu.region"() ({
      %run_scoped3A = tpu.sem_alloc : memref<!tpu.dma_semaphore, #tpu.memory_space<semaphore_mem>>
      %dma_start3A_101 = tpu.memref_slice %arg3[%add3A_4] : memref<10240xi32, #tpu.memory_space<hbm>> -> memref<64xi32, #tpu.memory_space<hbm>>
      %dma_start3A_102 = tpu.memref_slice %arg3[%add3A_4] : memref<10240xi32, #tpu.memory_space<hbm>> -> memref<64xi32, #tpu.memory_space<hbm>>
      tpu.enqueue_dma source(%dma_start3A_102 : memref<64xi32, #tpu.memory_space<hbm>>) target(%arg5 : memref<64xi32, #tpu.memory_space<vmem>>) target_semaphore(%run_scoped3A : memref<!tpu.dma_semaphore, #tpu.memory_space<semaphore_mem>>)
      %dma_wait3A_103 = tpu.memref_slice %arg3[%add3A_4] : memref<10240xi32, #tpu.memory_space<hbm>> -> memref<64xi32, #tpu.memory_space<hbm>>
      %dma_wait3A_104 = tpu.memref_slice %arg3[%add3A_4] : memref<10240xi32, #tpu.memory_space<hbm>> -> memref<64xi32, #tpu.memory_space<hbm>>
      tpu.wait_dma2 semaphore(%run_scoped3A : memref<!tpu.dma_semaphore, #tpu.memory_space<semaphore_mem>>) src(%dma_wait3A_104 : memref<64xi32, #tpu.memory_space<hbm>>) dst(%arg5 : memref<64xi32, #tpu.memory_space<vmem>>)
      tpu.yield
    }) : () -> ()
    %dma_start3A = arith.constant 0 : i32
    %dma_start3A_5 = arith.constant 0 : i32
    %dma_start3A_6 = tpu.memref_slice %arg2[%dma_start3A, %dma_start3A_5] : memref<4096x512xi32, #tpu.memory_space<hbm>> -> memref<4096x512xi32, #tpu.memory_space<hbm>>
    tpu.enqueue_indirect_dma source(%dma_start3A_6 : memref<4096x512xi32, #tpu.memory_space<hbm>>) target(%arg7 : memref<64x512xi32, #tpu.memory_space<vmem>>) offsets(%arg5 : memref<64xi32, #tpu.memory_space<vmem>>) semaphore(%arg9 : memref<!tpu.dma_semaphore, #tpu.memory_space<semaphore_mem>>)
    %add3A_7 = arith.constant 64 : i32
    %add3A_8 = arith.addi %mul3A_2, %add3A_7 : i32
    "tpu.region"() ({
      %run_scoped3A = tpu.sem_alloc : memref<!tpu.dma_semaphore, #tpu.memory_space<semaphore_mem>>
      %dma_start3A_101 = tpu.memref_slice %arg3[%add3A_8] : memref<10240xi32, #tpu.memory_space<hbm>> -> memref<64xi32, #tpu.memory_space<hbm>>
      %dma_start3A_102 = tpu.memref_slice %arg3[%add3A_8] : memref<10240xi32, #tpu.memory_space<hbm>> -> memref<64xi32, #tpu.memory_space<hbm>>
      tpu.enqueue_dma source(%dma_start3A_102 : memref<64xi32, #tpu.memory_space<hbm>>) target(%arg6 : memref<64xi32, #tpu.memory_space<vmem>>) target_semaphore(%run_scoped3A : memref<!tpu.dma_semaphore, #tpu.memory_space<semaphore_mem>>)
      %dma_wait3A_103 = tpu.memref_slice %arg3[%add3A_8] : memref<10240xi32, #tpu.memory_space<hbm>> -> memref<64xi32, #tpu.memory_space<hbm>>
      %dma_wait3A_104 = tpu.memref_slice %arg3[%add3A_8] : memref<10240xi32, #tpu.memory_space<hbm>> -> memref<64xi32, #tpu.memory_space<hbm>>
      tpu.wait_dma2 semaphore(%run_scoped3A : memref<!tpu.dma_semaphore, #tpu.memory_space<semaphore_mem>>) src(%dma_wait3A_104 : memref<64xi32, #tpu.memory_space<hbm>>) dst(%arg6 : memref<64xi32, #tpu.memory_space<vmem>>)
      tpu.yield
    }) : () -> ()
    %dma_start3A_9 = arith.constant 0 : i32
    %dma_start3A_10 = arith.constant 0 : i32
    %dma_start3A_11 = tpu.memref_slice %arg2[%dma_start3A_9, %dma_start3A_10] : memref<4096x512xi32, #tpu.memory_space<hbm>> -> memref<4096x512xi32, #tpu.memory_space<hbm>>
    tpu.enqueue_indirect_dma source(%dma_start3A_11 : memref<4096x512xi32, #tpu.memory_space<hbm>>) target(%arg8 : memref<64x512xi32, #tpu.memory_space<vmem>>) offsets(%arg6 : memref<64xi32, #tpu.memory_space<vmem>>) semaphore(%arg10 : memref<!tpu.dma_semaphore, #tpu.memory_space<semaphore_mem>>)
    %dma_wait3A = arith.constant 0 : i32
    %dma_wait3A_12 = arith.constant 0 : i32
    %dma_wait3A_13 = tpu.memref_slice %arg2[%dma_wait3A, %dma_wait3A_12] : memref<4096x512xi32, #tpu.memory_space<hbm>> -> memref<4096x512xi32, #tpu.memory_space<hbm>>
    tpu.wait_indirect_dma semaphore(%arg9 : memref<!tpu.dma_semaphore, #tpu.memory_space<semaphore_mem>>) src(%dma_wait3A_13 : memref<4096x512xi32, #tpu.memory_space<hbm>>) dst(%arg7 : memref<64x512xi32, #tpu.memory_space<vmem>>)
    %add3A_14 = arith.constant 0 : i32
    %add3A_15 = arith.addi %mul3A_2, %add3A_14 : i32
    %dma_start3A_16 = arith.constant 0 : i32
    %dma_start3A_17 = tpu.memref_slice %arg4[%add3A_15, %dma_start3A_16] : memref<10240x512xi32, #tpu.memory_space<hbm>> -> memref<64x512xi32, #tpu.memory_space<hbm>>
    %dma_start3A_18 = arith.constant 0 : i32
    %dma_start3A_19 = tpu.memref_slice %arg4[%add3A_15, %dma_start3A_18] : memref<10240x512xi32, #tpu.memory_space<hbm>> -> memref<64x512xi32, #tpu.memory_space<hbm>>
    tpu.enqueue_dma source(%arg7 : memref<64x512xi32, #tpu.memory_space<vmem>>) target(%dma_start3A_19 : memref<64x512xi32, #tpu.memory_space<hbm>>) target_semaphore(%arg11 : memref<!tpu.dma_semaphore, #tpu.memory_space<semaphore_mem>>)
    %add3A_20 = arith.constant 128 : i32
    %add3A_21 = arith.addi %mul3A_2, %add3A_20 : i32
    "tpu.region"() ({
      %run_scoped3A = tpu.sem_alloc : memref<!tpu.dma_semaphore, #tpu.memory_space<semaphore_mem>>
      %dma_start3A_101 = tpu.memref_slice %arg3[%add3A_21] : memref<10240xi32, #tpu.memory_space<hbm>> -> memref<64xi32, #tpu.memory_space<hbm>>
      %dma_start3A_102 = tpu.memref_slice %arg3[%add3A_21] : memref<10240xi32, #tpu.memory_space<hbm>> -> memref<64xi32, #tpu.memory_space<hbm>>
      tpu.enqueue_dma source(%dma_start3A_102 : memref<64xi32, #tpu.memory_space<hbm>>) target(%arg5 : memref<64xi32, #tpu.memory_space<vmem>>) target_semaphore(%run_scoped3A : memref<!tpu.dma_semaphore, #tpu.memory_space<semaphore_mem>>)
      %dma_wait3A_103 = tpu.memref_slice %arg3[%add3A_21] : memref<10240xi32, #tpu.memory_space<hbm>> -> memref<64xi32, #tpu.memory_space<hbm>>
      %dma_wait3A_104 = tpu.memref_slice %arg3[%add3A_21] : memref<10240xi32, #tpu.memory_space<hbm>> -> memref<64xi32, #tpu.memory_space<hbm>>
      tpu.wait_dma2 semaphore(%run_scoped3A : memref<!tpu.dma_semaphore, #tpu.memory_space<semaphore_mem>>) src(%dma_wait3A_104 : memref<64xi32, #tpu.memory_space<hbm>>) dst(%arg5 : memref<64xi32, #tpu.memory_space<vmem>>)
      tpu.yield
    }) : () -> ()
    %add3A_22 = arith.constant 0 : i32
    %add3A_23 = arith.addi %mul3A_2, %add3A_22 : i32
    %dma_wait3A_24 = arith.constant 0 : i32
    %dma_wait3A_25 = tpu.memref_slice %arg4[%add3A_23, %dma_wait3A_24] : memref<10240x512xi32, #tpu.memory_space<hbm>> -> memref<64x512xi32, #tpu.memory_space<hbm>>
    %dma_wait3A_26 = arith.constant 0 : i32
    %dma_wait3A_27 = tpu.memref_slice %arg4[%add3A_23, %dma_wait3A_26] : memref<10240x512xi32, #tpu.memory_space<hbm>> -> memref<64x512xi32, #tpu.memory_space<hbm>>
    tpu.wait_dma2 semaphore(%arg11 : memref<!tpu.dma_semaphore, #tpu.memory_space<semaphore_mem>>) src(%arg7 : memref<64x512xi32, #tpu.memory_space<vmem>>) dst(%dma_wait3A_27 : memref<64x512xi32, #tpu.memory_space<hbm>>)
    %dma_start3A_28 = arith.constant 0 : i32
    %dma_start3A_29 = arith.constant 0 : i32
    %dma_start3A_30 = tpu.memref_slice %arg2[%dma_start3A_28, %dma_start3A_29] : memref<4096x512xi32, #tpu.memory_space<hbm>> -> memref<4096x512xi32, #tpu.memory_space<hbm>>
    tpu.enqueue_indirect_dma source(%dma_start3A_30 : memref<4096x512xi32, #tpu.memory_space<hbm>>) target(%arg7 : memref<64x512xi32, #tpu.memory_space<vmem>>) offsets(%arg5 : memref<64xi32, #tpu.memory_space<vmem>>) semaphore(%arg9 : memref<!tpu.dma_semaphore, #tpu.memory_space<semaphore_mem>>)
    %dma_wait3A_31 = arith.constant 0 : i32
    %dma_wait3A_32 = arith.constant 0 : i32
    %dma_wait3A_33 = tpu.memref_slice %arg2[%dma_wait3A_31, %dma_wait3A_32] : memref<4096x512xi32, #tpu.memory_space<hbm>> -> memref<4096x512xi32, #tpu.memory_space<hbm>>
    tpu.wait_indirect_dma semaphore(%arg10 : memref<!tpu.dma_semaphore, #tpu.memory_space<semaphore_mem>>) src(%dma_wait3A_33 : memref<4096x512xi32, #tpu.memory_space<hbm>>) dst(%arg8 : memref<64x512xi32, #tpu.memory_space<vmem>>)
    %add3A_34 = arith.constant 64 : i32
    %add3A_35 = arith.addi %mul3A_2, %add3A_34 : i32
    %dma_start3A_36 = arith.constant 0 : i32
    %dma_start3A_37 = tpu.memref_slice %arg4[%add3A_35, %dma_start3A_36] : memref<10240x512xi32, #tpu.memory_space<hbm>> -> memref<64x512xi32, #tpu.memory_space<hbm>>
    %dma_start3A_38 = arith.constant 0 : i32
    %dma_start3A_39 = tpu.memref_slice %arg4[%add3A_35, %dma_start3A_38] : memref<10240x512xi32, #tpu.memory_space<hbm>> -> memref<64x512xi32, #tpu.memory_space<hbm>>
    tpu.enqueue_dma source(%arg8 : memref<64x512xi32, #tpu.memory_space<vmem>>) target(%dma_start3A_39 : memref<64x512xi32, #tpu.memory_space<hbm>>) target_semaphore(%arg12 : memref<!tpu.dma_semaphore, #tpu.memory_space<semaphore_mem>>)
    %add3A_40 = arith.constant 192 : i32
    %add3A_41 = arith.addi %mul3A_2, %add3A_40 : i32
    "tpu.region"() ({
      %run_scoped3A = tpu.sem_alloc : memref<!tpu.dma_semaphore, #tpu.memory_space<semaphore_mem>>
      %dma_start3A_101 = tpu.memref_slice %arg3[%add3A_41] : memref<10240xi32, #tpu.memory_space<hbm>> -> memref<64xi32, #tpu.memory_space<hbm>>
      %dma_start3A_102 = tpu.memref_slice %arg3[%add3A_41] : memref<10240xi32, #tpu.memory_space<hbm>> -> memref<64xi32, #tpu.memory_space<hbm>>
      tpu.enqueue_dma source(%dma_start3A_102 : memref<64xi32, #tpu.memory_space<hbm>>) target(%arg6 : memref<64xi32, #tpu.memory_space<vmem>>) target_semaphore(%run_scoped3A : memref<!tpu.dma_semaphore, #tpu.memory_space<semaphore_mem>>)
      %dma_wait3A_103 = tpu.memref_slice %arg3[%add3A_41] : memref<10240xi32, #tpu.memory_space<hbm>> -> memref<64xi32, #tpu.memory_space<hbm>>
      %dma_wait3A_104 = tpu.memref_slice %arg3[%add3A_41] : memref<10240xi32, #tpu.memory_space<hbm>> -> memref<64xi32, #tpu.memory_space<hbm>>
      tpu.wait_dma2 semaphore(%run_scoped3A : memref<!tpu.dma_semaphore, #tpu.memory_space<semaphore_mem>>) src(%dma_wait3A_104 : memref<64xi32, #tpu.memory_space<hbm>>) dst(%arg6 : memref<64xi32, #tpu.memory_space<vmem>>)
      tpu.yield
    }) : () -> ()
    %add3A_42 = arith.constant 64 : i32
    %add3A_43 = arith.addi %mul3A_2, %add3A_42 : i32
    %dma_wait3A_44 = arith.constant 0 : i32
    %dma_wait3A_45 = tpu.memref_slice %arg4[%add3A_43, %dma_wait3A_44] : memref<10240x512xi32, #tpu.memory_space<hbm>> -> memref<64x512xi32, #tpu.memory_space<hbm>>
    %dma_wait3A_46 = arith.constant 0 : i32
    %dma_wait3A_47 = tpu.memref_slice %arg4[%add3A_43, %dma_wait3A_46] : memref<10240x512xi32, #tpu.memory_space<hbm>> -> memref<64x512xi32, #tpu.memory_space<hbm>>
    tpu.wait_dma2 semaphore(%arg12 : memref<!tpu.dma_semaphore, #tpu.memory_space<semaphore_mem>>) src(%arg8 : memref<64x512xi32, #tpu.memory_space<vmem>>) dst(%dma_wait3A_47 : memref<64x512xi32, #tpu.memory_space<hbm>>)
    %dma_start3A_48 = arith.constant 0 : i32
    %dma_start3A_49 = arith.constant 0 : i32
    %dma_start3A_50 = tpu.memref_slice %arg2[%dma_start3A_48, %dma_start3A_49] : memref<4096x512xi32, #tpu.memory_space<hbm>> -> memref<4096x512xi32, #tpu.memory_space<hbm>>
    tpu.enqueue_indirect_dma source(%dma_start3A_50 : memref<4096x512xi32, #tpu.memory_space<hbm>>) target(%arg8 : memref<64x512xi32, #tpu.memory_space<vmem>>) offsets(%arg6 : memref<64xi32, #tpu.memory_space<vmem>>) semaphore(%arg10 : memref<!tpu.dma_semaphore, #tpu.memory_space<semaphore_mem>>)
    %dma_wait3A_51 = arith.constant 0 : i32
    %dma_wait3A_52 = arith.constant 0 : i32
    %dma_wait3A_53 = tpu.memref_slice %arg2[%dma_wait3A_51, %dma_wait3A_52] : memref<4096x512xi32, #tpu.memory_space<hbm>> -> memref<4096x512xi32, #tpu.memory_space<hbm>>
    tpu.wait_indirect_dma semaphore(%arg9 : memref<!tpu.dma_semaphore, #tpu.memory_space<semaphore_mem>>) src(%dma_wait3A_53 : memref<4096x512xi32, #tpu.memory_space<hbm>>) dst(%arg7 : memref<64x512xi32, #tpu.memory_space<vmem>>)
    %add3A_54 = arith.constant 128 : i32
    %add3A_55 = arith.addi %mul3A_2, %add3A_54 : i32
    %dma_start3A_56 = arith.constant 0 : i32
    %dma_start3A_57 = tpu.memref_slice %arg4[%add3A_55, %dma_start3A_56] : memref<10240x512xi32, #tpu.memory_space<hbm>> -> memref<64x512xi32, #tpu.memory_space<hbm>>
    %dma_start3A_58 = arith.constant 0 : i32
    %dma_start3A_59 = tpu.memref_slice %arg4[%add3A_55, %dma_start3A_58] : memref<10240x512xi32, #tpu.memory_space<hbm>> -> memref<64x512xi32, #tpu.memory_space<hbm>>
    tpu.enqueue_dma source(%arg7 : memref<64x512xi32, #tpu.memory_space<vmem>>) target(%dma_start3A_59 : memref<64x512xi32, #tpu.memory_space<hbm>>) target_semaphore(%arg11 : memref<!tpu.dma_semaphore, #tpu.memory_space<semaphore_mem>>)
    %add3A_60 = arith.constant 256 : i32
    %add3A_61 = arith.addi %mul3A_2, %add3A_60 : i32
    "tpu.region"() ({
      %run_scoped3A = tpu.sem_alloc : memref<!tpu.dma_semaphore, #tpu.memory_space<semaphore_mem>>
      %dma_start3A_101 = tpu.memref_slice %arg3[%add3A_61] : memref<10240xi32, #tpu.memory_space<hbm>> -> memref<64xi32, #tpu.memory_space<hbm>>
      %dma_start3A_102 = tpu.memref_slice %arg3[%add3A_61] : memref<10240xi32, #tpu.memory_space<hbm>> -> memref<64xi32, #tpu.memory_space<hbm>>
      tpu.enqueue_dma source(%dma_start3A_102 : memref<64xi32, #tpu.memory_space<hbm>>) target(%arg5 : memref<64xi32, #tpu.memory_space<vmem>>) target_semaphore(%run_scoped3A : memref<!tpu.dma_semaphore, #tpu.memory_space<semaphore_mem>>)
      %dma_wait3A_103 = tpu.memref_slice %arg3[%add3A_61] : memref<10240xi32, #tpu.memory_space<hbm>> -> memref<64xi32, #tpu.memory_space<hbm>>
      %dma_wait3A_104 = tpu.memref_slice %arg3[%add3A_61] : memref<10240xi32, #tpu.memory_space<hbm>> -> memref<64xi32, #tpu.memory_space<hbm>>
      tpu.wait_dma2 semaphore(%run_scoped3A : memref<!tpu.dma_semaphore, #tpu.memory_space<semaphore_mem>>) src(%dma_wait3A_104 : memref<64xi32, #tpu.memory_space<hbm>>) dst(%arg5 : memref<64xi32, #tpu.memory_space<vmem>>)
      tpu.yield
    }) : () -> ()
    %add3A_62 = arith.constant 128 : i32
    %add3A_63 = arith.addi %mul3A_2, %add3A_62 : i32
    %dma_wait3A_64 = arith.constant 0 : i32
    %dma_wait3A_65 = tpu.memref_slice %arg4[%add3A_63, %dma_wait3A_64] : memref<10240x512xi32, #tpu.memory_space<hbm>> -> memref<64x512xi32, #tpu.memory_space<hbm>>
    %dma_wait3A_66 = arith.constant 0 : i32
    %dma_wait3A_67 = tpu.memref_slice %arg4[%add3A_63, %dma_wait3A_66] : memref<10240x512xi32, #tpu.memory_space<hbm>> -> memref<64x512xi32, #tpu.memory_space<hbm>>
    tpu.wait_dma2 semaphore(%arg11 : memref<!tpu.dma_semaphore, #tpu.memory_space<semaphore_mem>>) src(%arg7 : memref<64x512xi32, #tpu.memory_space<vmem>>) dst(%dma_wait3A_67 : memref<64x512xi32, #tpu.memory_space<hbm>>)
    %dma_start3A_68 = arith.constant 0 : i32
    %dma_start3A_69 = arith.constant 0 : i32
    %dma_start3A_70 = tpu.memref_slice %arg2[%dma_start3A_68, %dma_start3A_69] : memref<4096x512xi32, #tpu.memory_space<hbm>> -> memref<4096x512xi32, #tpu.memory_space<hbm>>
    tpu.enqueue_indirect_dma source(%dma_start3A_70 : memref<4096x512xi32, #tpu.memory_space<hbm>>) target(%arg7 : memref<64x512xi32, #tpu.memory_space<vmem>>) offsets(%arg5 : memref<64xi32, #tpu.memory_space<vmem>>) semaphore(%arg9 : memref<!tpu.dma_semaphore, #tpu.memory_space<semaphore_mem>>)
    %dma_wait3A_71 = arith.constant 0 : i32
    %dma_wait3A_72 = arith.constant 0 : i32
    %dma_wait3A_73 = tpu.memref_slice %arg2[%dma_wait3A_71, %dma_wait3A_72] : memref<4096x512xi32, #tpu.memory_space<hbm>> -> memref<4096x512xi32, #tpu.memory_space<hbm>>
    tpu.wait_indirect_dma semaphore(%arg10 : memref<!tpu.dma_semaphore, #tpu.memory_space<semaphore_mem>>) src(%dma_wait3A_73 : memref<4096x512xi32, #tpu.memory_space<hbm>>) dst(%arg8 : memref<64x512xi32, #tpu.memory_space<vmem>>)
    %add3A_74 = arith.constant 192 : i32
    %add3A_75 = arith.addi %mul3A_2, %add3A_74 : i32
    %dma_start3A_76 = arith.constant 0 : i32
    %dma_start3A_77 = tpu.memref_slice %arg4[%add3A_75, %dma_start3A_76] : memref<10240x512xi32, #tpu.memory_space<hbm>> -> memref<64x512xi32, #tpu.memory_space<hbm>>
    %dma_start3A_78 = arith.constant 0 : i32
    %dma_start3A_79 = tpu.memref_slice %arg4[%add3A_75, %dma_start3A_78] : memref<10240x512xi32, #tpu.memory_space<hbm>> -> memref<64x512xi32, #tpu.memory_space<hbm>>
    tpu.enqueue_dma source(%arg8 : memref<64x512xi32, #tpu.memory_space<vmem>>) target(%dma_start3A_79 : memref<64x512xi32, #tpu.memory_space<hbm>>) target_semaphore(%arg12 : memref<!tpu.dma_semaphore, #tpu.memory_space<semaphore_mem>>)
    %dma_wait3A_80 = arith.constant 0 : i32
    %dma_wait3A_81 = arith.constant 0 : i32
    %dma_wait3A_82 = tpu.memref_slice %arg2[%dma_wait3A_80, %dma_wait3A_81] : memref<4096x512xi32, #tpu.memory_space<hbm>> -> memref<4096x512xi32, #tpu.memory_space<hbm>>
    tpu.wait_indirect_dma semaphore(%arg9 : memref<!tpu.dma_semaphore, #tpu.memory_space<semaphore_mem>>) src(%dma_wait3A_82 : memref<4096x512xi32, #tpu.memory_space<hbm>>) dst(%arg7 : memref<64x512xi32, #tpu.memory_space<vmem>>)
    %add3A_83 = arith.constant 256 : i32
    %add3A_84 = arith.addi %mul3A_2, %add3A_83 : i32
    %dma_start3A_85 = arith.constant 0 : i32
    %dma_start3A_86 = tpu.memref_slice %arg4[%add3A_84, %dma_start3A_85] : memref<10240x512xi32, #tpu.memory_space<hbm>> -> memref<64x512xi32, #tpu.memory_space<hbm>>
    %dma_start3A_87 = arith.constant 0 : i32
    %dma_start3A_88 = tpu.memref_slice %arg4[%add3A_84, %dma_start3A_87] : memref<10240x512xi32, #tpu.memory_space<hbm>> -> memref<64x512xi32, #tpu.memory_space<hbm>>
    tpu.enqueue_dma source(%arg7 : memref<64x512xi32, #tpu.memory_space<vmem>>) target(%dma_start3A_88 : memref<64x512xi32, #tpu.memory_space<hbm>>) target_semaphore(%arg11 : memref<!tpu.dma_semaphore, #tpu.memory_space<semaphore_mem>>)
    %add3A_89 = arith.constant 256 : i32
    %add3A_90 = arith.addi %mul3A_2, %add3A_89 : i32
    %dma_wait3A_91 = arith.constant 0 : i32
    %dma_wait3A_92 = tpu.memref_slice %arg4[%add3A_90, %dma_wait3A_91] : memref<10240x512xi32, #tpu.memory_space<hbm>> -> memref<64x512xi32, #tpu.memory_space<hbm>>
    %dma_wait3A_93 = arith.constant 0 : i32
    %dma_wait3A_94 = tpu.memref_slice %arg4[%add3A_90, %dma_wait3A_93] : memref<10240x512xi32, #tpu.memory_space<hbm>> -> memref<64x512xi32, #tpu.memory_space<hbm>>
    tpu.wait_dma2 semaphore(%arg11 : memref<!tpu.dma_semaphore, #tpu.memory_space<semaphore_mem>>) src(%arg7 : memref<64x512xi32, #tpu.memory_space<vmem>>) dst(%dma_wait3A_94 : memref<64x512xi32, #tpu.memory_space<hbm>>)
    %add3A_95 = arith.constant 192 : i32
    %add3A_96 = arith.addi %mul3A_2, %add3A_95 : i32
    %dma_wait3A_97 = arith.constant 0 : i32
    %dma_wait3A_98 = tpu.memref_slice %arg4[%add3A_96, %dma_wait3A_97] : memref<10240x512xi32, #tpu.memory_space<hbm>> -> memref<64x512xi32, #tpu.memory_space<hbm>>
    %dma_wait3A_99 = arith.constant 0 : i32
    %dma_wait3A_100 = tpu.memref_slice %arg4[%add3A_96, %dma_wait3A_99] : memref<10240x512xi32, #tpu.memory_space<hbm>> -> memref<64x512xi32, #tpu.memory_space<hbm>>
    tpu.wait_dma2 semaphore(%arg12 : memref<!tpu.dma_semaphore, #tpu.memory_space<semaphore_mem>>) src(%arg8 : memref<64x512xi32, #tpu.memory_space<vmem>>) dst(%dma_wait3A_100 : memref<64x512xi32, #tpu.memory_space<hbm>>)
    return
  }
}

module attributes {stable_mosaic.version = 14 : i64} {
  func.func @_router_body(%arg0: i32, %arg1: memref<1024x1024xf32, #tpu.memory_space<vmem>>, %arg2: memref<1024x8xf32, #tpu.memory_space<vmem>>, %arg3: memref<1024x1xf32, #tpu.memory_space<vmem>>, %arg4: memref<1024x1xf32, #tpu.memory_space<vmem>>, %arg5: memref<1024x1xi32, #tpu.memory_space<vmem>>, %arg6: memref<1024x1xi32, #tpu.memory_space<vmem>>) attributes {dimension_semantics = [#tpu.dimension_semantics<arbitrary>], iteration_bounds = array<i64: 4>, scalar_prefetch = 0 : i64, scratch_operands = 0 : i64, tpu.core_type = #tpu.core_type<tc>, window_params = [{transform_indices = @transform_0, window_bounds = array<i64: 1024, 1024>}, {pipeline_mode = #tpu.pipeline_mode<synchronous>, transform_indices = @transform_1, window_bounds = array<i64: 1024, 8>}, {transform_indices = @transform_2, window_bounds = array<i64: 1024, 1>}, {transform_indices = @transform_3, window_bounds = array<i64: 1024, 1>}, {transform_indices = @transform_4, window_bounds = array<i64: 1024, 1>}, {transform_indices = @transform_5, window_bounds = array<i64: 1024, 1>}]} {
    %get3A = arith.constant 0 : index
    %get3A_0 = arith.constant 0 : index
    %get3A_1 = vector.load %arg1[%get3A, %get3A_0] : memref<1024x1024xf32, #tpu.memory_space<vmem>>, vector<1024x1024xf32>
    %get3A_2 = arith.constant 0 : index
    %get3A_3 = arith.constant 0 : index
    %get3A_4 = vector.load %arg2[%get3A_2, %get3A_3] : memref<1024x8xf32, #tpu.memory_space<vmem>>, vector<1024x8xf32>
    %dot_general3A = arith.constant dense<0.000000e+00> : vector<1024x8xf32>
    %dot_general3A_5 = tpu.matmul %get3A_1, %get3A_4, %dot_general3A {dimension_numbers = #tpu.dot_dimension_numbers<[1], [0], [0], [1], [0, 0, 1, 1], [], []>, transpose_lhs_hint = false} : vector<1024x1024xf32>, vector<1024x8xf32>, vector<1024x8xf32> -> vector<1024x8xf32>
    %reduce_max3A = arith.constant dense<0xFF800000> : vector<1024xf32>
    %reduce_max3A_6 = vector.multi_reduction <maximumf>, %dot_general3A_5, %reduce_max3A [1] : vector<1024x8xf32> to vector<1024xf32>
    %broadcast_in_dim3A = vector.shape_cast %reduce_max3A_6 : vector<1024xf32> to vector<1024x1xf32>
    %sub3A = vector.broadcast %broadcast_in_dim3A : vector<1024x1xf32> to vector<1024x8xf32>
    %sub3A_7 = arith.subf %dot_general3A_5, %sub3A : vector<1024x8xf32>
    %exp3A = math.exp %sub3A_7 : vector<1024x8xf32>
    %reduce_sum3A = arith.constant dense<0.000000e+00> : vector<1024xf32>
    %reduce_sum3A_8 = vector.multi_reduction <add>, %exp3A, %reduce_sum3A [1] : vector<1024x8xf32> to vector<1024xf32>
    %broadcast_in_dim3A_9 = vector.shape_cast %reduce_sum3A_8 : vector<1024xf32> to vector<1024x1xf32>
    %div3A = vector.broadcast %broadcast_in_dim3A_9 : vector<1024x1xf32> to vector<1024x8xf32>
    %div3A_10 = arith.divf %exp3A, %div3A : vector<1024x8xf32>
    %iota3A = tpu.iota {dimensions = array<i32: 1>} : vector<1024x8xi32>
    %reduce_max3A_11 = arith.constant dense<0xFF800000> : vector<1024xf32>
    %reduce_max3A_12 = vector.multi_reduction <maximumf>, %div3A_10, %reduce_max3A_11 [1] : vector<1024x8xf32> to vector<1024xf32>
    %argmax3A = tpu.reduce_index %div3A_10 {axis = 1 : i32, kind = #tpu.reduction_kind<arg_max>} : vector<1024x8xf32> -> vector<1024xi32>
    %broadcast_in_dim3A_13 = vector.shape_cast %argmax3A : vector<1024xi32> to vector<1024x1xi32>
    %eq3A = vector.broadcast %broadcast_in_dim3A_13 : vector<1024x1xi32> to vector<1024x8xi32>
    %eq3A_14 = arith.cmpi eq, %iota3A, %eq3A : vector<1024x8xi32>
    %jit3A = arith.constant -1.000000e+00 : f32
    %broadcast_in_dim3A_15 = vector.broadcast %jit3A : f32 to vector<1024x8xf32>
    %select_n3A = arith.select %eq3A_14, %broadcast_in_dim3A_15, %div3A_10 : vector<1024x8xi1>, vector<1024x8xf32>
    %reduce_max3A_16 = arith.constant dense<0xFF800000> : vector<1024xf32>
    %reduce_max3A_17 = vector.multi_reduction <maximumf>, %select_n3A, %reduce_max3A_16 [1] : vector<1024x8xf32> to vector<1024xf32>
    %argmax3A_18 = tpu.reduce_index %select_n3A {axis = 1 : i32, kind = #tpu.reduction_kind<arg_max>} : vector<1024x8xf32> -> vector<1024xi32>
    %broadcast_in_dim3A_19 = vector.shape_cast %reduce_max3A_12 : vector<1024xf32> to vector<1024x1xf32>
    %swap3A = arith.constant 0 : index
    %swap3A_20 = arith.constant 0 : index
    %swap3A_21 = vector.load %arg3[%swap3A, %swap3A_20] : memref<1024x1xf32, #tpu.memory_space<vmem>>, vector<1024x1xf32>
    tpu.vector_store %arg3[%swap3A, %swap3A_20], %broadcast_in_dim3A_19 {strides = array<i32>} : memref<1024x1xf32, #tpu.memory_space<vmem>>, vector<1024x1xf32>,
    %broadcast_in_dim3A_22 = vector.shape_cast %reduce_max3A_17 : vector<1024xf32> to vector<1024x1xf32>
    %swap3A_23 = arith.constant 0 : index
    %swap3A_24 = arith.constant 0 : index
    %swap3A_25 = vector.load %arg4[%swap3A_23, %swap3A_24] : memref<1024x1xf32, #tpu.memory_space<vmem>>, vector<1024x1xf32>
    tpu.vector_store %arg4[%swap3A_23, %swap3A_24], %broadcast_in_dim3A_22 {strides = array<i32>} : memref<1024x1xf32, #tpu.memory_space<vmem>>, vector<1024x1xf32>,
    %broadcast_in_dim3A_26 = vector.shape_cast %argmax3A : vector<1024xi32> to vector<1024x1xi32>
    %swap3A_27 = arith.constant 0 : index
    %swap3A_28 = arith.constant 0 : index
    %swap3A_29 = vector.load %arg5[%swap3A_27, %swap3A_28] : memref<1024x1xi32, #tpu.memory_space<vmem>>, vector<1024x1xi32>
    tpu.vector_store %arg5[%swap3A_27, %swap3A_28], %broadcast_in_dim3A_26 {strides = array<i32>} : memref<1024x1xi32, #tpu.memory_space<vmem>>, vector<1024x1xi32>,
    %broadcast_in_dim3A_30 = vector.shape_cast %argmax3A_18 : vector<1024xi32> to vector<1024x1xi32>
    %swap3A_31 = arith.constant 0 : index
    %swap3A_32 = arith.constant 0 : index
    %swap3A_33 = vector.load %arg6[%swap3A_31, %swap3A_32] : memref<1024x1xi32, #tpu.memory_space<vmem>>, vector<1024x1xi32>
    tpu.vector_store %arg6[%swap3A_31, %swap3A_32], %broadcast_in_dim3A_30 {strides = array<i32>} : memref<1024x1xi32, #tpu.memory_space<vmem>>, vector<1024x1xi32>,
    return
  }
  func.func @transform_0(%arg0: i32) -> (i32, i32) {
    %c0_i32 = arith.constant 0 : i32
    %c0_i32_0 = arith.constant 0 : i32
    return %arg0, %c0_i32 : i32, i32
  }
  func.func @transform_1(%arg0: i32) -> (i32, i32) {
    %c0_i32 = arith.constant 0 : i32
    %c0_i32_0 = arith.constant 0 : i32
    %c0_i32_1 = arith.constant 0 : i32
    return %c0_i32, %c0_i32_0 : i32, i32
  }
  func.func @transform_2(%arg0: i32) -> (i32, i32) {
    %c0_i32 = arith.constant 0 : i32
    %c0_i32_0 = arith.constant 0 : i32
    return %arg0, %c0_i32 : i32, i32
  }
  func.func @transform_3(%arg0: i32) -> (i32, i32) {
    %c0_i32 = arith.constant 0 : i32
    %c0_i32_0 = arith.constant 0 : i32
    return %arg0, %c0_i32 : i32, i32
  }
  func.func @transform_4(%arg0: i32) -> (i32, i32) {
    %c0_i32 = arith.constant 0 : i32
    %c0_i32_0 = arith.constant 0 : i32
    return %arg0, %c0_i32 : i32, i32
  }
  func.func @transform_5(%arg0: i32) -> (i32, i32) {
    %c0_i32 = arith.constant 0 : i32
    %c0_i32_0 = arith.constant 0 : i32
    return %arg0, %c0_i32 : i32, i32
  }
}

module attributes {stable_mosaic.version = 14 : i64} {
  func.func @_ffn_body(%arg0: i32, %arg1: memref<40xi32, #tpu.memory_space<smem>>, %arg2: memref<256x1024xbf16, #tpu.memory_space<vmem>>, %arg3: memref<256x1xf32, #tpu.memory_space<vmem>>, %arg4: memref<1x1024x2048xbf16, #tpu.memory_space<vmem>>, %arg5: memref<1x1024x2048xbf16, #tpu.memory_space<vmem>>, %arg6: memref<1x2048x1024xbf16, #tpu.memory_space<vmem>>, %arg7: memref<256x1024xf32, #tpu.memory_space<vmem>>) attributes {dimension_semantics = [#tpu.dimension_semantics<arbitrary>], iteration_bounds = array<i64: 40>, scalar_prefetch = 1 : i64, scratch_operands = 0 : i64, tpu.core_type = #tpu.core_type<tc>, window_params = [{transform_indices = @transform_0, window_bounds = array<i64: 256, 1024>}, {transform_indices = @transform_1, window_bounds = array<i64: 256, 1>}, {transform_indices = @transform_2, window_bounds = array<i64: 1, 1024, 2048>}, {transform_indices = @transform_3, window_bounds = array<i64: 1, 1024, 2048>}, {transform_indices = @transform_4, window_bounds = array<i64: 1, 2048, 1024>}, {transform_indices = @transform_5, window_bounds = array<i64: 256, 1024>}]} {
    %get3A = arith.constant 0 : index
    %get3A_0 = arith.constant 0 : index
    %get3A_1 = vector.load %arg2[%get3A, %get3A_0] : memref<256x1024xbf16, #tpu.memory_space<vmem>>, vector<256x1024xbf16>
    %get3A_2 = arith.constant 0 : index
    %get3A_3 = arith.constant 0 : index
    %get3A_4 = arith.constant 0 : index
    %get3A_5 = vector.load %arg4[%get3A_2, %get3A_3, %get3A_4] : memref<1x1024x2048xbf16, #tpu.memory_space<vmem>>, vector<1x1024x2048xbf16>
    %get3A_6 = vector.shape_cast %get3A_5 : vector<1x1024x2048xbf16> to vector<1024x2048xbf16>
    %dot_general3A = arith.constant dense<0.000000e+00> : vector<256x2048xf32>
    %dot_general3A_7 = tpu.matmul %get3A_1, %get3A_6, %dot_general3A {dimension_numbers = #tpu.dot_dimension_numbers<[1], [0], [0], [1], [0, 0, 1, 1], [], []>, transpose_lhs_hint = false} : vector<256x1024xbf16>, vector<1024x2048xbf16>, vector<256x2048xf32> -> vector<256x2048xf32>
    %logistic3A = arith.negf %dot_general3A_7 : vector<256x2048xf32>
    %logistic3A_8 = math.exp %logistic3A : vector<256x2048xf32>
    %logistic3A_9 = arith.constant 1.000000e+00 : f32
    %logistic3A_10 = vector.broadcast %logistic3A_9 : f32 to vector<256x2048xf32>
    %logistic3A_11 = arith.addf %logistic3A_10, %logistic3A_8 : vector<256x2048xf32>
    %logistic3A_12 = arith.divf %logistic3A_10, %logistic3A_11 : vector<256x2048xf32>
    %mul3A = arith.mulf %dot_general3A_7, %logistic3A_12 : vector<256x2048xf32>
    %get3A_13 = arith.constant 0 : index
    %get3A_14 = arith.constant 0 : index
    %get3A_15 = arith.constant 0 : index
    %get3A_16 = vector.load %arg5[%get3A_13, %get3A_14, %get3A_15] : memref<1x1024x2048xbf16, #tpu.memory_space<vmem>>, vector<1x1024x2048xbf16>
    %get3A_17 = vector.shape_cast %get3A_16 : vector<1x1024x2048xbf16> to vector<1024x2048xbf16>
    %dot_general3A_18 = arith.constant dense<0.000000e+00> : vector<256x2048xf32>
    %dot_general3A_19 = tpu.matmul %get3A_1, %get3A_17, %dot_general3A_18 {dimension_numbers = #tpu.dot_dimension_numbers<[1], [0], [0], [1], [0, 0, 1, 1], [], []>, transpose_lhs_hint = false} : vector<256x1024xbf16>, vector<1024x2048xbf16>, vector<256x2048xf32> -> vector<256x2048xf32>
    %mul3A_20 = arith.mulf %mul3A, %dot_general3A_19 : vector<256x2048xf32>
    %get3A_21 = arith.constant 0 : index
    %get3A_22 = arith.constant 0 : index
    %get3A_23 = vector.load %arg3[%get3A_21, %get3A_22] : memref<256x1xf32, #tpu.memory_space<vmem>>, vector<256x1xf32>
    %mul3A_24 = vector.broadcast %get3A_23 : vector<256x1xf32> to vector<256x2048xf32>
    %mul3A_25 = arith.mulf %mul3A_20, %mul3A_24 : vector<256x2048xf32>
    %convert_element_type3A = arith.truncf %mul3A_25 : vector<256x2048xf32> to vector<256x2048xbf16>
    %get3A_26 = arith.constant 0 : index
    %get3A_27 = arith.constant 0 : index
    %get3A_28 = arith.constant 0 : index
    %get3A_29 = vector.load %arg6[%get3A_26, %get3A_27, %get3A_28] : memref<1x2048x1024xbf16, #tpu.memory_space<vmem>>, vector<1x2048x1024xbf16>
    %get3A_30 = vector.shape_cast %get3A_29 : vector<1x2048x1024xbf16> to vector<2048x1024xbf16>
    %dot_general3A_31 = arith.constant dense<0.000000e+00> : vector<256x1024xf32>
    %dot_general3A_32 = tpu.matmul %convert_element_type3A, %get3A_30, %dot_general3A_31 {dimension_numbers = #tpu.dot_dimension_numbers<[1], [0], [0], [1], [0, 0, 1, 1], [], []>, transpose_lhs_hint = false} : vector<256x2048xbf16>, vector<2048x1024xbf16>, vector<256x1024xf32> -> vector<256x1024xf32>
    %swap3A = arith.constant 0 : index
    %swap3A_33 = arith.constant 0 : index
    %swap3A_34 = vector.load %arg7[%swap3A, %swap3A_33] : memref<256x1024xf32, #tpu.memory_space<vmem>>, vector<256x1024xf32>
    tpu.vector_store %arg7[%swap3A, %swap3A_33], %dot_general3A_32 {strides = array<i32>} : memref<256x1024xf32, #tpu.memory_space<vmem>>, vector<256x1024xf32>,
    return
  }
  func.func @transform_0(%arg0: i32, %arg1: memref<40xi32, #tpu.memory_space<smem>>) -> (i32, i32) {
    %c0_i32 = arith.constant 0 : i32
    %c0_i32_0 = arith.constant 0 : i32
    return %arg0, %c0_i32 : i32, i32
  }
  func.func @transform_1(%arg0: i32, %arg1: memref<40xi32, #tpu.memory_space<smem>>) -> (i32, i32) {
    %c0_i32 = arith.constant 0 : i32
    %c0_i32_0 = arith.constant 0 : i32
    return %arg0, %c0_i32 : i32, i32
  }
  func.func @transform_2(%arg0: i32, %arg1: memref<40xi32, #tpu.memory_space<smem>>) -> (i32, i32, i32) {
    %get3A = arith.index_cast %arg0 : i32 to index
    %get3A_0 = memref.load %arg1[%get3A] : memref<40xi32, #tpu.memory_space<smem>>
    %c0_i32 = arith.constant 0 : i32
    %c0_i32_1 = arith.constant 0 : i32
    %c0_i32_2 = arith.constant 0 : i32
    return %get3A_0, %c0_i32, %c0_i32_1 : i32, i32, i32
  }
  func.func @transform_3(%arg0: i32, %arg1: memref<40xi32, #tpu.memory_space<smem>>) -> (i32, i32, i32) {
    %get3A = arith.index_cast %arg0 : i32 to index
    %get3A_0 = memref.load %arg1[%get3A] : memref<40xi32, #tpu.memory_space<smem>>
    %c0_i32 = arith.constant 0 : i32
    %c0_i32_1 = arith.constant 0 : i32
    %c0_i32_2 = arith.constant 0 : i32
    return %get3A_0, %c0_i32, %c0_i32_1 : i32, i32, i32
  }
  func.func @transform_4(%arg0: i32, %arg1: memref<40xi32, #tpu.memory_space<smem>>) -> (i32, i32, i32) {
    %get3A = arith.index_cast %arg0 : i32 to index
    %get3A_0 = memref.load %arg1[%get3A] : memref<40xi32, #tpu.memory_space<smem>>
    %c0_i32 = arith.constant 0 : i32
    %c0_i32_1 = arith.constant 0 : i32
    %c0_i32_2 = arith.constant 0 : i32
    return %get3A_0, %c0_i32, %c0_i32_1 : i32, i32, i32
  }
  func.func @transform_5(%arg0: i32, %arg1: memref<40xi32, #tpu.memory_space<smem>>) -> (i32, i32) {
    %c0_i32 = arith.constant 0 : i32
    %c0_i32_0 = arith.constant 0 : i32
    return %arg0, %c0_i32 : i32, i32
  }
}

module attributes {stable_mosaic.version = 14 : i64} {
  func.func @_shared_body(%arg0: i32, %arg1: memref<256x1024xbf16, #tpu.memory_space<vmem>>, %arg2: memref<1024x2048xbf16, #tpu.memory_space<vmem>>, %arg3: memref<1024x2048xbf16, #tpu.memory_space<vmem>>, %arg4: memref<2048x1024xbf16, #tpu.memory_space<vmem>>, %arg5: memref<256x1024xf32, #tpu.memory_space<vmem>>) attributes {dimension_semantics = [#tpu.dimension_semantics<arbitrary>], iteration_bounds = array<i64: 16>, scalar_prefetch = 0 : i64, scratch_operands = 0 : i64, tpu.core_type = #tpu.core_type<tc>, window_params = [{transform_indices = @transform_0, window_bounds = array<i64: 256, 1024>}, {pipeline_mode = #tpu.pipeline_mode<synchronous>, transform_indices = @transform_1, window_bounds = array<i64: 1024, 2048>}, {pipeline_mode = #tpu.pipeline_mode<synchronous>, transform_indices = @transform_2, window_bounds = array<i64: 1024, 2048>}, {pipeline_mode = #tpu.pipeline_mode<synchronous>, transform_indices = @transform_3, window_bounds = array<i64: 2048, 1024>}, {transform_indices = @transform_4, window_bounds = array<i64: 256, 1024>}]} {
    %get3A = arith.constant 0 : index
    %get3A_0 = arith.constant 0 : index
    %get3A_1 = vector.load %arg1[%get3A, %get3A_0] : memref<256x1024xbf16, #tpu.memory_space<vmem>>, vector<256x1024xbf16>
    %get3A_2 = arith.constant 0 : index
    %get3A_3 = arith.constant 0 : index
    %get3A_4 = vector.load %arg2[%get3A_2, %get3A_3] : memref<1024x2048xbf16, #tpu.memory_space<vmem>>, vector<1024x2048xbf16>
    %dot_general3A = arith.constant dense<0.000000e+00> : vector<256x2048xf32>
    %dot_general3A_5 = tpu.matmul %get3A_1, %get3A_4, %dot_general3A {dimension_numbers = #tpu.dot_dimension_numbers<[1], [0], [0], [1], [0, 0, 1, 1], [], []>, transpose_lhs_hint = false} : vector<256x1024xbf16>, vector<1024x2048xbf16>, vector<256x2048xf32> -> vector<256x2048xf32>
    %logistic3A = arith.negf %dot_general3A_5 : vector<256x2048xf32>
    %logistic3A_6 = math.exp %logistic3A : vector<256x2048xf32>
    %logistic3A_7 = arith.constant 1.000000e+00 : f32
    %logistic3A_8 = vector.broadcast %logistic3A_7 : f32 to vector<256x2048xf32>
    %logistic3A_9 = arith.addf %logistic3A_8, %logistic3A_6 : vector<256x2048xf32>
    %logistic3A_10 = arith.divf %logistic3A_8, %logistic3A_9 : vector<256x2048xf32>
    %mul3A = arith.mulf %dot_general3A_5, %logistic3A_10 : vector<256x2048xf32>
    %get3A_11 = arith.constant 0 : index
    %get3A_12 = arith.constant 0 : index
    %get3A_13 = vector.load %arg3[%get3A_11, %get3A_12] : memref<1024x2048xbf16, #tpu.memory_space<vmem>>, vector<1024x2048xbf16>
    %dot_general3A_14 = arith.constant dense<0.000000e+00> : vector<256x2048xf32>
    %dot_general3A_15 = tpu.matmul %get3A_1, %get3A_13, %dot_general3A_14 {dimension_numbers = #tpu.dot_dimension_numbers<[1], [0], [0], [1], [0, 0, 1, 1], [], []>, transpose_lhs_hint = false} : vector<256x1024xbf16>, vector<1024x2048xbf16>, vector<256x2048xf32> -> vector<256x2048xf32>
    %mul3A_16 = arith.mulf %mul3A, %dot_general3A_15 : vector<256x2048xf32>
    %convert_element_type3A = arith.truncf %mul3A_16 : vector<256x2048xf32> to vector<256x2048xbf16>
    %get3A_17 = arith.constant 0 : index
    %get3A_18 = arith.constant 0 : index
    %get3A_19 = vector.load %arg4[%get3A_17, %get3A_18] : memref<2048x1024xbf16, #tpu.memory_space<vmem>>, vector<2048x1024xbf16>
    %dot_general3A_20 = arith.constant dense<0.000000e+00> : vector<256x1024xf32>
    %dot_general3A_21 = tpu.matmul %convert_element_type3A, %get3A_19, %dot_general3A_20 {dimension_numbers = #tpu.dot_dimension_numbers<[1], [0], [0], [1], [0, 0, 1, 1], [], []>, transpose_lhs_hint = false} : vector<256x2048xbf16>, vector<2048x1024xbf16>, vector<256x1024xf32> -> vector<256x1024xf32>
    %swap3A = arith.constant 0 : index
    %swap3A_22 = arith.constant 0 : index
    %swap3A_23 = vector.load %arg5[%swap3A, %swap3A_22] : memref<256x1024xf32, #tpu.memory_space<vmem>>, vector<256x1024xf32>
    tpu.vector_store %arg5[%swap3A, %swap3A_22], %dot_general3A_21 {strides = array<i32>} : memref<256x1024xf32, #tpu.memory_space<vmem>>, vector<256x1024xf32>,
    return
  }
  func.func @transform_0(%arg0: i32) -> (i32, i32) {
    %c0_i32 = arith.constant 0 : i32
    %c0_i32_0 = arith.constant 0 : i32
    return %arg0, %c0_i32 : i32, i32
  }
  func.func @transform_1(%arg0: i32) -> (i32, i32) {
    %c0_i32 = arith.constant 0 : i32
    %c0_i32_0 = arith.constant 0 : i32
    %c0_i32_1 = arith.constant 0 : i32
    return %c0_i32, %c0_i32_0 : i32, i32
  }
  func.func @transform_2(%arg0: i32) -> (i32, i32) {
    %c0_i32 = arith.constant 0 : i32
    %c0_i32_0 = arith.constant 0 : i32
    %c0_i32_1 = arith.constant 0 : i32
    return %c0_i32, %c0_i32_0 : i32, i32
  }
  func.func @transform_3(%arg0: i32) -> (i32, i32) {
    %c0_i32 = arith.constant 0 : i32
    %c0_i32_0 = arith.constant 0 : i32
    %c0_i32_1 = arith.constant 0 : i32
    return %c0_i32, %c0_i32_0 : i32, i32
  }
  func.func @transform_4(%arg0: i32) -> (i32, i32) {
    %c0_i32 = arith.constant 0 : i32
    %c0_i32_0 = arith.constant 0 : i32
    return %arg0, %c0_i32 : i32, i32
  }
}

module attributes {stable_mosaic.version = 14 : i64} {
  func.func @_combine_body(%arg0: i32, %arg1: memref<256x1024xf32, #tpu.memory_space<vmem>>, %arg2: memref<256x1024xf32, #tpu.memory_space<vmem>>, %arg3: memref<256x1024xf32, #tpu.memory_space<vmem>>, %arg4: memref<256x1024xf32, #tpu.memory_space<vmem>>) attributes {dimension_semantics = [#tpu.dimension_semantics<arbitrary>], iteration_bounds = array<i64: 16>, scalar_prefetch = 0 : i64, scratch_operands = 0 : i64, tpu.core_type = #tpu.core_type<tc>, window_params = [{transform_indices = @transform_0, window_bounds = array<i64: 256, 1024>}, {transform_indices = @transform_1, window_bounds = array<i64: 256, 1024>}, {transform_indices = @transform_2, window_bounds = array<i64: 256, 1024>}, {transform_indices = @transform_3, window_bounds = array<i64: 256, 1024>}]} {
    %get3A = arith.constant 0 : index
    %get3A_0 = arith.constant 0 : index
    %get3A_1 = vector.load %arg1[%get3A, %get3A_0] : memref<256x1024xf32, #tpu.memory_space<vmem>>, vector<256x1024xf32>
    %get3A_2 = arith.constant 0 : index
    %get3A_3 = arith.constant 0 : index
    %get3A_4 = vector.load %arg2[%get3A_2, %get3A_3] : memref<256x1024xf32, #tpu.memory_space<vmem>>, vector<256x1024xf32>
    %add3A = arith.addf %get3A_1, %get3A_4 : vector<256x1024xf32>
    %get3A_5 = arith.constant 0 : index
    %get3A_6 = arith.constant 0 : index
    %get3A_7 = vector.load %arg3[%get3A_5, %get3A_6] : memref<256x1024xf32, #tpu.memory_space<vmem>>, vector<256x1024xf32>
    %add3A_8 = arith.addf %add3A, %get3A_7 : vector<256x1024xf32>
    %swap3A = arith.constant 0 : index
    %swap3A_9 = arith.constant 0 : index
    %swap3A_10 = vector.load %arg4[%swap3A, %swap3A_9] : memref<256x1024xf32, #tpu.memory_space<vmem>>, vector<256x1024xf32>
    tpu.vector_store %arg4[%swap3A, %swap3A_9], %add3A_8 {strides = array<i32>} : memref<256x1024xf32, #tpu.memory_space<vmem>>, vector<256x1024xf32>,
    return
  }
  func.func @transform_0(%arg0: i32) -> (i32, i32) {
    %c0_i32 = arith.constant 0 : i32
    %c0_i32_0 = arith.constant 0 : i32
    return %arg0, %c0_i32 : i32, i32
  }
  func.func @transform_1(%arg0: i32) -> (i32, i32) {
    %c0_i32 = arith.constant 0 : i32
    %c0_i32_0 = arith.constant 0 : i32
    return %arg0, %c0_i32 : i32, i32
  }
  func.func @transform_2(%arg0: i32) -> (i32, i32) {
    %add3A = arith.constant 16 : i32
    %add3A_0 = arith.addi %arg0, %add3A : i32
    %c0_i32 = arith.constant 0 : i32
    %c0_i32_1 = arith.constant 0 : i32
    return %add3A_0, %c0_i32 : i32, i32
  }
  func.func @transform_3(%arg0: i32) -> (i32, i32) {
    %c0_i32 = arith.constant 0 : i32
    %c0_i32_0 = arith.constant 0 : i32
    return %arg0, %c0_i32 : i32, i32
  }
}

</mosaic_0001>

<sc_bundles>
// kernel: gather_offload_async_start
scs
__scs_entry_jumppad:
0x0: {  	(pc) =	sbr.rel $0x88, $3  }
0x1: {  	(tag) =	ssettag $0x0;
	lr =	simm.s32 $0x1  }
0x2: {  	[smem:$0x3F99] =	sst lr;
	_ =	strace $0xD0000000  }
0x3: {  	_ = 	snop  }
0x4: {  	_ = 	snop  }
0x5: {  	_ = 	snop  }
0x6: {  	_ = 	snop  }
0x7: {  	_ = 	snop  }
__scs_overlays_trampoline_lowered:
0x8: {  	[smem:$0x3FA8] =	sst s0  }
0x9: {  	[smem:$0x3FA9] =	sst s1  }
0xa: {  	[smem:$0x3FAA] =	sst s2  }
0xb: {  	[smem:$0x3FAB] =	sst s3  }
0xc: {  	[smem:$0x3FAC] =	sst s4  }
0xd: {  	[smem:$0x3FAD] =	sst s5  }
0xe: {  	[smem:$0x3FAE] =	sst s6  }
0xf: {  	[smem:$0x3FAF] =	sst s7  }
0x10: {  	[smem:$0x3FB0] =	sst s8  }
0x11: {  	[smem:$0x3FB1] =	sst s9;
	s0 =	simm.s32 @!p0 $0x0  }
0x12: {  	s1 =	sld [smem:$0x3F97];
	s0 =	simm.s32 @p0 $0x1  }
0x13: {  	[smem:$0x3FB2] =	sst s0;
	s0 =	simm.s32 @!p1 $0x0  }
0x14: {  	s2 =	sld [smem:$0x3F96];
	s0 =	simm.s32 @p1 $0x1  }
0x15: {  	[smem:$0x3FB3] =	sst s0;
	s0 =	simm.s32 @!p2 $0x0  }
0x16: {  	s3 =	sld [smem:$0x3FDB];
	s0 =	simm.s32 @p2 $0x1  }
0x17: {  	s4 =	simm.s32 $0x1BF5;
	[smem:$0x3FB5] =	sst s0  }
0x18: {  	s0 =	sld [smem:$0x3F98];
	_ =	swait.ge [sflag:s4], $0x0  }
0x19: {  	s7 =	sld [smem:$0x3F99]  }
0x1a: {  	s8 =	sadd.s32 $0xFFFFE003, lr  }
0x1b: {  	s9 =	sadd.s32 $0xFFFFFEF7, lr;
	s5 =	simm.s32 $0xFFFFFFFF;
	p2 =	slt.u32 s8, $0xFFFFF086  }
0x1c: {  	p1 =	slt.u32 s9, $0xF7A;
	s5 =	simm.s32 @!p2 $0x0  }
0x1d: {  	s5 =	simm.s32 @p1 $0x1;
	p0 =	seq.s32 s7, s2  }
0x1e: {  	s7 =	smul.u32 @!p0 $0xF7A, s2;
	p2 =	seq.s32 @!p0 s5, $0x0  }
0x1f: {  	s9 =	smul.u32 $0xF7A, s1;
	s8 =	simm.s32 @!p0 $0x1BF5;
	p2 =	por !p2, p0  }
0x20: {  	[sflag:s8] =	ssyncset.s32 @!p0 $0xFFFFF086;
	s6 =	sadd.s32 @!p0 s3, s7;
	s7 =	simm.s32 @!p0 $0x108  }
0x21: {  	s3 =	sadd.s32 s3, s9;
	s6 =	sadd.s32 @!p0 $0x88, s6;
	s7 =	simm.s32 @p2 $0x1082  }
0x22: {  	[simem:s7], [sflag:s8] =	dma.local @!p0 [hbm:s6], $0xF7A  }
0x23: {  	s9 =	sor.u32 $0xD0000000, s2;
	s6 =	simm.s32 $0x108;
	_ =	swait.ge @!p0 [sflag:s8], $0x0  }
0x24: {  	s3 =	sadd.s32 $0x88, s3;
	s6 =	simm.s32 @!p1 $0x1082;
	[sflag:s4] =	ssyncset.s32 $0xFFFFF086  }
0x25: {  	[simem:s6], [sflag:s4] =	dma.local [hbm:s3], $0xF7A  }
0x26: {  	[smem:$0x3F99] =	sst s1;
	(tag) =	ssettag s2;
	_ =	strace s9  }
0x27: {  	s1 =	sld [smem:$0x3FA9]  }
0x28: {  	s2 =	sld [smem:$0x3FAA]  }
0x29: {  	s4 =	sld [smem:$0x3FAC]  }
0x2a: {  	p0 =	seq.s32 s5, $0x0;
	s5 =	sld [smem:$0x3FAD]  }
0x2b: {  	s6 =	sld [smem:$0x3FAE]  }
0x2c: {  	s7 =	sld [smem:$0x3FAF]  }
0x2d: {  	s3 =	simm.s32 $0x108;
	s8 =	sld [smem:$0x3FB0]  }
0x2e: {  	s3 =	simm.s32 @!p0 $0x1082;
	s9 =	sld [smem:$0x3FB1]  }
0x2f: {  	lr =	sadd.s32 s0, s3;
	s0 =	sld [smem:$0x3FA8]  }
0x30: {  	s3 =	sld [smem:$0x3FAB]  }
0x31: {  	[smem:$0x3FB4] =	sst s10  }
0x32: {  	s10 =	sld [smem:$0x3FB2];
	_ =	sdelay $0x3  }
0x33: {  	p0 =	seq.s32 s10, $0x1;
	s10 =	sld [smem:$0x3FB4];
	_ =	sdelay $0x3  }
0x34: {  	[smem:$0x3FB4] =	sst s10  }
0x35: {  	s10 =	sld [smem:$0x3FB3];
	_ =	sdelay $0x3  }
0x36: {  	p1 =	seq.s32 s10, $0x1;
	s10 =	sld [smem:$0x3FB4];
	_ =	sdelay $0x3  }
0x37: {  	[smem:$0x3FB4] =	sst s10  }
0x38: {  	s10 =	sld [smem:$0x3FB5]  }
0x39: {  	_ = 	snop;
	(pc) =	sbr.ind lr, $3  }
0x3a: {  	_ = 	snop  }
0x3b: {  	_ = 	snop  }
0x3c: {  	p2 =	seq.s32 s10, $0x1;
	s10 =	sld [smem:$0x3FB4]  }
0x3d: {  	_ =	shalt  }
0x3e: {  	_ =	shalt  }
0x3f: {  	_ =	shalt  }
0x40: {  	_ =	shalt  }
0x41: {  	_ =	shalt  }
0x42: {  	_ =	shalt  }
0x43: {  	_ =	shalt  }
0x44: {  	_ =	shalt  }
0x45: {  	_ =	shalt  }
0x46: {  	_ =	shalt  }
0x47: {  	_ =	shalt  }
0x48: {  	_ =	shalt  }
0x49: {  	_ =	shalt  }
0x4a: {  	_ =	shalt  }
0x4b: {  	_ =	shalt  }
0x4c: {  	_ =	shalt  }
0x4d: {  	_ =	shalt  }
0x4e: {  	_ =	shalt  }
0x4f: {  	_ =	shalt  }
0x50: {  	_ =	shalt  }
0x51: {  	_ =	shalt  }
0x52: {  	_ =	shalt  }
0x53: {  	_ =	shalt  }
0x54: {  	_ =	shalt  }
0x55: {  	_ =	shalt  }
0x56: {  	_ =	shalt  }
0x57: {  	_ =	shalt  }
0x58: {  	_ =	shalt  }
0x59: {  	_ =	shalt  }
0x5a: {  	_ =	shalt  }
0x5b: {  	_ =	shalt  }
0x5c: {  	_ =	shalt  }
0x5d: {  	_ =	shalt  }
0x5e: {  	_ =	shalt  }
0x5f: {  	_ =	shalt  }
0x60: {  	_ =	shalt  }
0x61: {  	_ =	shalt  }
0x62: {  	_ =	shalt  }
0x63: {  	_ =	shalt  }
0x64: {  	_ =	shalt  }
0x65: {  	_ =	shalt  }
0x66: {  	_ =	shalt  }
0x67: {  	_ =	shalt  }
0x68: {  	_ =	shalt  }
0x69: {  	_ =	shalt  }
0x6a: {  	_ =	shalt  }
0x6b: {  	_ =	shalt  }
0x6c: {  	_ =	shalt  }
0x6d: {  	_ =	shalt  }
0x6e: {  	_ =	shalt  }
0x6f: {  	_ =	shalt  }
0x70: {  	_ =	shalt  }
0x71: {  	_ =	shalt  }
0x72: {  	_ =	shalt  }
0x73: {  	_ =	shalt  }
0x74: {  	_ =	shalt  }
0x75: {  	_ =	shalt  }
0x76: {  	_ =	shalt  }
0x77: {  	_ =	shalt  }
0x78: {  	_ =	shalt  }
0x79: {  	_ =	shalt  }
0x7a: {  	_ =	shalt  }
0x7b: {  	_ =	shalt  }
0x7c: {  	_ =	shalt  }
0x7d: {  	_ =	shalt  }
0x7e: {  	_ =	shalt  }
0x7f: {  	_ =	shalt  }
0x80: {  	_ =	shalt  }
0x81: {  	_ =	shalt  }
0x82: {  	_ =	shalt  }
0x83: {  	_ =	shalt  }
0x84: {  	_ =	shalt  }
0x85: {  	_ =	shalt  }
0x86: {  	_ =	shalt  }
0x87: {  	_ =	shalt  }
.Lfunc_end0:
.L_simem_size_0:
called_computation.1_lowered:
.L_overlay_start_0:
0x88: {  	s2 =	sld [smem:$0x3FD9]  }
0x89: {  	s3 =	sld [smem:$0x3FFE];
	_ =	sdelay $0x1  }
0x8a: {  	s1 =	srdreg.scid  }
0x8b: {  	s0 =	sand.u32 $0x1, s1  }
0x8c: {  	s16 =	sshll.u32 s0, $0xA;
	s2 =	sadd.s32 s3, s2  }
0x8d: {  	s2 =	sadd.s32 s2, s16  }
0x8e: {  	[smem:$0x3FC0] =	sst s2  }
0x8f: {  	_ = 	snop  }
0x90: {  	(tm) =	ssettm $0x1  }
0x91: {  	s17 =	sld [smem:$0x3FFB];
	_ =	sdelay $0x3  }
0x92: {  	_ =	strace s17  }
0x93: {  	s2 =	sld [smem:$0x3FFC];
	_ =	sdelay $0x3  }
0x94: {  	_ =	strace s2  }
0x95: {  	s2 =	sld [smem:$0x3FFD];
	_ =	sdelay $0x3  }
0x96: {  	_ =	strace s2  }
0x97: {  	_ =	strace $0x8FFFFFFF  }
0x98: {  	s18 =	sld [smem:$0x3FDB];
	_ =	sdelay $0x1  }
0x99: {  	s19 =	simm.s32 $_scs_section_size  }
0x9a: {  	s4 =	simm.s32 $_size__tile_overlayer_lowered;
	s5 =	simm.s32 $_tile_overlayer_lowered  }
0x9b: {  	s22 =	simm.s32 $0x1BFF;
	s21 =	sshll.u32 s5, $0x1;
	s2 =	sadd.s32 s19, s18  }
0x9c: {  	s6 =	simm.s32 $0x0;
	s20 =	sshll.u32 s4, $0x1;
	s4 =	sadd.s32 s21, s2  }
0x9d: {  	[timem:s6], [sflag:s22] =	dma.local [hbm:s4], s20  }
0x9e: {  	_ =	swait.ge [sflag:s22], s20  }
0x9f: {  	s3 =	ssub.s32 $0x0, s20;
	[sflag:s22] =	ssyncset.done $0x0  }
0xa0: {  	[sflag:s22] =	ssyncadd.s32 s3;
	_ =	sdelay $0x1  }
0xa1: {  	s23 =	simm.s32 $0x1B8B  }
0xa2: {  	_ =	swait.ge [sflag:s23], $0x1  }
0xa3: {  	[sflag:s23] =	ssyncset.done $0x0  }
0xa4: {  	s25 =	simm.s32 $0x1B8E;
	s24 =	sld [smem:$0x3FFE];
	[sflag:s23] =	ssyncadd.s32 $0xFFFFFFFF  }
0xa5: {  	s26 =	simm.s32 $execute0_lowered;
	[smem:$0x3FD2] =	sst s25  }
0xa6: {  	s4 =	sshll.u32 s26, $0x1;
	_ =	strace $0x80000046;
	[dreg:$0x1] =	wrdreg $0xFFFFFFFF  }
0xa7: {  	s28 =	simm.s32 $_size_execute0_lowered;
	s2 =	sadd.s32 s2, s4;
	[dreg:$0x0] =	wrdreg $0x0  }
0xa8: {  	s4 =	sshll.u32 s28, $0x1;
	[dreg:$0x2] =	wrdreg s2  }
0xa9: {  	[dreg:$0x3] =	wrdreg s4  }
0xaa: {  	[dreg:$0x4] =	wrdreg $0xC0  }
0xab: {  	_ =	task [dreg:s6], $0x5FFFF  }
0xac: {  	[dreg:$0x1] =	wrdreg $0xFFFFFFFF  }
0xad: {  	[dreg:$0x0] =	wrdreg $0x60  }
0xae: {  	[dreg:$0x2] =	wrdreg s24  }
0xaf: {  	[dreg:$0x3] =	wrdreg $0x9  }
0xb0: {  	_ =	task.clear_ibuf [dreg:s6], $0x4FFFF;
	_ =	strace $0x90000046  }
0xb1: {  	s29 =	simm.s32 $0x9;
	_ =	strace $0x80000048  }
0xb2: {  	_ =	swait.ge [sflag:s29], $0x1  }
0xb3: {  	[sflag:s29] =	ssyncadd.s32 $0xFFFFFFFF  }
0xb4: {  	_ =	strace $0x90000048  }
0xb5: {  	_ =	sfence  }
0xb6: {  	s30 =	sld [smem:$0x0];
	_ =	sdelay $0x2  }
0xb7: {  	s31 =	sshll.u32 s1, $0xD;
	s1 =	sshrl.u32 s1, $0x2  }
0xb8: {  	s3 =	sand.u32 $0x4000, s31;
	s1 =	sadd.s32 s1, s30  }
0xb9: {  	s0 =	sor.u32 s3, s0;
	s1 =	sshll.u32 s1, $0x11  }
0xba: {  	s0 =	sor.u32 s1, s0  }
0xbb: {  	s0 =	sadd.s32 $0x8F2B, s0  }
0xbc: {  	[sflag:s0] =	ssyncadd.remote.s32 $0x1  }
0xbd: {  	_ =	sfence.sel $0xFFFF  }
0xbe: {  	[dreg:$0x0] =	wrdreg $0xFFFFFFFF;
	(pc) =	sbr.abs _section_cstart, $3  }
0xbf: {  	[dreg:$0x1] =	wrdreg $0xFFFFFFFF  }
0xc0: {  	_ =	task.clear_ibuf [dreg:s6], $0x2FFFF;
	_ =	strace $0x9FFFFFFF  }
0xc1: {  	(tm) =	ssettm $0x7FFFFFFF  }
tec
execute0_lowered:
.L_overlay_start_1:
0x0: {  	(tag) =	ssettag $0x1  }
0x1: {  	s0 =	srdreg.scid;
	s5 =	rddreg [dreg:$0x0]  }
0x2: {  	s1 =	stileid.u32;
	s6 =	simm.s32 $0x1;
	s9 =	simm.s32 $0x1  }
0x3: {  	s10 =	simm.s32 $0x3;
	s13 =	simm.s32 $0x0;
	s2 =	sshll.u32 s0, $0x7  }
0x4: {  	s12 =	simm.s32 $0x0;
	s3 =	sshll.u32 s1, $0x8;
	s2 =	sand.u32 $0x80, s2  }
0x5: {  	s0 =	rddreg [dreg:$0x1];
	_ =	strace $0x80000047;
	s2 =	sor.u32 s3, s2  }
0x6: {  	s4 =	sadd.s32 $0x40200, s5;
	[sflag:s6] =	ssyncpa.u1 $0x0;
	s8 =	ssub.s32 $0x2000, s2  }
.Ltmp0:
0x7: {  	s3 =	sadd.s32 $0x20000, s5;
	s7 =	sand.u32 $0xF80, s8;
	(pc) =	sbr.rel .LBB2_1-.Ltmp0, $4  }
0x8: {  	s5 =	sadd.s32 $0x40600, s5;
	s11 =	smov.u32 s2;
	p0 =	sne.s32 s7, $0x0  }
0x9: {  	s8 =	sshrl.u32 s8, $0xC;
	s7 =	simm.s32 $0x2;
	s9 =	simm.s32 @!p0 $0x0  }
0xa: {  	[sflag:s7] =	ssyncpa.u1 $0x0;
	p0 =	por $0x0, $0x0;
	s8 =	sadd.s32 s9, s8  }
0xb: {  	vm0 =	vmmov $0xffff;
	[sflag:s10] =	ssyncpa.u1 $0x0;
	s10 =	simm.s32 $0x0;
	s9 =	sadd.s32 $0x1, s8  }
.LBB2_4:
0xc: {  	v5 =	vshrl.u32 v1, $0xD;
	v6 =	vshll.u32 v1, $0x7  }
0xd: {  	vm1 =	veq.s32 v1, $0x80000000;
	v58 =	vand.u32 $0x7, v5;
	v59 =	vand.u32 $0xFFF80, v6  }
0xe: {  	v1 =	vsel vm1, $0xFFFFFFFF, v58;
	v5 =	vsel vm1, $0xFFFFFF80, v59  }
0xf: {  	v3 =	vor.u32 v4, v3;
	v60 =	vand.u32 $0xFFFFFC00, v5;
	v61 =	vand.u32 $0xFFFFFC00, v1  }
0x10: {  	v2 =	vor.u32 v2, v3;
	v63 =	vand.u32 $0x380, v5;
	v62 =	vadd.s32 v61, v60  }
0x11: {  	v1 =	vand.u32 $0x7F, v1;
	v3 =	vor.u32 v63, v62  }
0x12: {  	v1 =	vor.u32 v1, v3  }
0x13: {  	[tilespmem:s15], [sflag:$0x1] =	stream.indirect_vreg.gather [hbm4b:s3+s10], $0x1, v0, vm0, $0x4038;
	[tilespmem:$0x200] =	vst v63  }
0x14: {  	(ifvalue) =	ssetifvalue $0x7FFFFFFF  }
0x15: {  	[tilespmem:s16], [sflag:$0x1] =	stream.indirect_vreg.gather [hbm4b:s3+s10], $0x1, v2, vm0, $0x4038;
	[tilespmem:$0x200] =	vst v63  }
0x16: {  	s29 =	sadd.s32 $0x10, s16;
	(ifvalue) =	ssetifvalue $0x7FFFFFFF  }
0x17: {  	[tilespmem:s29], [sflag:$0x1] =	stream.indirect_vreg.gather [hbm4b:s3+s10], $0x1, v1, vm0, $0x4038;
	[tilespmem:$0x200] =	vst v63  }
0x18: {  	_ =	swait.ge [sflag:s6], $0x80  }
0x19: {  	s30 =	sshrl.u32 s13, $0x3;
	[sflag:s6] =	ssyncset.done $0x0  }
0x1a: {  	s31 =	sand.u32 $0x7, s13;
	s15 =	sadd.s32 s5, s30;
	[sflag:s6] =	ssyncadd.s32 $0xFFFFFF80  }
0x1b: {  	[hbm4b:s15+s31] =	stream.linear.scatter [tilespmem:s14], [sflag:$0x3], $0x80, $0x38;
	[tilespmem:$0x200] =	vst v63  }
.LBB2_5:
0x1c: {  	s15 =	sadd.s32 $0x1000, s11  }
0x1d: {  	p2 =	sgt.s32 s15, $0x1FFF  }
0x1e: {  	s15 =	smov.u32 @p2 s2;
	p2 =	sne.s32 s12, s9  }
.Ltmp1:
0x1f: {  	p1 =	slt.u32 s12, $0x2;
	(pc) =	sbr.rel @!p2 .LBB2_6-.Ltmp1, $4  }
0x20: {  	s14 =	simm.s32 @!p1 $0x3  }
0x21: {  	s16 =	sadd.s32 $0x1, s12;
	_ =	swait.ge @!p1 [sflag:s14], $0x80  }
0x22: {  	s13 =	smov.u32 s11;
	p0 =	por !p0, !p0;
	[sflag:s14] =	ssyncset.done @!p1 $0x0  }
0x23: {  	s12 =	smov.u32 s16;
	s11 =	smov.u32 s15;
	[sflag:s14] =	ssyncadd.s32 @!p1 $0xFFFFFF80  }
.LBB2_1:
0x24: {  	p1 =	sge.u32 s12, s8  }
0x25: {  	s14 =	sxor.u32 @!p1 $0xFFFFFFFF, s12  }
0x26: {  	s31 =	sadd.s32 $0xFFFFFFFF, s12;
	s15 =	sshrl.u32 @!p1 s11, $0x3;
	s14 =	sshll.u32 @!p1 s14, $0x7  }
0x27: {  	s16 =	sand.u32 @!p1 $0x7, s11;
	s15 =	sadd.s32 @!p1 s4, s15;
	s14 =	sand.u32 @!p1 $0x80, s14  }
0x28: {  	[tilespmem:s14], [sflag:$0x2] =	stream.linear.gather @!p1 [hbm4b:s15+s16], $0x80, $0x38;
	[tilespmem:$0x200] =	vst v63  }
0x29: {  	p1 =	sge.u32 s31, s8  }
.Ltmp2:
0x2a: {  	_ = 	snop;
	(pc) =	sbr.rel @p1 .LBB2_5-.Ltmp2, $1  }
0x2b: {  	_ =	sdelay $0x3  }
0x2c: {  	s14 =	simm.s32 $0x1  }
0x2d: {  	_ =	swait.ge [sflag:s7], $0x80;
	s14 =	simm.s32 @!p0 $0x0  }
0x2e: {  	[sflag:s7] =	ssyncset.done $0x0;
	s14 =	sshll.u32 s14, $0x7  }
0x2f: {  	[sflag:s7] =	ssyncadd.s32 $0xFFFFFF80;
	(ifvalue) =	ssetifvalue $0x7FFFFFFF;
	v0 =	vld.msk [tilespmem:s14+$0x0 ss:$0x1], $0xffff;
	_ =	sdelay $0x4  }
0x30: {  	s15 =	sadd.s32 $0x10, s14;
	v2 =	vshrl.u32 v0, $0xD;
	v3 =	vshll.u32 v0, $0x7  }
0x31: {  	v1 =	vld.msk [tilespmem:s15+$0x0 ss:$0x1], $0xffff;
	vm1 =	veq.s32 v0, $0x80000000;
	v0 =	vand.u32 $0x7, v2;
	v2 =	vand.u32 $0xFFF80, v3  }
0x32: {  	v0 =	vsel vm1, $0xFFFFFFFF, v0;
	v2 =	vsel vm1, $0xFFFFFF80, v2  }
0x33: {  	v3 =	vand.u32 $0xFFFFFC00, v2;
	v4 =	vand.u32 $0xFFFFFC00, v0  }
0x34: {  	v2 =	vand.u32 $0x380, v2;
	v3 =	vadd.s32 v4, v3  }
0x35: {  	v0 =	vand.u32 $0x7F, v0;
	v2 =	vor.u32 v2, v3  }
0x36: {  	v5 =	vshll.u32 v1, $0x7;
	v4 =	vshrl.u32 v1, $0xD;
	v0 =	vor.u32 v0, v2  }
0x37: {  	s16 =	sshll.u32 s12, $0x7;
	vm1 =	veq.s32 v1, $0x80000000;
	v1 =	vand.u32 $0x7, v4;
	v4 =	vand.u32 $0xFFF80, v5  }
0x38: {  	s16 =	sand.u32 $0x80, s16;
	s18 =	sadd.s32 $0x10, s15;
	v3 =	vsel vm1, $0xFFFFFFFF, v1;
	v4 =	vsel vm1, $0xFFFFFF80, v4  }
0x39: {  	s17 =	simm.s32 $0x20;
	s15 =	sor.u32 $0x100, s14;
	s14 =	sor.u32 $0x100, s16;
	v1 =	vld.msk [tilespmem:s18+$0x0 ss:$0x1], $0xffff;
	v5 =	vand.u32 $0xFFFFFC00, v4;
	v6 =	vand.u32 $0xFFFFFC00, v3  }
0x3a: {  	s16 =	sadd.s32 $0x10, s15;
	s18 =	sadd.s32 $0x10, s18;
	(ifvalue) =	ssetifvalue $0x7FFFFFFF;
	v2 =	vand.u32 $0x7F, v3;
	v4 =	vand.u32 $0x380, v4;
	v3 =	vadd.s32 v6, v5  }
.LBB2_3:
0x3b: {  	[tilespmem:s15], [sflag:$0x1] =	stream.indirect_vreg.gather [hbm4b:s3+s10], $0x1, v0, vm0, $0x4038;
	[tilespmem:$0x200] =	vst v63  }
0x3c: {  	s17 =	sadd.s32 $0x10, s17  }
0x3d: {  	v3 =	vor.u32 v4, v3;
	p1 =	slt.u32 s17, $0x70  }
.Ltmp3:
0x3e: {  	v4 =	vshrl.u32 v1, $0xD;
	v5 =	vshll.u32 v1, $0x7;
	s15 =	smov.u32 s16;
	v0 =	vor.u32 v2, v3;
	v2 =	vmovc v1;
	v1 =	vld.msk [tilespmem:s18+$0x0 ss:$0x1], $0xffff;
	(pc) =	sbr.rel @p1 .LBB2_3-.Ltmp3, $4  }
0x3f: {  	v3 =	vand.u32 $0xFFF80, v5;
	vm1 =	veq.s32 v2, $0x80000000;
	v2 =	vand.u32 $0x7, v4  }
0x40: {  	v4 =	vsel vm1, $0xFFFFFFFF, v2;
	v5 =	vsel vm1, $0xFFFFFF80, v3  }
0x41: {  	v2 =	vand.u32 $0x7F, v4;
	v3 =	vand.u32 $0xFFFFFC00, v5;
	v4 =	vand.u32 $0xFFFFFC00, v4  }
0x42: {  	s16 =	sadd.s32 $0x10, s16;
	s18 =	sadd.s32 $0x10, s18;
	v3 =	vadd.s32 v4, v3;
	v4 =	vand.u32 $0x380, v5;
	(ifvalue) =	ssetifvalue $0x7FFFFFFF  }
.Ltmp4:
0x43: {  	_ = 	snop;
	(pc) =	sbr.rel .LBB2_4-.Ltmp4, $1  }
0x44: {  	_ =	sdelay $0x3  }
.LBB2_6:
0x45: {  	_ =	sfence.sel $0x180000  }
0x46: {  	s2 =	simm.s32 $0x2;
	[bflag:$0x0] =	sbarrier.arrive $0xFFFF  }
0x47: {  	s30 =	simm.s32 $0x3;
	[sflag:s2] =	ssyncpa.u1 $0x1  }
0x48: {  	s31 =	simm.s32 $0x1;
	[sflag:s30] =	ssyncpa.u1 $0x1  }
0x49: {  	[sflag:s31] =	ssyncpa.u1 $0x1  }
0x4a: {  	p0 =	sne.s32 s1, $0x0;
	_ =	strace $0x90000047  }
0x4b: {  	s0 =	sadd.s32 @!p0 $0x100000, s0;
	[bflag:$0x2] =	sbarrier.arrive $0xFFFF  }
0x4c: {  	[sflag:s0] =	ssyncadd.tile.s32 @!p0 $0x1;
	_ =	shalt  }
.Lfunc_end2:
_tile_overlayer_lowered:
.L_overlay_start_2:
0x4d: {  	(tag) =	ssettag $0x2  }
0x4e: {  	s0 =	rddreg [dreg:$0x0];
	s2 =	stileid.u32  }
0x4f: {  	s1 =	rddreg [dreg:$0x1];
	p0 =	sne.s32 s2, $0x0  }
0x50: {  	s3 =	rddreg [dreg:$0x2];
	[bflag:$0x3] =	sbarrier.arrive $0xFFFF;
	s2 =	simm.s32 @!p0 $0x1C01  }
0x51: {  	[timem:s3], [sflag:s2] =	dma.local @!p0 [hbm:s0], s1  }
0x52: {  	s0 =	simm.s32 @!p0 $0x1  }
0x53: {  	_ =	swait.ge @!p0 [sflag:s0], s1  }
0x54: {  	s1 =	ssub.s32 @!p0 $0x0, s1;
	[sflag:s0] =	ssyncset.done @!p0 $0x0  }
0x55: {  	[sflag:s0] =	ssyncadd.s32 @!p0 s1  }
0x56: {  	[bflag:$0x3] =	sbarrier.arrive $0xFFFF  }
0x57: {  	_ =	shalt  }

// kernel: kernel.11.cloned.1.call-start
scs
__scs_entry_jumppad:
0x0: {  	(pc) =	sbr.rel $0x88, $3  }
0x1: {  	(tag) =	ssettag $0x0;
	lr =	simm.s32 $0x1  }
0x2: {  	[smem:$0x3F99] =	sst lr;
	_ =	strace $0xD0000000  }
0x3: {  	_ = 	snop  }
0x4: {  	_ = 	snop  }
0x5: {  	_ = 	snop  }
0x6: {  	_ = 	snop  }
0x7: {  	_ = 	snop  }
__scs_overlays_trampoline_lowered:
0x8: {  	[smem:$0x3FA8] =	sst s0  }
0x9: {  	[smem:$0x3FA9] =	sst s1  }
0xa: {  	[smem:$0x3FAA] =	sst s2  }
0xb: {  	[smem:$0x3FAB] =	sst s3  }
0xc: {  	[smem:$0x3FAC] =	sst s4  }
0xd: {  	[smem:$0x3FAD] =	sst s5  }
0xe: {  	[smem:$0x3FAE] =	sst s6  }
0xf: {  	[smem:$0x3FAF] =	sst s7  }
0x10: {  	[smem:$0x3FB0] =	sst s8  }
0x11: {  	[smem:$0x3FB1] =	sst s9;
	s0 =	simm.s32 @!p0 $0x0  }
0x12: {  	s1 =	sld [smem:$0x3F97];
	s0 =	simm.s32 @p0 $0x1  }
0x13: {  	[smem:$0x3FB2] =	sst s0;
	s0 =	simm.s32 @!p1 $0x0  }
0x14: {  	s2 =	sld [smem:$0x3F96];
	s0 =	simm.s32 @p1 $0x1  }
0x15: {  	[smem:$0x3FB3] =	sst s0;
	s0 =	simm.s32 @!p2 $0x0  }
0x16: {  	s3 =	sld [smem:$0x3FDB];
	s0 =	simm.s32 @p2 $0x1  }
0x17: {  	s4 =	simm.s32 $0x1BF5;
	[smem:$0x3FB5] =	sst s0  }
0x18: {  	s0 =	sld [smem:$0x3F98];
	_ =	swait.ge [sflag:s4], $0x0  }
0x19: {  	s7 =	sld [smem:$0x3F99]  }
0x1a: {  	s8 =	sadd.s32 $0xFFFFE003, lr  }
0x1b: {  	s9 =	sadd.s32 $0xFFFFFEF7, lr;
	s5 =	simm.s32 $0xFFFFFFFF;
	p2 =	slt.u32 s8, $0xFFFFF086  }
0x1c: {  	p1 =	slt.u32 s9, $0xF7A;
	s5 =	simm.s32 @!p2 $0x0  }
0x1d: {  	s5 =	simm.s32 @p1 $0x1;
	p0 =	seq.s32 s7, s2  }
0x1e: {  	s7 =	smul.u32 @!p0 $0xF7A, s2;
	p2 =	seq.s32 @!p0 s5, $0x0  }
0x1f: {  	s9 =	smul.u32 $0xF7A, s1;
	s8 =	simm.s32 @!p0 $0x1BF5;
	p2 =	por !p2, p0  }
0x20: {  	[sflag:s8] =	ssyncset.s32 @!p0 $0xFFFFF086;
	s6 =	sadd.s32 @!p0 s3, s7;
	s7 =	simm.s32 @!p0 $0x108  }
0x21: {  	s3 =	sadd.s32 s3, s9;
	s6 =	sadd.s32 @!p0 $0x88, s6;
	s7 =	simm.s32 @p2 $0x1082  }
0x22: {  	[simem:s7], [sflag:s8] =	dma.local @!p0 [hbm:s6], $0xF7A  }
0x23: {  	s9 =	sor.u32 $0xD0000000, s2;
	s6 =	simm.s32 $0x108;
	_ =	swait.ge @!p0 [sflag:s8], $0x0  }
0x24: {  	s3 =	sadd.s32 $0x88, s3;
	s6 =	simm.s32 @!p1 $0x1082;
	[sflag:s4] =	ssyncset.s32 $0xFFFFF086  }
0x25: {  	[simem:s6], [sflag:s4] =	dma.local [hbm:s3], $0xF7A  }
0x26: {  	[smem:$0x3F99] =	sst s1;
	(tag) =	ssettag s2;
	_ =	strace s9  }
0x27: {  	s1 =	sld [smem:$0x3FA9]  }
0x28: {  	s2 =	sld [smem:$0x3FAA]  }
0x29: {  	s4 =	sld [smem:$0x3FAC]  }
0x2a: {  	p0 =	seq.s32 s5, $0x0;
	s5 =	sld [smem:$0x3FAD]  }
0x2b: {  	s6 =	sld [smem:$0x3FAE]  }
0x2c: {  	s7 =	sld [smem:$0x3FAF]  }
0x2d: {  	s3 =	simm.s32 $0x108;
	s8 =	sld [smem:$0x3FB0]  }
0x2e: {  	s3 =	simm.s32 @!p0 $0x1082;
	s9 =	sld [smem:$0x3FB1]  }
0x2f: {  	lr =	sadd.s32 s0, s3;
	s0 =	sld [smem:$0x3FA8]  }
0x30: {  	s3 =	sld [smem:$0x3FAB]  }
0x31: {  	[smem:$0x3FB4] =	sst s10  }
0x32: {  	s10 =	sld [smem:$0x3FB2];
	_ =	sdelay $0x3  }
0x33: {  	p0 =	seq.s32 s10, $0x1;
	s10 =	sld [smem:$0x3FB4];
	_ =	sdelay $0x3  }
0x34: {  	[smem:$0x3FB4] =	sst s10  }
0x35: {  	s10 =	sld [smem:$0x3FB3];
	_ =	sdelay $0x3  }
0x36: {  	p1 =	seq.s32 s10, $0x1;
	s10 =	sld [smem:$0x3FB4];
	_ =	sdelay $0x3  }
0x37: {  	[smem:$0x3FB4] =	sst s10  }
0x38: {  	s10 =	sld [smem:$0x3FB5]  }
0x39: {  	_ = 	snop;
	(pc) =	sbr.ind lr, $3  }
0x3a: {  	_ = 	snop  }
0x3b: {  	_ = 	snop  }
0x3c: {  	p2 =	seq.s32 s10, $0x1;
	s10 =	sld [smem:$0x3FB4]  }
0x3d: {  	_ =	shalt  }
0x3e: {  	_ =	shalt  }
0x3f: {  	_ =	shalt  }
0x40: {  	_ =	shalt  }
0x41: {  	_ =	shalt  }
0x42: {  	_ =	shalt  }
0x43: {  	_ =	shalt  }
0x44: {  	_ =	shalt  }
0x45: {  	_ =	shalt  }
0x46: {  	_ =	shalt  }
0x47: {  	_ =	shalt  }
0x48: {  	_ =	shalt  }
0x49: {  	_ =	shalt  }
0x4a: {  	_ =	shalt  }
0x4b: {  	_ =	shalt  }
0x4c: {  	_ =	shalt  }
0x4d: {  	_ =	shalt  }
0x4e: {  	_ =	shalt  }
0x4f: {  	_ =	shalt  }
0x50: {  	_ =	shalt  }
0x51: {  	_ =	shalt  }
0x52: {  	_ =	shalt  }
0x53: {  	_ =	shalt  }
0x54: {  	_ =	shalt  }
0x55: {  	_ =	shalt  }
0x56: {  	_ =	shalt  }
0x57: {  	_ =	shalt  }
0x58: {  	_ =	shalt  }
0x59: {  	_ =	shalt  }
0x5a: {  	_ =	shalt  }
0x5b: {  	_ =	shalt  }
0x5c: {  	_ =	shalt  }
0x5d: {  	_ =	shalt  }
0x5e: {  	_ =	shalt  }
0x5f: {  	_ =	shalt  }
0x60: {  	_ =	shalt  }
0x61: {  	_ =	shalt  }
0x62: {  	_ =	shalt  }
0x63: {  	_ =	shalt  }
0x64: {  	_ =	shalt  }
0x65: {  	_ =	shalt  }
0x66: {  	_ =	shalt  }
0x67: {  	_ =	shalt  }
0x68: {  	_ =	shalt  }
0x69: {  	_ =	shalt  }
0x6a: {  	_ =	shalt  }
0x6b: {  	_ =	shalt  }
0x6c: {  	_ =	shalt  }
0x6d: {  	_ =	shalt  }
0x6e: {  	_ =	shalt  }
0x6f: {  	_ =	shalt  }
0x70: {  	_ =	shalt  }
0x71: {  	_ =	shalt  }
0x72: {  	_ =	shalt  }
0x73: {  	_ =	shalt  }
0x74: {  	_ =	shalt  }
0x75: {  	_ =	shalt  }
0x76: {  	_ =	shalt  }
0x77: {  	_ =	shalt  }
0x78: {  	_ =	shalt  }
0x79: {  	_ =	shalt  }
0x7a: {  	_ =	shalt  }
0x7b: {  	_ =	shalt  }
0x7c: {  	_ =	shalt  }
0x7d: {  	_ =	shalt  }
0x7e: {  	_ =	shalt  }
0x7f: {  	_ =	shalt  }
0x80: {  	_ =	shalt  }
0x81: {  	_ =	shalt  }
0x82: {  	_ =	shalt  }
0x83: {  	_ =	shalt  }
0x84: {  	_ =	shalt  }
0x85: {  	_ =	shalt  }
0x86: {  	_ =	shalt  }
0x87: {  	_ =	shalt  }
.Lfunc_end0:
.L_simem_size_0:
called_computation.3_lowered:
.L_overlay_start_0:
0x88: {  	s2 =	sld [smem:$0x3FD9]  }
0x89: {  	s3 =	sld [smem:$0x3FFE];
	_ =	sdelay $0x1  }
0x8a: {  	s1 =	srdreg.scid  }
0x8b: {  	s0 =	sand.u32 $0x1, s1  }
0x8c: {  	s16 =	sshll.u32 s0, $0xA;
	s2 =	sadd.s32 s3, s2  }
0x8d: {  	s2 =	sadd.s32 s2, s16  }
0x8e: {  	[smem:$0x3FC0] =	sst s2  }
0x8f: {  	_ = 	snop  }
0x90: {  	(tm) =	ssettm $0x1  }
0x91: {  	s17 =	sld [smem:$0x3FFB];
	_ =	sdelay $0x3  }
0x92: {  	_ =	strace s17  }
0x93: {  	s2 =	sld [smem:$0x3FFC];
	_ =	sdelay $0x3  }
0x94: {  	_ =	strace s2  }
0x95: {  	s2 =	sld [smem:$0x3FFD];
	_ =	sdelay $0x3  }
0x96: {  	_ =	strace s2  }
0x97: {  	_ =	strace $0x8FFFFFFF  }
0x98: {  	s18 =	sld [smem:$0x3FDB];
	_ =	sdelay $0x1  }
0x99: {  	s19 =	simm.s32 $_scs_section_size  }
0x9a: {  	s4 =	simm.s32 $_size__tile_overlayer_lowered;
	s5 =	simm.s32 $_tile_overlayer_lowered  }
0x9b: {  	s22 =	simm.s32 $0x1BFF;
	s21 =	sshll.u32 s5, $0x1;
	s2 =	sadd.s32 s19, s18  }
0x9c: {  	s6 =	simm.s32 $0x0;
	s20 =	sshll.u32 s4, $0x1;
	s4 =	sadd.s32 s21, s2  }
0x9d: {  	[timem:s6], [sflag:s22] =	dma.local [hbm:s4], s20  }
0x9e: {  	_ =	swait.ge [sflag:s22], s20  }
0x9f: {  	s3 =	ssub.s32 $0x0, s20;
	[sflag:s22] =	ssyncset.done $0x0  }
0xa0: {  	[sflag:s22] =	ssyncadd.s32 s3;
	_ =	sdelay $0x1  }
0xa1: {  	s23 =	simm.s32 $0x1B8B  }
0xa2: {  	_ =	swait.ge [sflag:s23], $0x1  }
0xa3: {  	[sflag:s23] =	ssyncset.done $0x0  }
0xa4: {  	s25 =	simm.s32 $0x1B8E;
	s24 =	sld [smem:$0x3FFE];
	[sflag:s23] =	ssyncadd.s32 $0xFFFFFFFF  }
0xa5: {  	s26 =	simm.s32 $execute0_lowered;
	[smem:$0x3FD2] =	sst s25  }
0xa6: {  	s4 =	sshll.u32 s26, $0x1;
	_ =	strace $0x8000004F;
	[dreg:$0x1] =	wrdreg $0xFFFFFFFF  }
0xa7: {  	s28 =	simm.s32 $_size_execute0_lowered;
	s2 =	sadd.s32 s2, s4;
	[dreg:$0x0] =	wrdreg $0x0  }
0xa8: {  	s4 =	sshll.u32 s28, $0x1;
	[dreg:$0x2] =	wrdreg s2  }
0xa9: {  	[dreg:$0x3] =	wrdreg s4  }
0xaa: {  	[dreg:$0x4] =	wrdreg $0xC0  }
0xab: {  	_ =	task [dreg:s6], $0x5FFFF  }
0xac: {  	[dreg:$0x1] =	wrdreg $0xFFFFFFFF  }
0xad: {  	[dreg:$0x0] =	wrdreg $0x60  }
0xae: {  	[dreg:$0x2] =	wrdreg s24  }
0xaf: {  	[dreg:$0x3] =	wrdreg $0x9  }
0xb0: {  	_ =	task.clear_ibuf [dreg:s6], $0x4FFFF;
	_ =	strace $0x9000004F  }
0xb1: {  	s29 =	simm.s32 $0x9;
	_ =	strace $0x80000051  }
0xb2: {  	_ =	swait.ge [sflag:s29], $0x1  }
0xb3: {  	[sflag:s29] =	ssyncadd.s32 $0xFFFFFFFF  }
0xb4: {  	_ =	strace $0x90000051  }
0xb5: {  	_ =	sfence  }
0xb6: {  	s30 =	sld [smem:$0x0];
	_ =	sdelay $0x2  }
0xb7: {  	s31 =	sshll.u32 s1, $0xD;
	s1 =	sshrl.u32 s1, $0x2  }
0xb8: {  	s3 =	sand.u32 $0x4000, s31;
	s1 =	sadd.s32 s1, s30  }
0xb9: {  	s0 =	sor.u32 s3, s0;
	s1 =	sshll.u32 s1, $0x11  }
0xba: {  	s0 =	sor.u32 s1, s0  }
0xbb: {  	s0 =	sadd.s32 $0x8F2B, s0  }
0xbc: {  	[sflag:s0] =	ssyncadd.remote.s32 $0x1  }
0xbd: {  	_ =	sfence.sel $0xFFFF  }
0xbe: {  	[dreg:$0x0] =	wrdreg $0xFFFFFFFF;
	(pc) =	sbr.abs _section_cstart, $3  }
0xbf: {  	[dreg:$0x1] =	wrdreg $0xFFFFFFFF  }
0xc0: {  	_ =	task.clear_ibuf [dreg:s6], $0x2FFFF;
	_ =	strace $0x9FFFFFFF  }
0xc1: {  	(tm) =	ssettm $0x7FFFFFFF  }
tec
execute0_lowered:
.L_overlay_start_1:
0x0: {  	(tag) =	ssettag $0x1  }
0x1: {  	s0 =	rddreg [dreg:$0x0]  }
0x2: {  	s1 =	srdreg.scid;
	s2 =	simm.s32 $0x0;
	s3 =	stileid.u32  }
0x3: {  	s31 =	simm.s32 $0x100;
	s1 =	sand.u32 $0x1, s1;
	[smem:$0x7FF] =	sst s2  }
0x4: {  	s5 =	sshll.u32 s3, $0x8;
	s3 =	sadd.s32 $0x40600, s0;
	s8 =	sadd.s32 $0x180600, s0  }
0x5: {  	s4 =	sshll.u32 s1, $0xC;
	_ =	strace $0x80000050;
	s1 =	ssub.s32 $0x2, s1  }
0x6: {  	s4 =	sor.u32 s5, s4;
	s5 =	sadd.s32 $0x40200, s0;
	s15 =	sshrl.u32 s1, $0x1  }
0x7: {  	s6 =	sshrl.u32 s4, $0x3;
	s7 =	sor.u32 $0x20, s4;
	s24 =	sshll.u32 s4, $0x7  }
0x8: {  	s26 =	sor.u32 $0x40, s4;
	s10 =	sor.u32 $0x60, s4;
	s14 =	sor.u32 $0x80, s4  }
0x9: {  	s21 =	sor.u32 $0xC0, s4;
	s1 =	ssub.s32 s1, s15;
	s6 =	sadd.s32 s5, s6  }
0xa: {  	s9 =	sshrl.u32 s7, $0x3;
	s25 =	sadd.s32 s8, s24;
	s28 =	sshrl.u32 s26, $0x3  }
0xb: {  	s7 =	sshll.u32 s7, $0x7;
	s30 =	sshrl.u32 s10, $0x3;
	s12 =	sshll.u32 s26, $0x7  }
0xc: {  	s16 =	sshrl.u32 s14, $0x3;
	s10 =	sshll.u32 s10, $0x7;
	[dreg:$0x2] =	wrdreg s6  }
0xd: {  	s22 =	sshrl.u32 s21, $0x3;
	s23 =	sadd.s32 s5, s9;
	[dreg:$0x4] =	wrdreg s25  }
0xe: {  	s26 =	sshll.u32 s21, $0x7;
	s6 =	sadd.s32 s5, s28;
	[dreg:$0x3] =	wrdreg s23  }
0xf: {  	s21 =	simm.s32 $0x2;
	s29 =	sadd.s32 s8, s7;
	[dreg:$0x5] =	wrdreg s6  }
0x10: {  	s11 =	sadd.s32 s5, s30;
	s13 =	sadd.s32 s8, s12;
	[dreg:$0x6] =	wrdreg s29  }
0x11: {  	s17 =	sadd.s32 s8, s10;
	s7 =	sshll.u32 s14, $0x7;
	[dreg:$0x7] =	wrdreg s11  }
0x12: {  	s28 =	sadd.s32 s8, s26;
	s26 =	simm.s32 $0x8100;
	[dreg:$0x8] =	wrdreg s13  }
0x13: {  	s6 =	sadd.s32 s5, s16;
	s11 =	sor.u32 $0xA0, s4;
	[dreg:$0xa] =	wrdreg s17  }
0x14: {  	s20 =	sadd.s32 s8, s7;
	s4 =	sor.u32 $0xE0, s4;
	[dreg:$0x10] =	wrdreg s28  }
0x15: {  	s7 =	smax.u32 s1, $0x1;
	[dreg:$0x9] =	wrdreg s6;
	s18 =	sshrl.u32 s11, $0x3  }
0x16: {  	[dreg:$0xc] =	wrdreg s20;
	s6 =	sadd.s32 s5, s22;
	s23 =	sshll.u32 s11, $0x7  }
0x17: {  	s25 =	sshrl.u32 s4, $0x3;
	s29 =	sshll.u32 s4, $0x7;
	s4 =	sadd.s32 $0x40700, s0  }
0x18: {  	s20 =	simm.s32 $0x3;
	s19 =	sadd.s32 s5, s18;
	[dreg:$0xd] =	wrdreg s6  }
0x19: {  	s22 =	simm.s32 $0x4;
	s24 =	sadd.s32 s8, s23;
	[dreg:$0xb] =	wrdreg s19  }
0x1a: {  	v2 =	vlaneseq.u32;
	s5 =	sadd.s32 s5, s25;
	s30 =	sadd.s32 s8, s29;
	[dreg:$0xe] =	wrdreg s24  }
0x1b: {  	vm0 =	vmmov $0xffff;
	v1 =	vshrl.u32 v2, $0x3;
	s6 =	sadd.s32 $0x40900, s0;
	s8 =	simm.s32 $0x5;
	[dreg:$0xf] =	wrdreg s5  }
0x1c: {  	v0 =	vand.u32 $0x7, v2;
	v2 =	vor.u32 $0x8, v2;
	v1 =	vmul.u32 $0x8, v1;
	s5 =	sadd.s32 $0x40800, s0;
	[dreg:$0x11] =	wrdreg s30;
	s19 =	simm.s32 $0x1  }
.LBB2_1:
0x1d: {  	s23 =	rddreg [dreg:$0x2]  }
0x1e: {  	[tilespmem:s2], [sflag:$0x5] =	stream.linear.gather [hbm4b:s23+s2], $0x20, $0x38;
	[tilespmem:$0x10100] =	vst v63  }
0x1f: {  	_ =	swait.ge [sflag:s8], $0x20  }
0x20: {  	[sflag:s8] =	ssyncset.done $0x0  }
0x21: {  	[sflag:s8] =	ssyncadd.s32 $0xFFFFFFE0  }
0x22: {  	v3 =	vld [tilespmem:$0x0];
	_ =	sdelay $0x4  }
0x23: {  	v4 =	vshll.u32 v3, $0x3  }
0x24: {  	v3 =	vand.u32 $0x7, v3;
	v4 =	vand.u32 $0xFFFFFFC0, v4  }
0x25: {  	v3 =	vor.u32 v3, v4  }
0x26: {  	v4 =	vperm.xlane v3, v0;
	_ =	sdelay $0x1  }
0x27: {  	v4 =	vadd.s32 v1, v4;
	_ =	sdelay $0x4  }
0x28: {  	[tilespmem:s31], [sflag:$0x1] =	stream.indirect_vreg.gather [hbm4b:s3+s2], $0x80, v4, vm0, $0xb8;
	[tilespmem:$0x10100] =	vst v63  }
0x29: {  	s0 =	simm.s32 $0x900;
	v3 =	vperm.xlane v3, v2  }
0x2a: {  	[tilespmem:s0], [sflag:$0x1] =	stream.indirect_vreg.gather [hbm4b:s4+s2], $0x80, v4, vm0, $0xb8;
	[tilespmem:$0x10100] =	vst v63  }
0x2b: {  	s10 =	simm.s32 $0x1100;
	v3 =	vadd.s32 v1, v3  }
0x2c: {  	[tilespmem:s10], [sflag:$0x1] =	stream.indirect_vreg.gather [hbm4b:s5+s2], $0x80, v4, vm0, $0xb8;
	[tilespmem:$0x10100] =	vst v63  }
0x2d: {  	s11 =	simm.s32 $0x1900  }
0x2e: {  	[tilespmem:s11], [sflag:$0x1] =	stream.indirect_vreg.gather [hbm4b:s6+s2], $0x80, v4, vm0, $0xb8;
	[tilespmem:$0x10100] =	vst v63  }
0x2f: {  	s12 =	simm.s32 $0x2100  }
0x30: {  	[tilespmem:s12], [sflag:$0x1] =	stream.indirect_vreg.gather [hbm4b:s3+s2], $0x80, v3, vm0, $0xb8;
	[tilespmem:$0x10100] =	vst v63  }
0x31: {  	s13 =	simm.s32 $0x2900  }
0x32: {  	[tilespmem:s13], [sflag:$0x1] =	stream.indirect_vreg.gather [hbm4b:s4+s2], $0x80, v3, vm0, $0xb8;
	[tilespmem:$0x10100] =	vst v63  }
0x33: {  	s14 =	simm.s32 $0x3100  }
0x34: {  	[tilespmem:s14], [sflag:$0x1] =	stream.indirect_vreg.gather [hbm4b:s5+s2], $0x80, v3, vm0, $0xb8;
	[tilespmem:$0x10100] =	vst v63  }
0x35: {  	s15 =	simm.s32 $0x3900  }
0x36: {  	[tilespmem:s15], [sflag:$0x1] =	stream.indirect_vreg.gather [hbm4b:s6+s2], $0x80, v3, vm0, $0xb8;
	[tilespmem:$0x10100] =	vst v63  }
0x37: {  	v3 =	vld [tilespmem:$0x10];
	_ =	sdelay $0x4  }
0x38: {  	v49 =	vshll.u32 v3, $0x3  }
0x39: {  	v3 =	vand.u32 $0x7, v3;
	v4 =	vand.u32 $0xFFFFFFC0, v49  }
0x3a: {  	v3 =	vor.u32 v3, v4  }
0x3b: {  	v4 =	vperm.xlane v3, v0;
	_ =	sdelay $0x1  }
0x3c: {  	v4 =	vadd.s32 v1, v4;
	_ =	sdelay $0x3  }
0x3d: {  	s16 =	simm.s32 $0x4100  }
0x3e: {  	[tilespmem:s16], [sflag:$0x1] =	stream.indirect_vreg.gather [hbm4b:s3+s2], $0x80, v4, vm0, $0xb8;
	[tilespmem:$0x10100] =	vst v63  }
0x3f: {  	s17 =	simm.s32 $0x4900;
	v3 =	vperm.xlane v3, v2  }
0x40: {  	[tilespmem:s17], [sflag:$0x1] =	stream.indirect_vreg.gather [hbm4b:s4+s2], $0x80, v4, vm0, $0xb8;
	[tilespmem:$0x10100] =	vst v63  }
0x41: {  	s18 =	simm.s32 $0x5100;
	v3 =	vadd.s32 v1, v3  }
0x42: {  	[tilespmem:s18], [sflag:$0x1] =	stream.indirect_vreg.gather [hbm4b:s5+s2], $0x80, v4, vm0, $0xb8;
	[tilespmem:$0x10100] =	vst v63  }
0x43: {  	s23 =	simm.s32 $0x5900  }
0x44: {  	[tilespmem:s23], [sflag:$0x1] =	stream.indirect_vreg.gather [hbm4b:s6+s2], $0x80, v4, vm0, $0xb8;
	[tilespmem:$0x10100] =	vst v63  }
0x45: {  	s24 =	simm.s32 $0x6100  }
0x46: {  	[tilespmem:s24], [sflag:$0x1] =	stream.indirect_vreg.gather [hbm4b:s3+s2], $0x80, v3, vm0, $0xb8;
	[tilespmem:$0x10100] =	vst v63  }
0x47: {  	s25 =	simm.s32 $0x6900  }
0x48: {  	[tilespmem:s25], [sflag:$0x1] =	stream.indirect_vreg.gather [hbm4b:s4+s2], $0x80, v3, vm0, $0xb8;
	[tilespmem:$0x10100] =	vst v63  }
0x49: {  	s28 =	simm.s32 $0x7100  }
0x4a: {  	[tilespmem:s28], [sflag:$0x1] =	stream.indirect_vreg.gather [hbm4b:s5+s2], $0x80, v3, vm0, $0xb8;
	[tilespmem:$0x10100] =	vst v63  }
0x4b: {  	s30 =	simm.s32 $0x7900  }
0x4c: {  	[tilespmem:s30], [sflag:$0x1] =	stream.indirect_vreg.gather [hbm4b:s6+s2], $0x80, v3, vm0, $0xb8;
	[tilespmem:$0x10100] =	vst v63  }
0x4d: {  	s9 =	simm.s32 $0x80;
	s29 =	rddreg [dreg:$0x3]  }
0x4e: {  	[tilespmem:s9], [sflag:$0x5] =	stream.linear.gather [hbm4b:s29+s2], $0x20, $0x38;
	[tilespmem:$0x10100] =	vst v63  }
0x4f: {  	_ =	swait.ge [sflag:s8], $0x20  }
0x50: {  	[sflag:s8] =	ssyncset.done $0x0  }
0x51: {  	[sflag:s8] =	ssyncadd.s32 $0xFFFFFFE0  }
0x52: {  	v3 =	vld [tilespmem:$0x80];
	_ =	sdelay $0x4  }
0x53: {  	v50 =	vshll.u32 v3, $0x3  }
0x54: {  	v3 =	vand.u32 $0x7, v3;
	v4 =	vand.u32 $0xFFFFFFC0, v50  }
0x55: {  	v3 =	vor.u32 v3, v4  }
0x56: {  	v4 =	vperm.xlane v3, v0;
	_ =	sdelay $0x1  }
0x57: {  	v4 =	vadd.s32 v1, v4;
	_ =	sdelay $0x4  }
0x58: {  	[tilespmem:s26], [sflag:$0x2] =	stream.indirect_vreg.gather [hbm4b:s3+s2], $0x80, v4, vm0, $0xb8;
	[tilespmem:$0x10100] =	vst v63  }
0x59: {  	s10 =	simm.s32 $0x8900;
	v3 =	vperm.xlane v3, v2  }
0x5a: {  	[tilespmem:s10], [sflag:$0x2] =	stream.indirect_vreg.gather [hbm4b:s4+s2], $0x80, v4, vm0, $0xb8;
	[tilespmem:$0x10100] =	vst v63  }
0x5b: {  	s11 =	simm.s32 $0x9100;
	v3 =	vadd.s32 v1, v3  }
0x5c: {  	[tilespmem:s11], [sflag:$0x2] =	stream.indirect_vreg.gather [hbm4b:s5+s2], $0x80, v4, vm0, $0xb8;
	[tilespmem:$0x10100] =	vst v63  }
0x5d: {  	s15 =	simm.s32 $0x9900  }
0x5e: {  	[tilespmem:s15], [sflag:$0x2] =	stream.indirect_vreg.gather [hbm4b:s6+s2], $0x80, v4, vm0, $0xb8;
	[tilespmem:$0x10100] =	vst v63  }
0x5f: {  	s16 =	simm.s32 $0xA100  }
0x60: {  	[tilespmem:s16], [sflag:$0x2] =	stream.indirect_vreg.gather [hbm4b:s3+s2], $0x80, v3, vm0, $0xb8;
	[tilespmem:$0x10100] =	vst v63  }
0x61: {  	s17 =	simm.s32 $0xA900  }
0x62: {  	[tilespmem:s17], [sflag:$0x2] =	stream.indirect_vreg.gather [hbm4b:s4+s2], $0x80, v3, vm0, $0xb8;
	[tilespmem:$0x10100] =	vst v63  }
0x63: {  	s24 =	simm.s32 $0xB100  }
0x64: {  	[tilespmem:s24], [sflag:$0x2] =	stream.indirect_vreg.gather [hbm4b:s5+s2], $0x80, v3, vm0, $0xb8;
	[tilespmem:$0x10100] =	vst v63  }
0x65: {  	s28 =	simm.s32 $0xB900  }
0x66: {  	[tilespmem:s28], [sflag:$0x2] =	stream.indirect_vreg.gather [hbm4b:s6+s2], $0x80, v3, vm0, $0xb8;
	[tilespmem:$0x10100] =	vst v63  }
0x67: {  	v3 =	vld [tilespmem:$0x90];
	_ =	sdelay $0x4  }
0x68: {  	v51 =	vshll.u32 v3, $0x3  }
0x69: {  	v3 =	vand.u32 $0x7, v3;
	v4 =	vand.u32 $0xFFFFFFC0, v51  }
0x6a: {  	v3 =	vor.u32 v3, v4  }
0x6b: {  	v4 =	vperm.xlane v3, v0;
	_ =	sdelay $0x1  }
0x6c: {  	v4 =	vadd.s32 v1, v4;
	_ =	sdelay $0x3  }
0x6d: {  	s29 =	simm.s32 $0xC100  }
0x6e: {  	[tilespmem:s29], [sflag:$0x2] =	stream.indirect_vreg.gather [hbm4b:s3+s2], $0x80, v4, vm0, $0xb8;
	[tilespmem:$0x10100] =	vst v63  }
0x6f: {  	s30 =	simm.s32 $0xC900;
	v3 =	vperm.xlane v3, v2  }
0x70: {  	[tilespmem:s30], [sflag:$0x2] =	stream.indirect_vreg.gather [hbm4b:s4+s2], $0x80, v4, vm0, $0xb8;
	[tilespmem:$0x10100] =	vst v63  }
0x71: {  	s0 =	simm.s32 $0xD100;
	v3 =	vadd.s32 v1, v3  }
0x72: {  	[tilespmem:s0], [sflag:$0x2] =	stream.indirect_vreg.gather [hbm4b:s5+s2], $0x80, v4, vm0, $0xb8;
	[tilespmem:$0x10100] =	vst v63  }
0x73: {  	s9 =	simm.s32 $0xD900  }
0x74: {  	[tilespmem:s9], [sflag:$0x2] =	stream.indirect_vreg.gather [hbm4b:s6+s2], $0x80, v4, vm0, $0xb8;
	[tilespmem:$0x10100] =	vst v63  }
0x75: {  	s10 =	simm.s32 $0xE100  }
0x76: {  	[tilespmem:s10], [sflag:$0x2] =	stream.indirect_vreg.gather [hbm4b:s3+s2], $0x80, v3, vm0, $0xb8;
	[tilespmem:$0x10100] =	vst v63  }
0x77: {  	s11 =	simm.s32 $0xE900  }
0x78: {  	[tilespmem:s11], [sflag:$0x2] =	stream.indirect_vreg.gather [hbm4b:s4+s2], $0x80, v3, vm0, $0xb8;
	[tilespmem:$0x10100] =	vst v63  }
0x79: {  	s15 =	simm.s32 $0xF100  }
0x7a: {  	[tilespmem:s15], [sflag:$0x2] =	stream.indirect_vreg.gather [hbm4b:s5+s2], $0x80, v3, vm0, $0xb8;
	[tilespmem:$0x10100] =	vst v63  }
0x7b: {  	s16 =	simm.s32 $0xF900  }
0x7c: {  	[tilespmem:s16], [sflag:$0x2] =	stream.indirect_vreg.gather [hbm4b:s6+s2], $0x80, v3, vm0, $0xb8;
	[tilespmem:$0x10100] =	vst v63  }
0x7d: {  	_ =	swait.ge [sflag:s19], $0x8000  }
0x7e: {  	[sflag:s19] =	ssyncset.done $0x0  }
0x7f: {  	s17 =	rddreg [dreg:$0x4];
	[sflag:s19] =	ssyncadd.s32 $0xFFFF8000  }
0x80: {  	[hbm4b:s17+s2] =	stream.linear.scatter [tilespmem:s31], [sflag:$0x3], $0x8000, $0x38;
	[tilespmem:$0x10100] =	vst v63  }
0x81: {  	s24 =	rddreg [dreg:$0x5]  }
0x82: {  	[tilespmem:s2], [sflag:$0x5] =	stream.linear.gather [hbm4b:s24+s2], $0x20, $0x38;
	[tilespmem:$0x10100] =	vst v63  }
0x83: {  	_ =	swait.ge [sflag:s8], $0x20  }
0x84: {  	[sflag:s8] =	ssyncset.done $0x0  }
0x85: {  	[sflag:s8] =	ssyncadd.s32 $0xFFFFFFE0  }
0x86: {  	_ =	swait.ge [sflag:s20], $0x8000  }
0x87: {  	[sflag:s20] =	ssyncset.done $0x0  }
0x88: {  	[sflag:s20] =	ssyncadd.s32 $0xFFFF8000  }
0x89: {  	v3 =	vld [tilespmem:$0x0];
	_ =	sdelay $0x4  }
0x8a: {  	v52 =	vshll.u32 v3, $0x3  }
0x8b: {  	v3 =	vand.u32 $0x7, v3;
	v4 =	vand.u32 $0xFFFFFFC0, v52  }
0x8c: {  	v3 =	vor.u32 v3, v4  }
0x8d: {  	v4 =	vperm.xlane v3, v0;
	_ =	sdelay $0x1  }
0x8e: {  	v4 =	vadd.s32 v1, v4;
	_ =	sdelay $0x4  }
0x8f: {  	[tilespmem:s31], [sflag:$0x1] =	stream.indirect_vreg.gather [hbm4b:s3+s2], $0x80, v4, vm0, $0xb8;
	[tilespmem:$0x10100] =	vst v63  }
0x90: {  	s1 =	simm.s32 $0x900;
	v3 =	vperm.xlane v3, v2  }
0x91: {  	[tilespmem:s1], [sflag:$0x1] =	stream.indirect_vreg.gather [hbm4b:s4+s2], $0x80, v4, vm0, $0xb8;
	[tilespmem:$0x10100] =	vst v63  }
0x92: {  	s0 =	simm.s32 $0x1100;
	v3 =	vadd.s32 v1, v3  }
0x93: {  	[tilespmem:s0], [sflag:$0x1] =	stream.indirect_vreg.gather [hbm4b:s5+s2], $0x80, v4, vm0, $0xb8;
	[tilespmem:$0x10100] =	vst v63  }
0x94: {  	s1 =	simm.s32 $0x1900  }
0x95: {  	[tilespmem:s1], [sflag:$0x1] =	stream.indirect_vreg.gather [hbm4b:s6+s2], $0x80, v4, vm0, $0xb8;
	[tilespmem:$0x10100] =	vst v63  }
0x96: {  	s9 =	simm.s32 $0x2100  }
0x97: {  	[tilespmem:s9], [sflag:$0x1] =	stream.indirect_vreg.gather [hbm4b:s3+s2], $0x80, v3, vm0, $0xb8;
	[tilespmem:$0x10100] =	vst v63  }
0x98: {  	s10 =	simm.s32 $0x2900  }
0x99: {  	[tilespmem:s10], [sflag:$0x1] =	stream.indirect_vreg.gather [hbm4b:s4+s2], $0x80, v3, vm0, $0xb8;
	[tilespmem:$0x10100] =	vst v63  }
0x9a: {  	s11 =	simm.s32 $0x3100  }
0x9b: {  	[tilespmem:s11], [sflag:$0x1] =	stream.indirect_vreg.gather [hbm4b:s5+s2], $0x80, v3, vm0, $0xb8;
	[tilespmem:$0x10100] =	vst v63  }
0x9c: {  	s12 =	simm.s32 $0x3900  }
0x9d: {  	[tilespmem:s12], [sflag:$0x1] =	stream.indirect_vreg.gather [hbm4b:s6+s2], $0x80, v3, vm0, $0xb8;
	[tilespmem:$0x10100] =	vst v63  }
0x9e: {  	v3 =	vld [tilespmem:$0x10];
	_ =	sdelay $0x4  }
0x9f: {  	v53 =	vshll.u32 v3, $0x3  }
0xa0: {  	v3 =	vand.u32 $0x7, v3;
	v4 =	vand.u32 $0xFFFFFFC0, v53  }
0xa1: {  	v3 =	vor.u32 v3, v4  }
0xa2: {  	v4 =	vperm.xlane v3, v0;
	_ =	sdelay $0x1  }
0xa3: {  	v4 =	vadd.s32 v1, v4;
	_ =	sdelay $0x3  }
0xa4: {  	s13 =	simm.s32 $0x4100  }
0xa5: {  	[tilespmem:s13], [sflag:$0x1] =	stream.indirect_vreg.gather [hbm4b:s3+s2], $0x80, v4, vm0, $0xb8;
	[tilespmem:$0x10100] =	vst v63  }
0xa6: {  	s14 =	simm.s32 $0x4900;
	v3 =	vperm.xlane v3, v2  }
0xa7: {  	[tilespmem:s14], [sflag:$0x1] =	stream.indirect_vreg.gather [hbm4b:s4+s2], $0x80, v4, vm0, $0xb8;
	[tilespmem:$0x10100] =	vst v63  }
0xa8: {  	s12 =	simm.s32 $0x5100;
	v3 =	vadd.s32 v1, v3  }
0xa9: {  	[tilespmem:s12], [sflag:$0x1] =	stream.indirect_vreg.gather [hbm4b:s5+s2], $0x80, v4, vm0, $0xb8;
	[tilespmem:$0x10100] =	vst v63  }
0xaa: {  	s13 =	simm.s32 $0x5900  }
0xab: {  	[tilespmem:s13], [sflag:$0x1] =	stream.indirect_vreg.gather [hbm4b:s6+s2], $0x80, v4, vm0, $0xb8;
	[tilespmem:$0x10100] =	vst v63  }
0xac: {  	s14 =	simm.s32 $0x6100  }
0xad: {  	[tilespmem:s14], [sflag:$0x1] =	stream.indirect_vreg.gather [hbm4b:s3+s2], $0x80, v3, vm0, $0xb8;
	[tilespmem:$0x10100] =	vst v63  }
0xae: {  	s15 =	simm.s32 $0x6900  }
0xaf: {  	[tilespmem:s15], [sflag:$0x1] =	stream.indirect_vreg.gather [hbm4b:s4+s2], $0x80, v3, vm0, $0xb8;
	[tilespmem:$0x10100] =	vst v63  }
0xb0: {  	s16 =	simm.s32 $0x7100  }
0xb1: {  	[tilespmem:s16], [sflag:$0x1] =	stream.indirect_vreg.gather [hbm4b:s5+s2], $0x80, v3, vm0, $0xb8;
	[tilespmem:$0x10100] =	vst v63  }
0xb2: {  	s17 =	simm.s32 $0x7900  }
0xb3: {  	[tilespmem:s17], [sflag:$0x1] =	stream.indirect_vreg.gather [hbm4b:s6+s2], $0x80, v3, vm0, $0xb8;
	[tilespmem:$0x10100] =	vst v63  }
0xb4: {  	_ =	swait.ge [sflag:s21], $0x8000  }
0xb5: {  	[sflag:s21] =	ssyncset.done $0x0  }
0xb6: {  	s23 =	rddreg [dreg:$0x6];
	[sflag:s21] =	ssyncadd.s32 $0xFFFF8000  }
0xb7: {  	[hbm4b:s23+s2] =	stream.linear.scatter [tilespmem:s26], [sflag:$0x4], $0x8000, $0x38;
	[tilespmem:$0x10100] =	vst v63  }
0xb8: {  	s18 =	simm.s32 $0x80;
	s24 =	rddreg [dreg:$0x7]  }
0xb9: {  	[tilespmem:s18], [sflag:$0x5] =	stream.linear.gather [hbm4b:s24+s2], $0x20, $0x38;
	[tilespmem:$0x10100] =	vst v63  }
0xba: {  	_ =	swait.ge [sflag:s8], $0x20  }
0xbb: {  	[sflag:s8] =	ssyncset.done $0x0  }
0xbc: {  	[sflag:s8] =	ssyncadd.s32 $0xFFFFFFE0  }
0xbd: {  	_ =	swait.ge [sflag:s22], $0x8000  }
0xbe: {  	[sflag:s22] =	ssyncset.done $0x0  }
0xbf: {  	[sflag:s22] =	ssyncadd.s32 $0xFFFF8000  }
0xc0: {  	v3 =	vld [tilespmem:$0x80];
	_ =	sdelay $0x4  }
0xc1: {  	v54 =	vshll.u32 v3, $0x3  }
0xc2: {  	v3 =	vand.u32 $0x7, v3;
	v4 =	vand.u32 $0xFFFFFFC0, v54  }
0xc3: {  	v3 =	vor.u32 v3, v4  }
0xc4: {  	v4 =	vperm.xlane v3, v0;
	_ =	sdelay $0x1  }
0xc5: {  	v4 =	vadd.s32 v1, v4;
	_ =	sdelay $0x4  }
0xc6: {  	[tilespmem:s26], [sflag:$0x2] =	stream.indirect_vreg.gather [hbm4b:s3+s2], $0x80, v4, vm0, $0xb8;
	[tilespmem:$0x10100] =	vst v63  }
0xc7: {  	s25 =	simm.s32 $0x8900;
	v3 =	vperm.xlane v3, v2  }
0xc8: {  	[tilespmem:s25], [sflag:$0x2] =	stream.indirect_vreg.gather [hbm4b:s4+s2], $0x80, v4, vm0, $0xb8;
	[tilespmem:$0x10100] =	vst v63  }
0xc9: {  	s24 =	simm.s32 $0x9100;
	v3 =	vadd.s32 v1, v3  }
0xca: {  	[tilespmem:s24], [sflag:$0x2] =	stream.indirect_vreg.gather [hbm4b:s5+s2], $0x80, v4, vm0, $0xb8;
	[tilespmem:$0x10100] =	vst v63  }
0xcb: {  	s25 =	simm.s32 $0x9900  }
0xcc: {  	[tilespmem:s25], [sflag:$0x2] =	stream.indirect_vreg.gather [hbm4b:s6+s2], $0x80, v4, vm0, $0xb8;
	[tilespmem:$0x10100] =	vst v63  }
0xcd: {  	s24 =	simm.s32 $0xA100  }
0xce: {  	[tilespmem:s24], [sflag:$0x2] =	stream.indirect_vreg.gather [hbm4b:s3+s2], $0x80, v3, vm0, $0xb8;
	[tilespmem:$0x10100] =	vst v63  }
0xcf: {  	s24 =	simm.s32 $0xA900  }
0xd0: {  	[tilespmem:s24], [sflag:$0x2] =	stream.indirect_vreg.gather [hbm4b:s4+s2], $0x80, v3, vm0, $0xb8;
	[tilespmem:$0x10100] =	vst v63  }
0xd1: {  	s24 =	simm.s32 $0xB100  }
0xd2: {  	[tilespmem:s24], [sflag:$0x2] =	stream.indirect_vreg.gather [hbm4b:s5+s2], $0x80, v3, vm0, $0xb8;
	[tilespmem:$0x10100] =	vst v63  }
0xd3: {  	s28 =	simm.s32 $0xB900  }
0xd4: {  	[tilespmem:s28], [sflag:$0x2] =	stream.indirect_vreg.gather [hbm4b:s6+s2], $0x80, v3, vm0, $0xb8;
	[tilespmem:$0x10100] =	vst v63  }
0xd5: {  	v3 =	vld [tilespmem:$0x90];
	_ =	sdelay $0x4  }
0xd6: {  	v55 =	vshll.u32 v3, $0x3  }
0xd7: {  	v3 =	vand.u32 $0x7, v3;
	v4 =	vand.u32 $0xFFFFFFC0, v55  }
0xd8: {  	v3 =	vor.u32 v3, v4  }
0xd9: {  	v4 =	vperm.xlane v3, v0;
	_ =	sdelay $0x1  }
0xda: {  	v4 =	vadd.s32 v1, v4;
	_ =	sdelay $0x3  }
0xdb: {  	s29 =	simm.s32 $0xC100  }
0xdc: {  	[tilespmem:s29], [sflag:$0x2] =	stream.indirect_vreg.gather [hbm4b:s3+s2], $0x80, v4, vm0, $0xb8;
	[tilespmem:$0x10100] =	vst v63  }
0xdd: {  	s30 =	simm.s32 $0xC900;
	v3 =	vperm.xlane v3, v2  }
0xde: {  	[tilespmem:s30], [sflag:$0x2] =	stream.indirect_vreg.gather [hbm4b:s4+s2], $0x80, v4, vm0, $0xb8;
	[tilespmem:$0x10100] =	vst v63  }
0xdf: {  	s24 =	simm.s32 $0xD100;
	v3 =	vadd.s32 v1, v3  }
0xe0: {  	[tilespmem:s24], [sflag:$0x2] =	stream.indirect_vreg.gather [hbm4b:s5+s2], $0x80, v4, vm0, $0xb8;
	[tilespmem:$0x10100] =	vst v63  }
0xe1: {  	s28 =	simm.s32 $0xD900  }
0xe2: {  	[tilespmem:s28], [sflag:$0x2] =	stream.indirect_vreg.gather [hbm4b:s6+s2], $0x80, v4, vm0, $0xb8;
	[tilespmem:$0x10100] =	vst v63  }
0xe3: {  	s29 =	simm.s32 $0xE100  }
0xe4: {  	[tilespmem:s29], [sflag:$0x2] =	stream.indirect_vreg.gather [hbm4b:s3+s2], $0x80, v3, vm0, $0xb8;
	[tilespmem:$0x10100] =	vst v63  }
0xe5: {  	s30 =	simm.s32 $0xE900  }
0xe6: {  	[tilespmem:s30], [sflag:$0x2] =	stream.indirect_vreg.gather [hbm4b:s4+s2], $0x80, v3, vm0, $0xb8;
	[tilespmem:$0x10100] =	vst v63  }
0xe7: {  	s24 =	simm.s32 $0xF100  }
0xe8: {  	[tilespmem:s24], [sflag:$0x2] =	stream.indirect_vreg.gather [hbm4b:s5+s2], $0x80, v3, vm0, $0xb8;
	[tilespmem:$0x10100] =	vst v63  }
0xe9: {  	s28 =	simm.s32 $0xF900  }
0xea: {  	[tilespmem:s28], [sflag:$0x2] =	stream.indirect_vreg.gather [hbm4b:s6+s2], $0x80, v3, vm0, $0xb8;
	[tilespmem:$0x10100] =	vst v63  }
0xeb: {  	_ =	swait.ge [sflag:s19], $0x8000  }
0xec: {  	[sflag:s19] =	ssyncset.done $0x0  }
0xed: {  	s29 =	rddreg [dreg:$0x8];
	[sflag:s19] =	ssyncadd.s32 $0xFFFF8000  }
0xee: {  	[hbm4b:s29+s2] =	stream.linear.scatter [tilespmem:s31], [sflag:$0x3], $0x8000, $0x38;
	[tilespmem:$0x10100] =	vst v63  }
0xef: {  	s30 =	rddreg [dreg:$0x9]  }
0xf0: {  	[tilespmem:s2], [sflag:$0x5] =	stream.linear.gather [hbm4b:s30+s2], $0x20, $0x38;
	[tilespmem:$0x10100] =	vst v63  }
0xf1: {  	_ =	swait.ge [sflag:s8], $0x20  }
0xf2: {  	[sflag:s8] =	ssyncset.done $0x0  }
0xf3: {  	[sflag:s8] =	ssyncadd.s32 $0xFFFFFFE0  }
0xf4: {  	_ =	swait.ge [sflag:s20], $0x8000  }
0xf5: {  	[sflag:s20] =	ssyncset.done $0x0  }
0xf6: {  	[sflag:s20] =	ssyncadd.s32 $0xFFFF8000  }
0xf7: {  	v3 =	vld [tilespmem:$0x0];
	_ =	sdelay $0x4  }
0xf8: {  	v56 =	vshll.u32 v3, $0x3  }
0xf9: {  	v3 =	vand.u32 $0x7, v3;
	v4 =	vand.u32 $0xFFFFFFC0, v56  }
0xfa: {  	v3 =	vor.u32 v3, v4  }
0xfb: {  	v4 =	vperm.xlane v3, v0;
	_ =	sdelay $0x1  }
0xfc: {  	v4 =	vadd.s32 v1, v4;
	_ =	sdelay $0x4  }
0xfd: {  	[tilespmem:s31], [sflag:$0x1] =	stream.indirect_vreg.gather [hbm4b:s3+s2], $0x80, v4, vm0, $0xb8;
	[tilespmem:$0x10100] =	vst v63  }
0xfe: {  	s28 =	simm.s32 $0x900;
	v3 =	vperm.xlane v3, v2  }
0xff: {  	[tilespmem:s28], [sflag:$0x1] =	stream.indirect_vreg.gather [hbm4b:s4+s2], $0x80, v4, vm0, $0xb8;
	[tilespmem:$0x10100] =	vst v63  }
0x100: {  	v3 =	vadd.s32 v1, v3  }
0x101: {  	[tilespmem:s0], [sflag:$0x1] =	stream.indirect_vreg.gather [hbm4b:s5+s2], $0x80, v4, vm0, $0xb8;
	[tilespmem:$0x10100] =	vst v63  }
0x102: {  	_ = 	snop  }
0x103: {  	[tilespmem:s1], [sflag:$0x1] =	stream.indirect_vreg.gather [hbm4b:s6+s2], $0x80, v4, vm0, $0xb8;
	[tilespmem:$0x10100] =	vst v63  }
0x104: {  	_ = 	snop  }
0x105: {  	[tilespmem:s9], [sflag:$0x1] =	stream.indirect_vreg.gather [hbm4b:s3+s2], $0x80, v3, vm0, $0xb8;
	[tilespmem:$0x10100] =	vst v63  }
0x106: {  	_ = 	snop  }
0x107: {  	[tilespmem:s10], [sflag:$0x1] =	stream.indirect_vreg.gather [hbm4b:s4+s2], $0x80, v3, vm0, $0xb8;
	[tilespmem:$0x10100] =	vst v63  }
0x108: {  	_ = 	snop  }
0x109: {  	[tilespmem:s11], [sflag:$0x1] =	stream.indirect_vreg.gather [hbm4b:s5+s2], $0x80, v3, vm0, $0xb8;
	[tilespmem:$0x10100] =	vst v63  }
0x10a: {  	s29 =	simm.s32 $0x3900  }
0x10b: {  	[tilespmem:s29], [sflag:$0x1] =	stream.indirect_vreg.gather [hbm4b:s6+s2], $0x80, v3, vm0, $0xb8;
	[tilespmem:$0x10100] =	vst v63  }
0x10c: {  	v3 =	vld [tilespmem:$0x10];
	_ =	sdelay $0x4  }
0x10d: {  	v57 =	vshll.u32 v3, $0x3  }
0x10e: {  	v3 =	vand.u32 $0x7, v3;
	v4 =	vand.u32 $0xFFFFFFC0, v57  }
0x10f: {  	v3 =	vor.u32 v3, v4  }
0x110: {  	v4 =	vperm.xlane v3, v0;
	_ =	sdelay $0x1  }
0x111: {  	v4 =	vadd.s32 v1, v4;
	_ =	sdelay $0x3  }
0x112: {  	s30 =	simm.s32 $0x4100  }
0x113: {  	[tilespmem:s30], [sflag:$0x1] =	stream.indirect_vreg.gather [hbm4b:s3+s2], $0x80, v4, vm0, $0xb8;
	[tilespmem:$0x10100] =	vst v63  }
0x114: {  	s24 =	simm.s32 $0x4900;
	v3 =	vperm.xlane v3, v2  }
0x115: {  	[tilespmem:s24], [sflag:$0x1] =	stream.indirect_vreg.gather [hbm4b:s4+s2], $0x80, v4, vm0, $0xb8;
	[tilespmem:$0x10100] =	vst v63  }
0x116: {  	v3 =	vadd.s32 v1, v3  }
0x117: {  	[tilespmem:s12], [sflag:$0x1] =	stream.indirect_vreg.gather [hbm4b:s5+s2], $0x80, v4, vm0, $0xb8;
	[tilespmem:$0x10100] =	vst v63  }
0x118: {  	_ = 	snop  }
0x119: {  	[tilespmem:s13], [sflag:$0x1] =	stream.indirect_vreg.gather [hbm4b:s6+s2], $0x80, v4, vm0, $0xb8;
	[tilespmem:$0x10100] =	vst v63  }
0x11a: {  	_ = 	snop  }
0x11b: {  	[tilespmem:s14], [sflag:$0x1] =	stream.indirect_vreg.gather [hbm4b:s3+s2], $0x80, v3, vm0, $0xb8;
	[tilespmem:$0x10100] =	vst v63  }
0x11c: {  	_ = 	snop  }
0x11d: {  	[tilespmem:s15], [sflag:$0x1] =	stream.indirect_vreg.gather [hbm4b:s4+s2], $0x80, v3, vm0, $0xb8;
	[tilespmem:$0x10100] =	vst v63  }
0x11e: {  	_ = 	snop  }
0x11f: {  	[tilespmem:s16], [sflag:$0x1] =	stream.indirect_vreg.gather [hbm4b:s5+s2], $0x80, v3, vm0, $0xb8;
	[tilespmem:$0x10100] =	vst v63  }
0x120: {  	_ = 	snop  }
0x121: {  	[tilespmem:s17], [sflag:$0x1] =	stream.indirect_vreg.gather [hbm4b:s6+s2], $0x80, v3, vm0, $0xb8;
	[tilespmem:$0x10100] =	vst v63  }
0x122: {  	_ =	swait.ge [sflag:s21], $0x8000  }
0x123: {  	[sflag:s21] =	ssyncset.done $0x0  }
0x124: {  	s28 =	rddreg [dreg:$0xa];
	[sflag:s21] =	ssyncadd.s32 $0xFFFF8000  }
0x125: {  	[hbm4b:s28+s2] =	stream.linear.scatter [tilespmem:s26], [sflag:$0x4], $0x8000, $0x38;
	[tilespmem:$0x10100] =	vst v63  }
0x126: {  	s30 =	simm.s32 $0x80;
	s29 =	rddreg [dreg:$0xb]  }
0x127: {  	[tilespmem:s30], [sflag:$0x5] =	stream.linear.gather [hbm4b:s29+s2], $0x20, $0x38;
	[tilespmem:$0x10100] =	vst v63  }
0x128: {  	_ =	swait.ge [sflag:s8], $0x20  }
0x129: {  	[sflag:s8] =	ssyncset.done $0x0  }
0x12a: {  	[sflag:s8] =	ssyncadd.s32 $0xFFFFFFE0  }
0x12b: {  	_ =	swait.ge [sflag:s22], $0x8000  }
0x12c: {  	[sflag:s22] =	ssyncset.done $0x0  }
0x12d: {  	[sflag:s22] =	ssyncadd.s32 $0xFFFF8000  }
0x12e: {  	v3 =	vld [tilespmem:$0x80];
	_ =	sdelay $0x4  }
0x12f: {  	v58 =	vshll.u32 v3, $0x3  }
0x130: {  	v3 =	vand.u32 $0x7, v3;
	v4 =	vand.u32 $0xFFFFFFC0, v58  }
0x131: {  	v3 =	vor.u32 v3, v4  }
0x132: {  	v4 =	vperm.xlane v3, v0;
	_ =	sdelay $0x1  }
0x133: {  	v4 =	vadd.s32 v1, v4;
	_ =	sdelay $0x4  }
0x134: {  	[tilespmem:s26], [sflag:$0x2] =	stream.indirect_vreg.gather [hbm4b:s3+s2], $0x80, v4, vm0, $0xb8;
	[tilespmem:$0x10100] =	vst v63  }
0x135: {  	s24 =	simm.s32 $0x8900;
	v3 =	vperm.xlane v3, v2  }
0x136: {  	[tilespmem:s24], [sflag:$0x2] =	stream.indirect_vreg.gather [hbm4b:s4+s2], $0x80, v4, vm0, $0xb8;
	[tilespmem:$0x10100] =	vst v63  }
0x137: {  	s18 =	simm.s32 $0x9100;
	v3 =	vadd.s32 v1, v3  }
0x138: {  	[tilespmem:s18], [sflag:$0x2] =	stream.indirect_vreg.gather [hbm4b:s5+s2], $0x80, v4, vm0, $0xb8;
	[tilespmem:$0x10100] =	vst v63  }
0x139: {  	s25 =	simm.s32 $0x9900  }
0x13a: {  	[tilespmem:s25], [sflag:$0x2] =	stream.indirect_vreg.gather [hbm4b:s6+s2], $0x80, v4, vm0, $0xb8;
	[tilespmem:$0x10100] =	vst v63  }
0x13b: {  	s28 =	simm.s32 $0xA100  }
0x13c: {  	[tilespmem:s28], [sflag:$0x2] =	stream.indirect_vreg.gather [hbm4b:s3+s2], $0x80, v3, vm0, $0xb8;
	[tilespmem:$0x10100] =	vst v63  }
0x13d: {  	s29 =	simm.s32 $0xA900  }
0x13e: {  	[tilespmem:s29], [sflag:$0x2] =	stream.indirect_vreg.gather [hbm4b:s4+s2], $0x80, v3, vm0, $0xb8;
	[tilespmem:$0x10100] =	vst v63  }
0x13f: {  	s30 =	simm.s32 $0xB100  }
0x140: {  	[tilespmem:s30], [sflag:$0x2] =	stream.indirect_vreg.gather [hbm4b:s5+s2], $0x80, v3, vm0, $0xb8;
	[tilespmem:$0x10100] =	vst v63  }
0x141: {  	s24 =	simm.s32 $0xB900  }
0x142: {  	[tilespmem:s24], [sflag:$0x2] =	stream.indirect_vreg.gather [hbm4b:s6+s2], $0x80, v3, vm0, $0xb8;
	[tilespmem:$0x10100] =	vst v63  }
0x143: {  	v3 =	vld [tilespmem:$0x90];
	_ =	sdelay $0x4  }
0x144: {  	v59 =	vshll.u32 v3, $0x3  }
0x145: {  	v3 =	vand.u32 $0x7, v3;
	v4 =	vand.u32 $0xFFFFFFC0, v59  }
0x146: {  	v3 =	vor.u32 v3, v4  }
0x147: {  	v4 =	vperm.xlane v3, v0;
	_ =	sdelay $0x1  }
0x148: {  	v4 =	vadd.s32 v1, v4;
	_ =	sdelay $0x3  }
0x149: {  	s24 =	simm.s32 $0xC100  }
0x14a: {  	[tilespmem:s24], [sflag:$0x2] =	stream.indirect_vreg.gather [hbm4b:s3+s2], $0x80, v4, vm0, $0xb8;
	[tilespmem:$0x10100] =	vst v63  }
0x14b: {  	v3 =	vperm.xlane v3, v2;
	s24 =	simm.s32 $0xC900  }
0x14c: {  	[tilespmem:s24], [sflag:$0x2] =	stream.indirect_vreg.gather [hbm4b:s4+s2], $0x80, v4, vm0, $0xb8;
	[tilespmem:$0x10100] =	vst v63  }
0x14d: {  	v3 =	vadd.s32 v1, v3;
	s24 =	simm.s32 $0xD100  }
0x14e: {  	[tilespmem:s24], [sflag:$0x2] =	stream.indirect_vreg.gather [hbm4b:s5+s2], $0x80, v4, vm0, $0xb8;
	[tilespmem:$0x10100] =	vst v63  }
0x14f: {  	s24 =	simm.s32 $0xD900  }
0x150: {  	[tilespmem:s24], [sflag:$0x2] =	stream.indirect_vreg.gather [hbm4b:s6+s2], $0x80, v4, vm0, $0xb8;
	[tilespmem:$0x10100] =	vst v63  }
0x151: {  	s24 =	simm.s32 $0xE100  }
0x152: {  	[tilespmem:s24], [sflag:$0x2] =	stream.indirect_vreg.gather [hbm4b:s3+s2], $0x80, v3, vm0, $0xb8;
	[tilespmem:$0x10100] =	vst v63  }
0x153: {  	s24 =	simm.s32 $0xE900  }
0x154: {  	[tilespmem:s24], [sflag:$0x2] =	stream.indirect_vreg.gather [hbm4b:s4+s2], $0x80, v3, vm0, $0xb8;
	[tilespmem:$0x10100] =	vst v63  }
0x155: {  	s24 =	simm.s32 $0xF100  }
0x156: {  	[tilespmem:s24], [sflag:$0x2] =	stream.indirect_vreg.gather [hbm4b:s5+s2], $0x80, v3, vm0, $0xb8;
	[tilespmem:$0x10100] =	vst v63  }
0x157: {  	s24 =	simm.s32 $0xF900  }
0x158: {  	[tilespmem:s24], [sflag:$0x2] =	stream.indirect_vreg.gather [hbm4b:s6+s2], $0x80, v3, vm0, $0xb8;
	[tilespmem:$0x10100] =	vst v63  }
0x159: {  	_ =	swait.ge [sflag:s19], $0x8000  }
0x15a: {  	[sflag:s19] =	ssyncset.done $0x0  }
0x15b: {  	s23 =	rddreg [dreg:$0xc];
	[sflag:s19] =	ssyncadd.s32 $0xFFFF8000  }
0x15c: {  	[hbm4b:s23+s2] =	stream.linear.scatter [tilespmem:s31], [sflag:$0x3], $0x8000, $0x38;
	[tilespmem:$0x10100] =	vst v63  }
0x15d: {  	s24 =	rddreg [dreg:$0xd]  }
0x15e: {  	[tilespmem:s2], [sflag:$0x5] =	stream.linear.gather [hbm4b:s24+s2], $0x20, $0x38;
	[tilespmem:$0x10100] =	vst v63  }
0x15f: {  	_ =	swait.ge [sflag:s8], $0x20  }
0x160: {  	[sflag:s8] =	ssyncset.done $0x0  }
0x161: {  	[sflag:s8] =	ssyncadd.s32 $0xFFFFFFE0  }
0x162: {  	_ =	swait.ge [sflag:s20], $0x8000  }
0x163: {  	[sflag:s20] =	ssyncset.done $0x0  }
0x164: {  	[sflag:s20] =	ssyncadd.s32 $0xFFFF8000  }
0x165: {  	v3 =	vld [tilespmem:$0x0];
	_ =	sdelay $0x4  }
0x166: {  	v60 =	vshll.u32 v3, $0x3  }
0x167: {  	v3 =	vand.u32 $0x7, v3;
	v4 =	vand.u32 $0xFFFFFFC0, v60  }
0x168: {  	v3 =	vor.u32 v3, v4  }
0x169: {  	v4 =	vperm.xlane v3, v0;
	_ =	sdelay $0x1  }
0x16a: {  	v4 =	vadd.s32 v1, v4;
	_ =	sdelay $0x4  }
0x16b: {  	[tilespmem:s31], [sflag:$0x1] =	stream.indirect_vreg.gather [hbm4b:s3+s2], $0x80, v4, vm0, $0xb8;
	[tilespmem:$0x10100] =	vst v63  }
0x16c: {  	s24 =	simm.s32 $0x900;
	v3 =	vperm.xlane v3, v2  }
0x16d: {  	[tilespmem:s24], [sflag:$0x1] =	stream.indirect_vreg.gather [hbm4b:s4+s2], $0x80, v4, vm0, $0xb8;
	[tilespmem:$0x10100] =	vst v63  }
0x16e: {  	s0 =	simm.s32 $0x1100;
	v3 =	vadd.s32 v1, v3  }
0x16f: {  	[tilespmem:s0], [sflag:$0x1] =	stream.indirect_vreg.gather [hbm4b:s5+s2], $0x80, v4, vm0, $0xb8;
	[tilespmem:$0x10100] =	vst v63  }
0x170: {  	s1 =	simm.s32 $0x1900  }
0x171: {  	[tilespmem:s1], [sflag:$0x1] =	stream.indirect_vreg.gather [hbm4b:s6+s2], $0x80, v4, vm0, $0xb8;
	[tilespmem:$0x10100] =	vst v63  }
0x172: {  	s9 =	simm.s32 $0x2100  }
0x173: {  	[tilespmem:s9], [sflag:$0x1] =	stream.indirect_vreg.gather [hbm4b:s3+s2], $0x80, v3, vm0, $0xb8;
	[tilespmem:$0x10100] =	vst v63  }
0x174: {  	s10 =	simm.s32 $0x2900  }
0x175: {  	[tilespmem:s10], [sflag:$0x1] =	stream.indirect_vreg.gather [hbm4b:s4+s2], $0x80, v3, vm0, $0xb8;
	[tilespmem:$0x10100] =	vst v63  }
0x176: {  	s11 =	simm.s32 $0x3100  }
0x177: {  	[tilespmem:s11], [sflag:$0x1] =	stream.indirect_vreg.gather [hbm4b:s5+s2], $0x80, v3, vm0, $0xb8;
	[tilespmem:$0x10100] =	vst v63  }
0x178: {  	s24 =	simm.s32 $0x3900  }
0x179: {  	[tilespmem:s24], [sflag:$0x1] =	stream.indirect_vreg.gather [hbm4b:s6+s2], $0x80, v3, vm0, $0xb8;
	[tilespmem:$0x10100] =	vst v63  }
0x17a: {  	v3 =	vld [tilespmem:$0x10];
	_ =	sdelay $0x4  }
0x17b: {  	v61 =	vshll.u32 v3, $0x3  }
0x17c: {  	v3 =	vand.u32 $0x7, v3;
	v4 =	vand.u32 $0xFFFFFFC0, v61  }
0x17d: {  	v3 =	vor.u32 v3, v4  }
0x17e: {  	v4 =	vperm.xlane v3, v0;
	_ =	sdelay $0x1  }
0x17f: {  	v4 =	vadd.s32 v1, v4;
	_ =	sdelay $0x3  }
0x180: {  	s1 =	simm.s32 $0x4100  }
0x181: {  	[tilespmem:s1], [sflag:$0x1] =	stream.indirect_vreg.gather [hbm4b:s3+s2], $0x80, v4, vm0, $0xb8;
	[tilespmem:$0x10100] =	vst v63  }
0x182: {  	s9 =	simm.s32 $0x4900;
	v3 =	vperm.xlane v3, v2  }
0x183: {  	[tilespmem:s9], [sflag:$0x1] =	stream.indirect_vreg.gather [hbm4b:s4+s2], $0x80, v4, vm0, $0xb8;
	[tilespmem:$0x10100] =	vst v63  }
0x184: {  	s12 =	simm.s32 $0x5100;
	v3 =	vadd.s32 v1, v3  }
0x185: {  	[tilespmem:s12], [sflag:$0x1] =	stream.indirect_vreg.gather [hbm4b:s5+s2], $0x80, v4, vm0, $0xb8;
	[tilespmem:$0x10100] =	vst v63  }
0x186: {  	s13 =	simm.s32 $0x5900  }
0x187: {  	[tilespmem:s13], [sflag:$0x1] =	stream.indirect_vreg.gather [hbm4b:s6+s2], $0x80, v4, vm0, $0xb8;
	[tilespmem:$0x10100] =	vst v63  }
0x188: {  	s14 =	simm.s32 $0x6100  }
0x189: {  	[tilespmem:s14], [sflag:$0x1] =	stream.indirect_vreg.gather [hbm4b:s3+s2], $0x80, v3, vm0, $0xb8;
	[tilespmem:$0x10100] =	vst v63  }
0x18a: {  	s15 =	simm.s32 $0x6900  }
0x18b: {  	[tilespmem:s15], [sflag:$0x1] =	stream.indirect_vreg.gather [hbm4b:s4+s2], $0x80, v3, vm0, $0xb8;
	[tilespmem:$0x10100] =	vst v63  }
0x18c: {  	s16 =	simm.s32 $0x7100  }
0x18d: {  	[tilespmem:s16], [sflag:$0x1] =	stream.indirect_vreg.gather [hbm4b:s5+s2], $0x80, v3, vm0, $0xb8;
	[tilespmem:$0x10100] =	vst v63  }
0x18e: {  	s17 =	simm.s32 $0x7900  }
0x18f: {  	[tilespmem:s17], [sflag:$0x1] =	stream.indirect_vreg.gather [hbm4b:s6+s2], $0x80, v3, vm0, $0xb8;
	[tilespmem:$0x10100] =	vst v63  }
0x190: {  	_ =	swait.ge [sflag:s21], $0x8000  }
0x191: {  	[sflag:s21] =	ssyncset.done $0x0  }
0x192: {  	s10 =	rddreg [dreg:$0xe];
	[sflag:s21] =	ssyncadd.s32 $0xFFFF8000  }
0x193: {  	[hbm4b:s10+s2] =	stream.linear.scatter [tilespmem:s26], [sflag:$0x4], $0x8000, $0x38;
	[tilespmem:$0x10100] =	vst v63  }
0x194: {  	s12 =	simm.s32 $0x80;
	s11 =	rddreg [dreg:$0xf]  }
0x195: {  	[tilespmem:s12], [sflag:$0x5] =	stream.linear.gather [hbm4b:s11+s2], $0x20, $0x38;
	[tilespmem:$0x10100] =	vst v63  }
0x196: {  	_ =	swait.ge [sflag:s8], $0x20  }
0x197: {  	[sflag:s8] =	ssyncset.done $0x0  }
0x198: {  	[sflag:s8] =	ssyncadd.s32 $0xFFFFFFE0  }
0x199: {  	_ =	swait.ge [sflag:s22], $0x8000  }
0x19a: {  	[sflag:s22] =	ssyncset.done $0x0  }
0x19b: {  	[sflag:s22] =	ssyncadd.s32 $0xFFFF8000  }
0x19c: {  	v3 =	vld [tilespmem:$0x80];
	_ =	sdelay $0x4  }
0x19d: {  	v62 =	vshll.u32 v3, $0x3  }
0x19e: {  	v3 =	vand.u32 $0x7, v3;
	v4 =	vand.u32 $0xFFFFFFC0, v62  }
0x19f: {  	v3 =	vor.u32 v3, v4  }
0x1a0: {  	v4 =	vperm.xlane v3, v0;
	_ =	sdelay $0x1  }
0x1a1: {  	v4 =	vadd.s32 v1, v4;
	_ =	sdelay $0x4  }
0x1a2: {  	[tilespmem:s26], [sflag:$0x2] =	stream.indirect_vreg.gather [hbm4b:s3+s2], $0x80, v4, vm0, $0xb8;
	[tilespmem:$0x10100] =	vst v63  }
0x1a3: {  	s13 =	simm.s32 $0x8900;
	v3 =	vperm.xlane v3, v2  }
0x1a4: {  	[tilespmem:s13], [sflag:$0x2] =	stream.indirect_vreg.gather [hbm4b:s4+s2], $0x80, v4, vm0, $0xb8;
	[tilespmem:$0x10100] =	vst v63  }
0x1a5: {  	s18 =	simm.s32 $0x9100;
	v3 =	vadd.s32 v1, v3  }
0x1a6: {  	[tilespmem:s18], [sflag:$0x2] =	stream.indirect_vreg.gather [hbm4b:s5+s2], $0x80, v4, vm0, $0xb8;
	[tilespmem:$0x10100] =	vst v63  }
0x1a7: {  	s25 =	simm.s32 $0x9900  }
0x1a8: {  	[tilespmem:s25], [sflag:$0x2] =	stream.indirect_vreg.gather [hbm4b:s6+s2], $0x80, v4, vm0, $0xb8;
	[tilespmem:$0x10100] =	vst v63  }
0x1a9: {  	s28 =	simm.s32 $0xA100  }
0x1aa: {  	[tilespmem:s28], [sflag:$0x2] =	stream.indirect_vreg.gather [hbm4b:s3+s2], $0x80, v3, vm0, $0xb8;
	[tilespmem:$0x10100] =	vst v63  }
0x1ab: {  	s29 =	simm.s32 $0xA900  }
0x1ac: {  	[tilespmem:s29], [sflag:$0x2] =	stream.indirect_vreg.gather [hbm4b:s4+s2], $0x80, v3, vm0, $0xb8;
	[tilespmem:$0x10100] =	vst v63  }
0x1ad: {  	s30 =	simm.s32 $0xB100  }
0x1ae: {  	[tilespmem:s30], [sflag:$0x2] =	stream.indirect_vreg.gather [hbm4b:s5+s2], $0x80, v3, vm0, $0xb8;
	[tilespmem:$0x10100] =	vst v63  }
0x1af: {  	s14 =	simm.s32 $0xB900  }
0x1b0: {  	[tilespmem:s14], [sflag:$0x2] =	stream.indirect_vreg.gather [hbm4b:s6+s2], $0x80, v3, vm0, $0xb8;
	[tilespmem:$0x10100] =	vst v63  }
0x1b1: {  	v3 =	vld [tilespmem:$0x90];
	_ =	sdelay $0x4  }
0x1b2: {  	v63 =	vshll.u32 v3, $0x3  }
0x1b3: {  	v3 =	vand.u32 $0x7, v3;
	v4 =	vand.u32 $0xFFFFFFC0, v63  }
0x1b4: {  	v3 =	vor.u32 v3, v4  }
0x1b5: {  	v4 =	vperm.xlane v3, v0;
	_ =	sdelay $0x1  }
0x1b6: {  	v4 =	vadd.s32 v1, v4;
	_ =	sdelay $0x3  }
0x1b7: {  	s15 =	simm.s32 $0xC100  }
0x1b8: {  	[tilespmem:s15], [sflag:$0x2] =	stream.indirect_vreg.gather [hbm4b:s3+s2], $0x80, v4, vm0, $0xb8;
	[tilespmem:$0x10100] =	vst v63  }
0x1b9: {  	s16 =	simm.s32 $0xC900;
	v3 =	vperm.xlane v3, v2  }
0x1ba: {  	[tilespmem:s16], [sflag:$0x2] =	stream.indirect_vreg.gather [hbm4b:s4+s2], $0x80, v4, vm0, $0xb8;
	[tilespmem:$0x10100] =	vst v63  }
0x1bb: {  	s17 =	simm.s32 $0xD100;
	v3 =	vadd.s32 v1, v3  }
0x1bc: {  	[tilespmem:s17], [sflag:$0x2] =	stream.indirect_vreg.gather [hbm4b:s5+s2], $0x80, v4, vm0, $0xb8;
	[tilespmem:$0x10100] =	vst v63  }
0x1bd: {  	s18 =	simm.s32 $0xD900  }
0x1be: {  	[tilespmem:s18], [sflag:$0x2] =	stream.indirect_vreg.gather [hbm4b:s6+s2], $0x80, v4, vm0, $0xb8;
	[tilespmem:$0x10100] =	vst v63  }
0x1bf: {  	s23 =	simm.s32 $0xE100  }
0x1c0: {  	[tilespmem:s23], [sflag:$0x2] =	stream.indirect_vreg.gather [hbm4b:s3+s2], $0x80, v3, vm0, $0xb8;
	[tilespmem:$0x10100] =	vst v63  }
0x1c1: {  	s24 =	simm.s32 $0xE900  }
0x1c2: {  	[tilespmem:s24], [sflag:$0x2] =	stream.indirect_vreg.gather [hbm4b:s4+s2], $0x80, v3, vm0, $0xb8;
	[tilespmem:$0x10100] =	vst v63  }
0x1c3: {  	s25 =	simm.s32 $0xF100  }
0x1c4: {  	[tilespmem:s25], [sflag:$0x2] =	stream.indirect_vreg.gather [hbm4b:s5+s2], $0x80, v3, vm0, $0xb8;
	[tilespmem:$0x10100] =	vst v63  }
0x1c5: {  	s28 =	simm.s32 $0xF900  }
0x1c6: {  	[tilespmem:s28], [sflag:$0x2] =	stream.indirect_vreg.gather [hbm4b:s6+s2], $0x80, v3, vm0, $0xb8;
	[tilespmem:$0x10100] =	vst v63  }
0x1c7: {  	_ =	swait.ge [sflag:s19], $0x8000  }
0x1c8: {  	[sflag:s19] =	ssyncset.done $0x0  }
0x1c9: {  	s29 =	rddreg [dreg:$0x10];
	[sflag:s19] =	ssyncadd.s32 $0xFFFF8000  }
0x1ca: {  	[hbm4b:s29+s2] =	stream.linear.scatter [tilespmem:s31], [sflag:$0x3], $0x8000, $0x38;
	[tilespmem:$0x10100] =	vst v63  }
0x1cb: {  	_ =	swait.ge [sflag:s21], $0x8000  }
0x1cc: {  	[sflag:s21] =	ssyncset.done $0x0  }
0x1cd: {  	s30 =	rddreg [dreg:$0x11];
	[sflag:s21] =	ssyncadd.s32 $0xFFFF8000  }
0x1ce: {  	[hbm4b:s30+s2] =	stream.linear.scatter [tilespmem:s26], [sflag:$0x4], $0x8000, $0x38;
	[tilespmem:$0x10100] =	vst v63  }
0x1cf: {  	p0 =	sne.s32 s7, $0x1;
	_ =	swait.ge [sflag:s22], $0x8000  }
.Ltmp0:
0x1d0: {  	[sflag:s22] =	ssyncset.done $0x0;
	(pc) =	sbr.rel @p0 .LBB2_1-.Ltmp0, $4  }
0x1d1: {  	[sflag:s22] =	ssyncadd.s32 $0xFFFF8000  }
0x1d2: {  	_ =	swait.ge [sflag:s20], $0x8000  }
0x1d3: {  	[sflag:s20] =	ssyncset.done $0x0  }
0x1d4: {  	s7 =	sadd.s32 $0xFFFFFFFF, s7;
	[sflag:s20] =	ssyncadd.s32 $0xFFFF8000  }
0x1d5: {  	_ =	sfence.sel $0x180000  }
0x1d6: {  	[bflag:$0x0] =	sbarrier.arrive $0xFFFF  }
0x1d7: {  	_ =	strace $0x90000050  }
0x1d8: {  	s0 =	stileid.u32;
	[bflag:$0x2] =	sbarrier.arrive $0xFFFF  }
0x1d9: {  	p0 =	sne.s32 s0, $0x0;
	s0 =	rddreg [dreg:$0x1]  }
0x1da: {  	s0 =	sadd.s32 @!p0 $0x100000, s0  }
0x1db: {  	[sflag:s0] =	ssyncadd.tile.s32 @!p0 $0x1;
	_ =	shalt  }
.Lfunc_end2:
_tile_overlayer_lowered:
.L_overlay_start_2:
0x1dc: {  	(tag) =	ssettag $0x2  }
0x1dd: {  	s0 =	rddreg [dreg:$0x0];
	s2 =	stileid.u32  }
0x1de: {  	s1 =	rddreg [dreg:$0x1];
	p0 =	sne.s32 s2, $0x0  }
0x1df: {  	s3 =	rddreg [dreg:$0x2];
	[bflag:$0x3] =	sbarrier.arrive $0xFFFF;
	s2 =	simm.s32 @!p0 $0x1C05  }
0x1e0: {  	[timem:s3], [sflag:s2] =	dma.local @!p0 [hbm:s0], s1  }
0x1e1: {  	s0 =	simm.s32 @!p0 $0x5  }
0x1e2: {  	_ =	swait.ge @!p0 [sflag:s0], s1  }
0x1e3: {  	s1 =	ssub.s32 @!p0 $0x0, s1;
	[sflag:s0] =	ssyncset.done @!p0 $0x0  }
0x1e4: {  	[sflag:s0] =	ssyncadd.s32 @!p0 s1  }
0x1e5: {  	[bflag:$0x3] =	sbarrier.arrive $0xFFFF  }
0x1e6: {  	_ =	shalt  }

// kernel: kernel.8.cloned.1.call-start
scs
__scs_entry_jumppad:
0x0: {  	(pc) =	sbr.rel $0x88, $3  }
0x1: {  	(tag) =	ssettag $0x0;
	lr =	simm.s32 $0x1  }
0x2: {  	[smem:$0x3F99] =	sst lr;
	_ =	strace $0xD0000000  }
0x3: {  	_ = 	snop  }
0x4: {  	_ = 	snop  }
0x5: {  	_ = 	snop  }
0x6: {  	_ = 	snop  }
0x7: {  	_ = 	snop  }
__scs_overlays_trampoline_lowered:
0x8: {  	[smem:$0x3FA8] =	sst s0  }
0x9: {  	[smem:$0x3FA9] =	sst s1  }
0xa: {  	[smem:$0x3FAA] =	sst s2  }
0xb: {  	[smem:$0x3FAB] =	sst s3  }
0xc: {  	[smem:$0x3FAC] =	sst s4  }
0xd: {  	[smem:$0x3FAD] =	sst s5  }
0xe: {  	[smem:$0x3FAE] =	sst s6  }
0xf: {  	[smem:$0x3FAF] =	sst s7  }
0x10: {  	[smem:$0x3FB0] =	sst s8  }
0x11: {  	[smem:$0x3FB1] =	sst s9;
	s0 =	simm.s32 @!p0 $0x0  }
0x12: {  	s1 =	sld [smem:$0x3F97];
	s0 =	simm.s32 @p0 $0x1  }
0x13: {  	[smem:$0x3FB2] =	sst s0;
	s0 =	simm.s32 @!p1 $0x0  }
0x14: {  	s2 =	sld [smem:$0x3F96];
	s0 =	simm.s32 @p1 $0x1  }
0x15: {  	[smem:$0x3FB3] =	sst s0;
	s0 =	simm.s32 @!p2 $0x0  }
0x16: {  	s3 =	sld [smem:$0x3FDB];
	s0 =	simm.s32 @p2 $0x1  }
0x17: {  	s4 =	simm.s32 $0x1BF5;
	[smem:$0x3FB5] =	sst s0  }
0x18: {  	s0 =	sld [smem:$0x3F98];
	_ =	swait.ge [sflag:s4], $0x0  }
0x19: {  	s7 =	sld [smem:$0x3F99]  }
0x1a: {  	s8 =	sadd.s32 $0xFFFFE003, lr  }
0x1b: {  	s9 =	sadd.s32 $0xFFFFFEF7, lr;
	s5 =	simm.s32 $0xFFFFFFFF;
	p2 =	slt.u32 s8, $0xFFFFF086  }
0x1c: {  	p1 =	slt.u32 s9, $0xF7A;
	s5 =	simm.s32 @!p2 $0x0  }
0x1d: {  	s5 =	simm.s32 @p1 $0x1;
	p0 =	seq.s32 s7, s2  }
0x1e: {  	s7 =	smul.u32 @!p0 $0xF7A, s2;
	p2 =	seq.s32 @!p0 s5, $0x0  }
0x1f: {  	s9 =	smul.u32 $0xF7A, s1;
	s8 =	simm.s32 @!p0 $0x1BF5;
	p2 =	por !p2, p0  }
0x20: {  	[sflag:s8] =	ssyncset.s32 @!p0 $0xFFFFF086;
	s6 =	sadd.s32 @!p0 s3, s7;
	s7 =	simm.s32 @!p0 $0x108  }
0x21: {  	s3 =	sadd.s32 s3, s9;
	s6 =	sadd.s32 @!p0 $0x88, s6;
	s7 =	simm.s32 @p2 $0x1082  }
0x22: {  	[simem:s7], [sflag:s8] =	dma.local @!p0 [hbm:s6], $0xF7A  }
0x23: {  	s9 =	sor.u32 $0xD0000000, s2;
	s6 =	simm.s32 $0x108;
	_ =	swait.ge @!p0 [sflag:s8], $0x0  }
0x24: {  	s3 =	sadd.s32 $0x88, s3;
	s6 =	simm.s32 @!p1 $0x1082;
	[sflag:s4] =	ssyncset.s32 $0xFFFFF086  }
0x25: {  	[simem:s6], [sflag:s4] =	dma.local [hbm:s3], $0xF7A  }
0x26: {  	[smem:$0x3F99] =	sst s1;
	(tag) =	ssettag s2;
	_ =	strace s9  }
0x27: {  	s1 =	sld [smem:$0x3FA9]  }
0x28: {  	s2 =	sld [smem:$0x3FAA]  }
0x29: {  	s4 =	sld [smem:$0x3FAC]  }
0x2a: {  	p0 =	seq.s32 s5, $0x0;
	s5 =	sld [smem:$0x3FAD]  }
0x2b: {  	s6 =	sld [smem:$0x3FAE]  }
0x2c: {  	s7 =	sld [smem:$0x3FAF]  }
0x2d: {  	s3 =	simm.s32 $0x108;
	s8 =	sld [smem:$0x3FB0]  }
0x2e: {  	s3 =	simm.s32 @!p0 $0x1082;
	s9 =	sld [smem:$0x3FB1]  }
0x2f: {  	lr =	sadd.s32 s0, s3;
	s0 =	sld [smem:$0x3FA8]  }
0x30: {  	s3 =	sld [smem:$0x3FAB]  }
0x31: {  	[smem:$0x3FB4] =	sst s10  }
0x32: {  	s10 =	sld [smem:$0x3FB2];
	_ =	sdelay $0x3  }
0x33: {  	p0 =	seq.s32 s10, $0x1;
	s10 =	sld [smem:$0x3FB4];
	_ =	sdelay $0x3  }
0x34: {  	[smem:$0x3FB4] =	sst s10  }
0x35: {  	s10 =	sld [smem:$0x3FB3];
	_ =	sdelay $0x3  }
0x36: {  	p1 =	seq.s32 s10, $0x1;
	s10 =	sld [smem:$0x3FB4];
	_ =	sdelay $0x3  }
0x37: {  	[smem:$0x3FB4] =	sst s10  }
0x38: {  	s10 =	sld [smem:$0x3FB5]  }
0x39: {  	_ = 	snop;
	(pc) =	sbr.ind lr, $3  }
0x3a: {  	_ = 	snop  }
0x3b: {  	_ = 	snop  }
0x3c: {  	p2 =	seq.s32 s10, $0x1;
	s10 =	sld [smem:$0x3FB4]  }
0x3d: {  	_ =	shalt  }
0x3e: {  	_ =	shalt  }
0x3f: {  	_ =	shalt  }
0x40: {  	_ =	shalt  }
0x41: {  	_ =	shalt  }
0x42: {  	_ =	shalt  }
0x43: {  	_ =	shalt  }
0x44: {  	_ =	shalt  }
0x45: {  	_ =	shalt  }
0x46: {  	_ =	shalt  }
0x47: {  	_ =	shalt  }
0x48: {  	_ =	shalt  }
0x49: {  	_ =	shalt  }
0x4a: {  	_ =	shalt  }
0x4b: {  	_ =	shalt  }
0x4c: {  	_ =	shalt  }
0x4d: {  	_ =	shalt  }
0x4e: {  	_ =	shalt  }
0x4f: {  	_ =	shalt  }
0x50: {  	_ =	shalt  }
0x51: {  	_ =	shalt  }
0x52: {  	_ =	shalt  }
0x53: {  	_ =	shalt  }
0x54: {  	_ =	shalt  }
0x55: {  	_ =	shalt  }
0x56: {  	_ =	shalt  }
0x57: {  	_ =	shalt  }
0x58: {  	_ =	shalt  }
0x59: {  	_ =	shalt  }
0x5a: {  	_ =	shalt  }
0x5b: {  	_ =	shalt  }
0x5c: {  	_ =	shalt  }
0x5d: {  	_ =	shalt  }
0x5e: {  	_ =	shalt  }
0x5f: {  	_ =	shalt  }
0x60: {  	_ =	shalt  }
0x61: {  	_ =	shalt  }
0x62: {  	_ =	shalt  }
0x63: {  	_ =	shalt  }
0x64: {  	_ =	shalt  }
0x65: {  	_ =	shalt  }
0x66: {  	_ =	shalt  }
0x67: {  	_ =	shalt  }
0x68: {  	_ =	shalt  }
0x69: {  	_ =	shalt  }
0x6a: {  	_ =	shalt  }
0x6b: {  	_ =	shalt  }
0x6c: {  	_ =	shalt  }
0x6d: {  	_ =	shalt  }
0x6e: {  	_ =	shalt  }
0x6f: {  	_ =	shalt  }
0x70: {  	_ =	shalt  }
0x71: {  	_ =	shalt  }
0x72: {  	_ =	shalt  }
0x73: {  	_ =	shalt  }
0x74: {  	_ =	shalt  }
0x75: {  	_ =	shalt  }
0x76: {  	_ =	shalt  }
0x77: {  	_ =	shalt  }
0x78: {  	_ =	shalt  }
0x79: {  	_ =	shalt  }
0x7a: {  	_ =	shalt  }
0x7b: {  	_ =	shalt  }
0x7c: {  	_ =	shalt  }
0x7d: {  	_ =	shalt  }
0x7e: {  	_ =	shalt  }
0x7f: {  	_ =	shalt  }
0x80: {  	_ =	shalt  }
0x81: {  	_ =	shalt  }
0x82: {  	_ =	shalt  }
0x83: {  	_ =	shalt  }
0x84: {  	_ =	shalt  }
0x85: {  	_ =	shalt  }
0x86: {  	_ =	shalt  }
0x87: {  	_ =	shalt  }
.Lfunc_end0:
.L_simem_size_0:
called_computation.2_lowered:
.L_overlay_start_0:
0x88: {  	s2 =	sld [smem:$0x3FD9]  }
0x89: {  	s3 =	sld [smem:$0x3FFE];
	_ =	sdelay $0x1  }
0x8a: {  	s1 =	srdreg.scid  }
0x8b: {  	s0 =	sand.u32 $0x1, s1  }
0x8c: {  	s17 =	sshll.u32 s0, $0xA;
	s2 =	sadd.s32 s3, s2  }
0x8d: {  	s2 =	sadd.s32 s2, s17  }
0x8e: {  	[smem:$0x3FC0] =	sst s2  }
0x8f: {  	_ = 	snop  }
0x90: {  	s2 =	sld [smem:$0x3FD0];
	(tm) =	ssettm $0x1  }
0x91: {  	s18 =	sld [smem:$0x3FFB];
	_ =	sdelay $0x3  }
0x92: {  	_ =	strace s18  }
0x93: {  	s3 =	sld [smem:$0x3FFC];
	_ =	sdelay $0x3  }
0x94: {  	_ =	strace s3  }
0x95: {  	s3 =	sld [smem:$0x3FFD];
	_ =	sdelay $0x3  }
0x96: {  	_ =	strace s3  }
0x97: {  	_ =	strace $0x8FFFFFFF  }
0x98: {  	s19 =	sld [smem:$0x3FDB];
	_ =	sdelay $0x1  }
0x99: {  	s4 =	simm.s32 $_scs_section_size  }
0x9a: {  	s5 =	simm.s32 $_size__tile_overlayer_lowered;
	s6 =	simm.s32 $_tile_overlayer_lowered  }
0x9b: {  	s22 =	simm.s32 $0x1BFF;
	s21 =	sshll.u32 s6, $0x1;
	s3 =	sadd.s32 s4, s19  }
0x9c: {  	s7 =	simm.s32 $0x0;
	s20 =	sshll.u32 s5, $0x1;
	s5 =	sadd.s32 s21, s3  }
0x9d: {  	[timem:s7], [sflag:s22] =	dma.local [hbm:s5], s20  }
0x9e: {  	_ =	swait.ge [sflag:s22], s20  }
0x9f: {  	s4 =	ssub.s32 $0x0, s20;
	[sflag:s22] =	ssyncset.done $0x0  }
0xa0: {  	[sflag:s22] =	ssyncadd.s32 s4;
	_ =	sdelay $0x1  }
0xa1: {  	s23 =	simm.s32 $0x1B8B  }
0xa2: {  	_ =	swait.ge [sflag:s23], $0x1  }
0xa3: {  	[sflag:s23] =	ssyncset.done $0x0  }
0xa4: {  	s25 =	simm.s32 $0x1B8E;
	s24 =	sld [smem:$0x3FFE];
	[sflag:s23] =	ssyncadd.s32 $0xFFFFFFFF  }
0xa5: {  	s26 =	simm.s32 $execute0_lowered;
	[smem:$0x3FD2] =	sst s25  }
0xa6: {  	s5 =	sshll.u32 s26, $0x1;
	_ =	strace $0x80000049;
	[dreg:$0x1] =	wrdreg $0xFFFFFFFF  }
0xa7: {  	s28 =	simm.s32 $_size_execute0_lowered;
	s3 =	sadd.s32 s3, s5;
	[dreg:$0x0] =	wrdreg $0x0  }
0xa8: {  	s5 =	sshll.u32 s28, $0x1;
	[dreg:$0x2] =	wrdreg s3  }
0xa9: {  	[dreg:$0x3] =	wrdreg s5  }
0xaa: {  	[dreg:$0x4] =	wrdreg $0xC0  }
0xab: {  	_ =	task [dreg:s7], $0x5FFFF  }
0xac: {  	[dreg:$0x1] =	wrdreg $0xFFFFFFFF  }
0xad: {  	[dreg:$0x0] =	wrdreg $0x60  }
0xae: {  	[dreg:$0x2] =	wrdreg s2  }
0xaf: {  	[dreg:$0x3] =	wrdreg s24  }
0xb0: {  	[dreg:$0x4] =	wrdreg $0x9  }
0xb1: {  	_ =	task.clear_ibuf [dreg:s7], $0x5FFFF;
	_ =	strace $0x90000049  }
0xb2: {  	s29 =	simm.s32 $0x9;
	_ =	strace $0x8000004B  }
0xb3: {  	_ =	swait.ge [sflag:s29], $0x1  }
0xb4: {  	[sflag:s29] =	ssyncadd.s32 $0xFFFFFFFF  }
0xb5: {  	_ =	strace $0x9000004B  }
0xb6: {  	_ =	sfence  }
0xb7: {  	s30 =	sld [smem:$0x0];
	_ =	sdelay $0x2  }
0xb8: {  	s31 =	sshll.u32 s1, $0xD;
	s1 =	sshrl.u32 s1, $0x2  }
0xb9: {  	s3 =	sand.u32 $0x4000, s31;
	s1 =	sadd.s32 s1, s30  }
0xba: {  	s0 =	sor.u32 s3, s0;
	s1 =	sshll.u32 s1, $0x11  }
0xbb: {  	s0 =	sor.u32 s1, s0  }
0xbc: {  	s0 =	sadd.s32 $0x8F2B, s0  }
0xbd: {  	[sflag:s0] =	ssyncadd.remote.s32 $0x1  }
0xbe: {  	_ =	sfence.sel $0xFFFF  }
0xbf: {  	[dreg:$0x0] =	wrdreg $0xFFFFFFFF;
	(pc) =	sbr.abs _section_cstart, $3  }
0xc0: {  	[dreg:$0x1] =	wrdreg $0xFFFFFFFF  }
0xc1: {  	_ =	task.clear_ibuf [dreg:s7], $0x2FFFF;
	_ =	strace $0x9FFFFFFF  }
0xc2: {  	(tm) =	ssettm $0x7FFFFFFF  }
0xc3: {  	_ =	shalt  }
tec
execute0_lowered:
.L_overlay_start_1:
0x0: {  	(tag) =	ssettag $0x1  }
0x1: {  	s2 =	rddreg [dreg:$0x0]  }
0x2: {  	s0 =	srdreg.scid;
	s1 =	rddreg [dreg:$0x1]  }
0x3: {  	s5 =	stileid.u32;
	s3 =	simm.s32 $0x0;
	s29 =	simm.s32 $0x80  }
0x4: {  	s30 =	simm.s32 $0x8900;
	s31 =	simm.s32 $0x9100;
	s0 =	sand.u32 $0x1, s0  }
0x5: {  	s10 =	simm.s32 $0xA900;
	s11 =	simm.s32 $0xB100;
	s4 =	sshll.u32 s0, $0x4  }
0x6: {  	s12 =	simm.s32 $0xB900;
	[smem:$0x7FF] =	sst s3;
	s4 =	sor.u32 s5, s4  }
0x7: {  	s6 =	sadd.s32 $0x20400, s1;
	s0 =	ssub.s32 $0x2, s0;
	s5 =	smul.u32 $0x140, s4  }
0x8: {  	s1 =	sadd.s32 $0x40600, s1;
	s28 =	sshrl.u32 s0, $0x1;
	s4 =	smul.u32 $0x5000, s4  }
0x9: {  	_ =	strace $0x8000004A;
	s0 =	ssub.s32 s0, s28;
	s7 =	sshrl.u32 s5, $0x3  }
0xa: {  	s8 =	sadd.s32 $0x40, s5;
	s14 =	sadd.s32 $0x80, s5;
	s4 =	sadd.s32 s1, s4  }
0xb: {  	s19 =	sadd.s32 $0xC0, s5;
	s5 =	sadd.s32 $0x100, s5;
	s7 =	sadd.s32 s6, s7  }
0xc: {  	s9 =	sshrl.u32 s8, $0x3;
	s15 =	sshrl.u32 s14, $0x3;
	[dreg:$0x5] =	wrdreg s4  }
0xd: {  	s17 =	sshll.u32 s8, $0x6;
	s20 =	sshrl.u32 s19, $0x3;
	s21 =	sshll.u32 s14, $0x6  }
0xe: {  	s23 =	sshrl.u32 s5, $0x3;
	s25 =	sshll.u32 s19, $0x6;
	s5 =	sshll.u32 s5, $0x6  }
0xf: {  	s14 =	simm.s32 $0xC900;
	s19 =	simm.s32 $0xF100;
	[dreg:$0x3] =	wrdreg s7  }
0x10: {  	s13 =	sadd.s32 s6, s9;
	s16 =	sadd.s32 s6, s15;
	s18 =	sadd.s32 s1, s17  }
0x11: {  	s4 =	sadd.s32 s6, s20;
	s22 =	sadd.s32 s1, s21;
	[dreg:$0x4] =	wrdreg s13  }
0x12: {  	s24 =	sadd.s32 s6, s23;
	s26 =	sadd.s32 s1, s25;
	[dreg:$0x6] =	wrdreg s16  }
0x13: {  	s1 =	sadd.s32 s1, s5;
	s5 =	smax.u32 s0, $0x1;
	[dreg:$0x7] =	wrdreg s18  }
0x14: {  	s6 =	simm.s32 $0x5;
	s21 =	simm.s32 $0x100;
	[dreg:$0x8] =	wrdreg s4  }
0x15: {  	s0 =	simm.s32 $0x1;
	s23 =	simm.s32 $0x2;
	[dreg:$0x9] =	wrdreg s22  }
0x16: {  	s25 =	simm.s32 $0x4;
	s9 =	simm.s32 $0xA100;
	[dreg:$0xa] =	wrdreg s24  }
0x17: {  	s15 =	simm.s32 $0xD100;
	s17 =	simm.s32 $0xE100;
	[dreg:$0xb] =	wrdreg s26  }
0x18: {  	v2 =	vlaneseq.u32;
	s20 =	simm.s32 $0xF900;
	s4 =	sadd.s32 $0x100, s2;
	[dreg:$0xc] =	wrdreg s1  }
0x19: {  	vm0 =	vmmov $0xffff;
	v1 =	vshrl.u32 v2, $0x3;
	s1 =	simm.s32 $0x3;
	s22 =	simm.s32 $0x7100;
	s24 =	simm.s32 $0x7900  }
0x1a: {  	v0 =	vand.u32 $0x7, v2;
	v2 =	vor.u32 $0x8, v2;
	v1 =	vmul.u32 $0x8, v1;
	s13 =	simm.s32 $0xC100;
	s16 =	simm.s32 $0xD900;
	s18 =	simm.s32 $0xE900  }
.LBB2_1:
0x1b: {  	s26 =	rddreg [dreg:$0x3]  }
0x1c: {  	[tilespmem:s3], [sflag:$0x5] =	stream.linear.gather [hbm4b:s26+s3], $0x40, $0x38;
	[tilespmem:$0x10100] =	vst v63  }
0x1d: {  	_ =	swait.ge [sflag:s6], $0x40  }
0x1e: {  	[sflag:s6] =	ssyncset.done $0x0  }
0x1f: {  	[sflag:s6] =	ssyncadd.s32 $0xFFFFFFC0  }
0x20: {  	v3 =	vld [tilespmem:$0x0];
	_ =	sdelay $0x4  }
0x21: {  	v4 =	vshll.u32 v3, $0x2  }
0x22: {  	v3 =	vand.u32 $0x7, v3;
	v4 =	vand.u32 $0xFFFFFFE0, v4  }
0x23: {  	v3 =	vor.u32 v3, v4  }
0x24: {  	v4 =	vperm.xlane v3, v0;
	_ =	sdelay $0x1  }
0x25: {  	v4 =	vadd.s32 v1, v4;
	_ =	sdelay $0x1  }
0x26: {  	v3 =	vperm.xlane v3, v2;
	_ =	sdelay $0x1  }
0x27: {  	v3 =	vadd.s32 v1, v3  }
0x28: {  	[tilespmem:s21], [sflag:$0x1] =	stream.indirect_vreg.gather [hbm4b:s2+s3], $0x80, v4, vm0, $0xb8;
	[tilespmem:$0x10100] =	vst v63  }
0x29: {  	s7 =	simm.s32 $0x900  }
0x2a: {  	[tilespmem:s7], [sflag:$0x1] =	stream.indirect_vreg.gather [hbm4b:s4+s3], $0x80, v4, vm0, $0xb8;
	[tilespmem:$0x10100] =	vst v63  }
0x2b: {  	s8 =	simm.s32 $0x1100  }
0x2c: {  	[tilespmem:s8], [sflag:$0x1] =	stream.indirect_vreg.gather [hbm4b:s2+s3], $0x80, v3, vm0, $0xb8;
	[tilespmem:$0x10100] =	vst v63  }
0x2d: {  	s26 =	simm.s32 $0x1900  }
0x2e: {  	[tilespmem:s26], [sflag:$0x1] =	stream.indirect_vreg.gather [hbm4b:s4+s3], $0x80, v3, vm0, $0xb8;
	[tilespmem:$0x10100] =	vst v63  }
0x2f: {  	v3 =	vld [tilespmem:$0x10];
	_ =	sdelay $0x4  }
0x30: {  	v45 =	vshll.u32 v3, $0x2  }
0x31: {  	v3 =	vand.u32 $0x7, v3;
	v4 =	vand.u32 $0xFFFFFFE0, v45  }
0x32: {  	v3 =	vor.u32 v3, v4  }
0x33: {  	v4 =	vperm.xlane v3, v0;
	_ =	sdelay $0x1  }
0x34: {  	v4 =	vadd.s32 v1, v4;
	_ =	sdelay $0x1  }
0x35: {  	v3 =	vperm.xlane v3, v2;
	_ =	sdelay $0x1  }
0x36: {  	s28 =	simm.s32 $0x2100;
	v3 =	vadd.s32 v1, v3  }
0x37: {  	[tilespmem:s28], [sflag:$0x1] =	stream.indirect_vreg.gather [hbm4b:s2+s3], $0x80, v4, vm0, $0xb8;
	[tilespmem:$0x10100] =	vst v63  }
0x38: {  	s8 =	simm.s32 $0x2900  }
0x39: {  	[tilespmem:s8], [sflag:$0x1] =	stream.indirect_vreg.gather [hbm4b:s4+s3], $0x80, v4, vm0, $0xb8;
	[tilespmem:$0x10100] =	vst v63  }
0x3a: {  	s26 =	simm.s32 $0x3100  }
0x3b: {  	[tilespmem:s26], [sflag:$0x1] =	stream.indirect_vreg.gather [hbm4b:s2+s3], $0x80, v3, vm0, $0xb8;
	[tilespmem:$0x10100] =	vst v63  }
0x3c: {  	s28 =	simm.s32 $0x3900  }
0x3d: {  	[tilespmem:s28], [sflag:$0x1] =	stream.indirect_vreg.gather [hbm4b:s4+s3], $0x80, v3, vm0, $0xb8;
	[tilespmem:$0x10100] =	vst v63  }
0x3e: {  	v3 =	vld [tilespmem:$0x20];
	_ =	sdelay $0x4  }
0x3f: {  	v46 =	vshll.u32 v3, $0x2  }
0x40: {  	v3 =	vand.u32 $0x7, v3;
	v4 =	vand.u32 $0xFFFFFFE0, v46  }
0x41: {  	v3 =	vor.u32 v3, v4  }
0x42: {  	v4 =	vperm.xlane v3, v0;
	_ =	sdelay $0x1  }
0x43: {  	v4 =	vadd.s32 v1, v4;
	_ =	sdelay $0x1  }
0x44: {  	v3 =	vperm.xlane v3, v2;
	_ =	sdelay $0x1  }
0x45: {  	s8 =	simm.s32 $0x4100;
	v3 =	vadd.s32 v1, v3  }
0x46: {  	[tilespmem:s8], [sflag:$0x1] =	stream.indirect_vreg.gather [hbm4b:s2+s3], $0x80, v4, vm0, $0xb8;
	[tilespmem:$0x10100] =	vst v63  }
0x47: {  	s26 =	simm.s32 $0x4900  }
0x48: {  	[tilespmem:s26], [sflag:$0x1] =	stream.indirect_vreg.gather [hbm4b:s4+s3], $0x80, v4, vm0, $0xb8;
	[tilespmem:$0x10100] =	vst v63  }
0x49: {  	s28 =	simm.s32 $0x5100  }
0x4a: {  	[tilespmem:s28], [sflag:$0x1] =	stream.indirect_vreg.gather [hbm4b:s2+s3], $0x80, v3, vm0, $0xb8;
	[tilespmem:$0x10100] =	vst v63  }
0x4b: {  	s8 =	simm.s32 $0x5900  }
0x4c: {  	[tilespmem:s8], [sflag:$0x1] =	stream.indirect_vreg.gather [hbm4b:s4+s3], $0x80, v3, vm0, $0xb8;
	[tilespmem:$0x10100] =	vst v63  }
0x4d: {  	v3 =	vld [tilespmem:$0x30];
	_ =	sdelay $0x4  }
0x4e: {  	v47 =	vshll.u32 v3, $0x2  }
0x4f: {  	v3 =	vand.u32 $0x7, v3;
	v4 =	vand.u32 $0xFFFFFFE0, v47  }
0x50: {  	v3 =	vor.u32 v3, v4  }
0x51: {  	v4 =	vperm.xlane v3, v0;
	_ =	sdelay $0x1  }
0x52: {  	v4 =	vadd.s32 v1, v4;
	_ =	sdelay $0x1  }
0x53: {  	v3 =	vperm.xlane v3, v2;
	_ =	sdelay $0x1  }
0x54: {  	s26 =	simm.s32 $0x6100;
	v3 =	vadd.s32 v1, v3  }
0x55: {  	[tilespmem:s26], [sflag:$0x1] =	stream.indirect_vreg.gather [hbm4b:s2+s3], $0x80, v4, vm0, $0xb8;
	[tilespmem:$0x10100] =	vst v63  }
0x56: {  	s28 =	simm.s32 $0x6900  }
0x57: {  	[tilespmem:s28], [sflag:$0x1] =	stream.indirect_vreg.gather [hbm4b:s4+s3], $0x80, v4, vm0, $0xb8;
	[tilespmem:$0x10100] =	vst v63  }
0x58: {  	_ = 	snop  }
0x59: {  	[tilespmem:s22], [sflag:$0x1] =	stream.indirect_vreg.gather [hbm4b:s2+s3], $0x80, v3, vm0, $0xb8;
	[tilespmem:$0x10100] =	vst v63  }
0x5a: {  	_ = 	snop  }
0x5b: {  	[tilespmem:s24], [sflag:$0x1] =	stream.indirect_vreg.gather [hbm4b:s4+s3], $0x80, v3, vm0, $0xb8;
	[tilespmem:$0x10100] =	vst v63  }
0x5c: {  	s8 =	rddreg [dreg:$0x4]  }
0x5d: {  	[tilespmem:s29], [sflag:$0x5] =	stream.linear.gather [hbm4b:s8+s3], $0x40, $0x38;
	[tilespmem:$0x10100] =	vst v63  }
0x5e: {  	_ =	swait.ge [sflag:s6], $0x40  }
0x5f: {  	[sflag:s6] =	ssyncset.done $0x0  }
0x60: {  	[sflag:s6] =	ssyncadd.s32 $0xFFFFFFC0  }
0x61: {  	v3 =	vld [tilespmem:$0x80];
	_ =	sdelay $0x4  }
0x62: {  	v48 =	vshll.u32 v3, $0x2  }
0x63: {  	v3 =	vand.u32 $0x7, v3;
	v4 =	vand.u32 $0xFFFFFFE0, v48  }
0x64: {  	v3 =	vor.u32 v3, v4  }
0x65: {  	v4 =	vperm.xlane v3, v0;
	_ =	sdelay $0x1  }
0x66: {  	v4 =	vadd.s32 v1, v4;
	_ =	sdelay $0x1  }
0x67: {  	v3 =	vperm.xlane v3, v2;
	_ =	sdelay $0x1  }
0x68: {  	s7 =	simm.s32 $0x8100;
	v3 =	vadd.s32 v1, v3  }
0x69: {  	[tilespmem:s7], [sflag:$0x2] =	stream.indirect_vreg.gather [hbm4b:s2+s3], $0x80, v4, vm0, $0xb8;
	[tilespmem:$0x10100] =	vst v63  }
0x6a: {  	_ = 	snop  }
0x6b: {  	[tilespmem:s30], [sflag:$0x2] =	stream.indirect_vreg.gather [hbm4b:s4+s3], $0x80, v4, vm0, $0xb8;
	[tilespmem:$0x10100] =	vst v63  }
0x6c: {  	_ = 	snop  }
0x6d: {  	[tilespmem:s31], [sflag:$0x2] =	stream.indirect_vreg.gather [hbm4b:s2+s3], $0x80, v3, vm0, $0xb8;
	[tilespmem:$0x10100] =	vst v63  }
0x6e: {  	s8 =	simm.s32 $0x9900  }
0x6f: {  	[tilespmem:s8], [sflag:$0x2] =	stream.indirect_vreg.gather [hbm4b:s4+s3], $0x80, v3, vm0, $0xb8;
	[tilespmem:$0x10100] =	vst v63  }
0x70: {  	v3 =	vld [tilespmem:$0x90];
	_ =	sdelay $0x4  }
0x71: {  	v49 =	vshll.u32 v3, $0x2  }
0x72: {  	v3 =	vand.u32 $0x7, v3;
	v4 =	vand.u32 $0xFFFFFFE0, v49  }
0x73: {  	v3 =	vor.u32 v3, v4  }
0x74: {  	v4 =	vperm.xlane v3, v0;
	_ =	sdelay $0x1  }
0x75: {  	v4 =	vadd.s32 v1, v4;
	_ =	sdelay $0x1  }
0x76: {  	v3 =	vperm.xlane v3, v2;
	_ =	sdelay $0x1  }
0x77: {  	v3 =	vadd.s32 v1, v3  }
0x78: {  	[tilespmem:s9], [sflag:$0x2] =	stream.indirect_vreg.gather [hbm4b:s2+s3], $0x80, v4, vm0, $0xb8;
	[tilespmem:$0x10100] =	vst v63  }
0x79: {  	_ = 	snop  }
0x7a: {  	[tilespmem:s10], [sflag:$0x2] =	stream.indirect_vreg.gather [hbm4b:s4+s3], $0x80, v4, vm0, $0xb8;
	[tilespmem:$0x10100] =	vst v63  }
0x7b: {  	_ = 	snop  }
0x7c: {  	[tilespmem:s11], [sflag:$0x2] =	stream.indirect_vreg.gather [hbm4b:s2+s3], $0x80, v3, vm0, $0xb8;
	[tilespmem:$0x10100] =	vst v63  }
0x7d: {  	_ = 	snop  }
0x7e: {  	[tilespmem:s12], [sflag:$0x2] =	stream.indirect_vreg.gather [hbm4b:s4+s3], $0x80, v3, vm0, $0xb8;
	[tilespmem:$0x10100] =	vst v63  }
0x7f: {  	v3 =	vld [tilespmem:$0xA0];
	_ =	sdelay $0x4  }
0x80: {  	v50 =	vshll.u32 v3, $0x2  }
0x81: {  	v3 =	vand.u32 $0x7, v3;
	v4 =	vand.u32 $0xFFFFFFE0, v50  }
0x82: {  	v3 =	vor.u32 v3, v4  }
0x83: {  	v4 =	vperm.xlane v3, v0;
	_ =	sdelay $0x1  }
0x84: {  	v4 =	vadd.s32 v1, v4;
	_ =	sdelay $0x1  }
0x85: {  	v3 =	vperm.xlane v3, v2;
	_ =	sdelay $0x1  }
0x86: {  	v3 =	vadd.s32 v1, v3  }
0x87: {  	[tilespmem:s13], [sflag:$0x2] =	stream.indirect_vreg.gather [hbm4b:s2+s3], $0x80, v4, vm0, $0xb8;
	[tilespmem:$0x10100] =	vst v63  }
0x88: {  	_ = 	snop  }
0x89: {  	[tilespmem:s14], [sflag:$0x2] =	stream.indirect_vreg.gather [hbm4b:s4+s3], $0x80, v4, vm0, $0xb8;
	[tilespmem:$0x10100] =	vst v63  }
0x8a: {  	_ = 	snop  }
0x8b: {  	[tilespmem:s15], [sflag:$0x2] =	stream.indirect_vreg.gather [hbm4b:s2+s3], $0x80, v3, vm0, $0xb8;
	[tilespmem:$0x10100] =	vst v63  }
0x8c: {  	_ = 	snop  }
0x8d: {  	[tilespmem:s16], [sflag:$0x2] =	stream.indirect_vreg.gather [hbm4b:s4+s3], $0x80, v3, vm0, $0xb8;
	[tilespmem:$0x10100] =	vst v63  }
0x8e: {  	v3 =	vld [tilespmem:$0xB0];
	_ =	sdelay $0x4  }
0x8f: {  	v51 =	vshll.u32 v3, $0x2  }
0x90: {  	v3 =	vand.u32 $0x7, v3;
	v4 =	vand.u32 $0xFFFFFFE0, v51  }
0x91: {  	v3 =	vor.u32 v3, v4  }
0x92: {  	v4 =	vperm.xlane v3, v0;
	_ =	sdelay $0x1  }
0x93: {  	v4 =	vadd.s32 v1, v4;
	_ =	sdelay $0x1  }
0x94: {  	v3 =	vperm.xlane v3, v2;
	_ =	sdelay $0x1  }
0x95: {  	v3 =	vadd.s32 v1, v3  }
0x96: {  	[tilespmem:s17], [sflag:$0x2] =	stream.indirect_vreg.gather [hbm4b:s2+s3], $0x80, v4, vm0, $0xb8;
	[tilespmem:$0x10100] =	vst v63  }
0x97: {  	_ = 	snop  }
0x98: {  	[tilespmem:s18], [sflag:$0x2] =	stream.indirect_vreg.gather [hbm4b:s4+s3], $0x80, v4, vm0, $0xb8;
	[tilespmem:$0x10100] =	vst v63  }
0x99: {  	_ = 	snop  }
0x9a: {  	[tilespmem:s19], [sflag:$0x2] =	stream.indirect_vreg.gather [hbm4b:s2+s3], $0x80, v3, vm0, $0xb8;
	[tilespmem:$0x10100] =	vst v63  }
0x9b: {  	_ = 	snop  }
0x9c: {  	[tilespmem:s20], [sflag:$0x2] =	stream.indirect_vreg.gather [hbm4b:s4+s3], $0x80, v3, vm0, $0xb8;
	[tilespmem:$0x10100] =	vst v63  }
0x9d: {  	_ =	swait.ge [sflag:s0], $0x8000  }
0x9e: {  	[sflag:s0] =	ssyncset.done $0x0  }
0x9f: {  	s26 =	rddreg [dreg:$0x5];
	[sflag:s0] =	ssyncadd.s32 $0xFFFF8000  }
0xa0: {  	[hbm4b:s26+s3] =	stream.linear.scatter [tilespmem:s21], [sflag:$0x3], $0x8000, $0x38;
	[tilespmem:$0x10100] =	vst v63  }
0xa1: {  	s28 =	rddreg [dreg:$0x6]  }
0xa2: {  	[tilespmem:s3], [sflag:$0x5] =	stream.linear.gather [hbm4b:s28+s3], $0x40, $0x38;
	[tilespmem:$0x10100] =	vst v63  }
0xa3: {  	_ =	swait.ge [sflag:s6], $0x40  }
0xa4: {  	[sflag:s6] =	ssyncset.done $0x0  }
0xa5: {  	[sflag:s6] =	ssyncadd.s32 $0xFFFFFFC0  }
0xa6: {  	_ =	swait.ge [sflag:s1], $0x8000  }
0xa7: {  	[sflag:s1] =	ssyncset.done $0x0  }
0xa8: {  	[sflag:s1] =	ssyncadd.s32 $0xFFFF8000  }
0xa9: {  	v3 =	vld [tilespmem:$0x0];
	_ =	sdelay $0x4  }
0xaa: {  	v52 =	vshll.u32 v3, $0x2  }
0xab: {  	v3 =	vand.u32 $0x7, v3;
	v4 =	vand.u32 $0xFFFFFFE0, v52  }
0xac: {  	v3 =	vor.u32 v3, v4  }
0xad: {  	v4 =	vperm.xlane v3, v0;
	_ =	sdelay $0x1  }
0xae: {  	v4 =	vadd.s32 v1, v4;
	_ =	sdelay $0x1  }
0xaf: {  	v3 =	vperm.xlane v3, v2;
	_ =	sdelay $0x1  }
0xb0: {  	v3 =	vadd.s32 v1, v3  }
0xb1: {  	[tilespmem:s21], [sflag:$0x1] =	stream.indirect_vreg.gather [hbm4b:s2+s3], $0x80, v4, vm0, $0xb8;
	[tilespmem:$0x10100] =	vst v63  }
0xb2: {  	s28 =	simm.s32 $0x900  }
0xb3: {  	[tilespmem:s28], [sflag:$0x1] =	stream.indirect_vreg.gather [hbm4b:s4+s3], $0x80, v4, vm0, $0xb8;
	[tilespmem:$0x10100] =	vst v63  }
0xb4: {  	s28 =	simm.s32 $0x1100  }
0xb5: {  	[tilespmem:s28], [sflag:$0x1] =	stream.indirect_vreg.gather [hbm4b:s2+s3], $0x80, v3, vm0, $0xb8;
	[tilespmem:$0x10100] =	vst v63  }
0xb6: {  	s28 =	simm.s32 $0x1900  }
0xb7: {  	[tilespmem:s28], [sflag:$0x1] =	stream.indirect_vreg.gather [hbm4b:s4+s3], $0x80, v3, vm0, $0xb8;
	[tilespmem:$0x10100] =	vst v63  }
0xb8: {  	v3 =	vld [tilespmem:$0x10];
	_ =	sdelay $0x4  }
0xb9: {  	v53 =	vshll.u32 v3, $0x2  }
0xba: {  	v3 =	vand.u32 $0x7, v3;
	v4 =	vand.u32 $0xFFFFFFE0, v53  }
0xbb: {  	v3 =	vor.u32 v3, v4  }
0xbc: {  	v4 =	vperm.xlane v3, v0;
	_ =	sdelay $0x1  }
0xbd: {  	v4 =	vadd.s32 v1, v4;
	_ =	sdelay $0x1  }
0xbe: {  	v3 =	vperm.xlane v3, v2;
	_ =	sdelay $0x1  }
0xbf: {  	s28 =	simm.s32 $0x2100;
	v3 =	vadd.s32 v1, v3  }
0xc0: {  	[tilespmem:s28], [sflag:$0x1] =	stream.indirect_vreg.gather [hbm4b:s2+s3], $0x80, v4, vm0, $0xb8;
	[tilespmem:$0x10100] =	vst v63  }
0xc1: {  	s28 =	simm.s32 $0x2900  }
0xc2: {  	[tilespmem:s28], [sflag:$0x1] =	stream.indirect_vreg.gather [hbm4b:s4+s3], $0x80, v4, vm0, $0xb8;
	[tilespmem:$0x10100] =	vst v63  }
0xc3: {  	s28 =	simm.s32 $0x3100  }
0xc4: {  	[tilespmem:s28], [sflag:$0x1] =	stream.indirect_vreg.gather [hbm4b:s2+s3], $0x80, v3, vm0, $0xb8;
	[tilespmem:$0x10100] =	vst v63  }
0xc5: {  	s28 =	simm.s32 $0x3900  }
0xc6: {  	[tilespmem:s28], [sflag:$0x1] =	stream.indirect_vreg.gather [hbm4b:s4+s3], $0x80, v3, vm0, $0xb8;
	[tilespmem:$0x10100] =	vst v63  }
0xc7: {  	v3 =	vld [tilespmem:$0x20];
	_ =	sdelay $0x4  }
0xc8: {  	v54 =	vshll.u32 v3, $0x2  }
0xc9: {  	v3 =	vand.u32 $0x7, v3;
	v4 =	vand.u32 $0xFFFFFFE0, v54  }
0xca: {  	v3 =	vor.u32 v3, v4  }
0xcb: {  	v4 =	vperm.xlane v3, v0;
	_ =	sdelay $0x1  }
0xcc: {  	v4 =	vadd.s32 v1, v4;
	_ =	sdelay $0x1  }
0xcd: {  	v3 =	vperm.xlane v3, v2;
	_ =	sdelay $0x1  }
0xce: {  	s28 =	simm.s32 $0x4100;
	v3 =	vadd.s32 v1, v3  }
0xcf: {  	[tilespmem:s28], [sflag:$0x1] =	stream.indirect_vreg.gather [hbm4b:s2+s3], $0x80, v4, vm0, $0xb8;
	[tilespmem:$0x10100] =	vst v63  }
0xd0: {  	s28 =	simm.s32 $0x4900  }
0xd1: {  	[tilespmem:s28], [sflag:$0x1] =	stream.indirect_vreg.gather [hbm4b:s4+s3], $0x80, v4, vm0, $0xb8;
	[tilespmem:$0x10100] =	vst v63  }
0xd2: {  	s28 =	simm.s32 $0x5100  }
0xd3: {  	[tilespmem:s28], [sflag:$0x1] =	stream.indirect_vreg.gather [hbm4b:s2+s3], $0x80, v3, vm0, $0xb8;
	[tilespmem:$0x10100] =	vst v63  }
0xd4: {  	s28 =	simm.s32 $0x5900  }
0xd5: {  	[tilespmem:s28], [sflag:$0x1] =	stream.indirect_vreg.gather [hbm4b:s4+s3], $0x80, v3, vm0, $0xb8;
	[tilespmem:$0x10100] =	vst v63  }
0xd6: {  	v3 =	vld [tilespmem:$0x30];
	_ =	sdelay $0x4  }
0xd7: {  	v55 =	vshll.u32 v3, $0x2  }
0xd8: {  	v3 =	vand.u32 $0x7, v3;
	v4 =	vand.u32 $0xFFFFFFE0, v55  }
0xd9: {  	v3 =	vor.u32 v3, v4  }
0xda: {  	v4 =	vperm.xlane v3, v0;
	_ =	sdelay $0x1  }
0xdb: {  	v4 =	vadd.s32 v1, v4;
	_ =	sdelay $0x1  }
0xdc: {  	v3 =	vperm.xlane v3, v2;
	_ =	sdelay $0x1  }
0xdd: {  	s28 =	simm.s32 $0x6100;
	v3 =	vadd.s32 v1, v3  }
0xde: {  	[tilespmem:s28], [sflag:$0x1] =	stream.indirect_vreg.gather [hbm4b:s2+s3], $0x80, v4, vm0, $0xb8;
	[tilespmem:$0x10100] =	vst v63  }
0xdf: {  	s28 =	simm.s32 $0x6900  }
0xe0: {  	[tilespmem:s28], [sflag:$0x1] =	stream.indirect_vreg.gather [hbm4b:s4+s3], $0x80, v4, vm0, $0xb8;
	[tilespmem:$0x10100] =	vst v63  }
0xe1: {  	_ = 	snop  }
0xe2: {  	[tilespmem:s22], [sflag:$0x1] =	stream.indirect_vreg.gather [hbm4b:s2+s3], $0x80, v3, vm0, $0xb8;
	[tilespmem:$0x10100] =	vst v63  }
0xe3: {  	_ = 	snop  }
0xe4: {  	[tilespmem:s24], [sflag:$0x1] =	stream.indirect_vreg.gather [hbm4b:s4+s3], $0x80, v3, vm0, $0xb8;
	[tilespmem:$0x10100] =	vst v63  }
0xe5: {  	_ =	swait.ge [sflag:s23], $0x8000  }
0xe6: {  	[sflag:s23] =	ssyncset.done $0x0  }
0xe7: {  	s26 =	rddreg [dreg:$0x7];
	[sflag:s23] =	ssyncadd.s32 $0xFFFF8000  }
0xe8: {  	[hbm4b:s26+s3] =	stream.linear.scatter [tilespmem:s7], [sflag:$0x4], $0x8000, $0x38;
	[tilespmem:$0x10100] =	vst v63  }
0xe9: {  	s28 =	rddreg [dreg:$0x8]  }
0xea: {  	[tilespmem:s29], [sflag:$0x5] =	stream.linear.gather [hbm4b:s28+s3], $0x40, $0x38;
	[tilespmem:$0x10100] =	vst v63  }
0xeb: {  	_ =	swait.ge [sflag:s6], $0x40  }
0xec: {  	[sflag:s6] =	ssyncset.done $0x0  }
0xed: {  	[sflag:s6] =	ssyncadd.s32 $0xFFFFFFC0  }
0xee: {  	_ =	swait.ge [sflag:s25], $0x8000  }
0xef: {  	[sflag:s25] =	ssyncset.done $0x0  }
0xf0: {  	[sflag:s25] =	ssyncadd.s32 $0xFFFF8000  }
0xf1: {  	v3 =	vld [tilespmem:$0x80];
	_ =	sdelay $0x4  }
0xf2: {  	v56 =	vshll.u32 v3, $0x2  }
0xf3: {  	v3 =	vand.u32 $0x7, v3;
	v4 =	vand.u32 $0xFFFFFFE0, v56  }
0xf4: {  	v3 =	vor.u32 v3, v4  }
0xf5: {  	v4 =	vperm.xlane v3, v0;
	_ =	sdelay $0x1  }
0xf6: {  	v4 =	vadd.s32 v1, v4;
	_ =	sdelay $0x1  }
0xf7: {  	v3 =	vperm.xlane v3, v2;
	_ =	sdelay $0x1  }
0xf8: {  	v3 =	vadd.s32 v1, v3  }
0xf9: {  	[tilespmem:s7], [sflag:$0x2] =	stream.indirect_vreg.gather [hbm4b:s2+s3], $0x80, v4, vm0, $0xb8;
	[tilespmem:$0x10100] =	vst v63  }
0xfa: {  	_ = 	snop  }
0xfb: {  	[tilespmem:s30], [sflag:$0x2] =	stream.indirect_vreg.gather [hbm4b:s4+s3], $0x80, v4, vm0, $0xb8;
	[tilespmem:$0x10100] =	vst v63  }
0xfc: {  	_ = 	snop  }
0xfd: {  	[tilespmem:s31], [sflag:$0x2] =	stream.indirect_vreg.gather [hbm4b:s2+s3], $0x80, v3, vm0, $0xb8;
	[tilespmem:$0x10100] =	vst v63  }
0xfe: {  	_ = 	snop  }
0xff: {  	[tilespmem:s8], [sflag:$0x2] =	stream.indirect_vreg.gather [hbm4b:s4+s3], $0x80, v3, vm0, $0xb8;
	[tilespmem:$0x10100] =	vst v63  }
0x100: {  	v3 =	vld [tilespmem:$0x90];
	_ =	sdelay $0x4  }
0x101: {  	v57 =	vshll.u32 v3, $0x2  }
0x102: {  	v3 =	vand.u32 $0x7, v3;
	v4 =	vand.u32 $0xFFFFFFE0, v57  }
0x103: {  	v3 =	vor.u32 v3, v4  }
0x104: {  	v4 =	vperm.xlane v3, v0;
	_ =	sdelay $0x1  }
0x105: {  	v4 =	vadd.s32 v1, v4;
	_ =	sdelay $0x1  }
0x106: {  	v3 =	vperm.xlane v3, v2;
	_ =	sdelay $0x1  }
0x107: {  	v3 =	vadd.s32 v1, v3  }
0x108: {  	[tilespmem:s9], [sflag:$0x2] =	stream.indirect_vreg.gather [hbm4b:s2+s3], $0x80, v4, vm0, $0xb8;
	[tilespmem:$0x10100] =	vst v63  }
0x109: {  	_ = 	snop  }
0x10a: {  	[tilespmem:s10], [sflag:$0x2] =	stream.indirect_vreg.gather [hbm4b:s4+s3], $0x80, v4, vm0, $0xb8;
	[tilespmem:$0x10100] =	vst v63  }
0x10b: {  	_ = 	snop  }
0x10c: {  	[tilespmem:s11], [sflag:$0x2] =	stream.indirect_vreg.gather [hbm4b:s2+s3], $0x80, v3, vm0, $0xb8;
	[tilespmem:$0x10100] =	vst v63  }
0x10d: {  	_ = 	snop  }
0x10e: {  	[tilespmem:s12], [sflag:$0x2] =	stream.indirect_vreg.gather [hbm4b:s4+s3], $0x80, v3, vm0, $0xb8;
	[tilespmem:$0x10100] =	vst v63  }
0x10f: {  	v3 =	vld [tilespmem:$0xA0];
	_ =	sdelay $0x4  }
0x110: {  	v58 =	vshll.u32 v3, $0x2  }
0x111: {  	v3 =	vand.u32 $0x7, v3;
	v4 =	vand.u32 $0xFFFFFFE0, v58  }
0x112: {  	v3 =	vor.u32 v3, v4  }
0x113: {  	v4 =	vperm.xlane v3, v0;
	_ =	sdelay $0x1  }
0x114: {  	v4 =	vadd.s32 v1, v4;
	_ =	sdelay $0x1  }
0x115: {  	v3 =	vperm.xlane v3, v2;
	_ =	sdelay $0x1  }
0x116: {  	v3 =	vadd.s32 v1, v3  }
0x117: {  	[tilespmem:s13], [sflag:$0x2] =	stream.indirect_vreg.gather [hbm4b:s2+s3], $0x80, v4, vm0, $0xb8;
	[tilespmem:$0x10100] =	vst v63  }
0x118: {  	_ = 	snop  }
0x119: {  	[tilespmem:s14], [sflag:$0x2] =	stream.indirect_vreg.gather [hbm4b:s4+s3], $0x80, v4, vm0, $0xb8;
	[tilespmem:$0x10100] =	vst v63  }
0x11a: {  	_ = 	snop  }
0x11b: {  	[tilespmem:s15], [sflag:$0x2] =	stream.indirect_vreg.gather [hbm4b:s2+s3], $0x80, v3, vm0, $0xb8;
	[tilespmem:$0x10100] =	vst v63  }
0x11c: {  	_ = 	snop  }
0x11d: {  	[tilespmem:s16], [sflag:$0x2] =	stream.indirect_vreg.gather [hbm4b:s4+s3], $0x80, v3, vm0, $0xb8;
	[tilespmem:$0x10100] =	vst v63  }
0x11e: {  	v3 =	vld [tilespmem:$0xB0];
	_ =	sdelay $0x4  }
0x11f: {  	v59 =	vshll.u32 v3, $0x2  }
0x120: {  	v3 =	vand.u32 $0x7, v3;
	v4 =	vand.u32 $0xFFFFFFE0, v59  }
0x121: {  	v3 =	vor.u32 v3, v4  }
0x122: {  	v4 =	vperm.xlane v3, v0;
	_ =	sdelay $0x1  }
0x123: {  	v4 =	vadd.s32 v1, v4;
	_ =	sdelay $0x1  }
0x124: {  	v3 =	vperm.xlane v3, v2;
	_ =	sdelay $0x1  }
0x125: {  	v3 =	vadd.s32 v1, v3  }
0x126: {  	[tilespmem:s17], [sflag:$0x2] =	stream.indirect_vreg.gather [hbm4b:s2+s3], $0x80, v4, vm0, $0xb8;
	[tilespmem:$0x10100] =	vst v63  }
0x127: {  	_ = 	snop  }
0x128: {  	[tilespmem:s18], [sflag:$0x2] =	stream.indirect_vreg.gather [hbm4b:s4+s3], $0x80, v4, vm0, $0xb8;
	[tilespmem:$0x10100] =	vst v63  }
0x129: {  	_ = 	snop  }
0x12a: {  	[tilespmem:s19], [sflag:$0x2] =	stream.indirect_vreg.gather [hbm4b:s2+s3], $0x80, v3, vm0, $0xb8;
	[tilespmem:$0x10100] =	vst v63  }
0x12b: {  	_ = 	snop  }
0x12c: {  	[tilespmem:s20], [sflag:$0x2] =	stream.indirect_vreg.gather [hbm4b:s4+s3], $0x80, v3, vm0, $0xb8;
	[tilespmem:$0x10100] =	vst v63  }
0x12d: {  	_ =	swait.ge [sflag:s0], $0x8000  }
0x12e: {  	[sflag:s0] =	ssyncset.done $0x0  }
0x12f: {  	s26 =	rddreg [dreg:$0x9];
	[sflag:s0] =	ssyncadd.s32 $0xFFFF8000  }
0x130: {  	[hbm4b:s26+s3] =	stream.linear.scatter [tilespmem:s21], [sflag:$0x3], $0x8000, $0x38;
	[tilespmem:$0x10100] =	vst v63  }
0x131: {  	s8 =	rddreg [dreg:$0xa]  }
0x132: {  	[tilespmem:s3], [sflag:$0x5] =	stream.linear.gather [hbm4b:s8+s3], $0x40, $0x38;
	[tilespmem:$0x10100] =	vst v63  }
0x133: {  	_ =	swait.ge [sflag:s6], $0x40  }
0x134: {  	[sflag:s6] =	ssyncset.done $0x0  }
0x135: {  	[sflag:s6] =	ssyncadd.s32 $0xFFFFFFC0  }
0x136: {  	_ =	swait.ge [sflag:s1], $0x8000  }
0x137: {  	[sflag:s1] =	ssyncset.done $0x0  }
0x138: {  	[sflag:s1] =	ssyncadd.s32 $0xFFFF8000  }
0x139: {  	v3 =	vld [tilespmem:$0x0];
	_ =	sdelay $0x4  }
0x13a: {  	v60 =	vshll.u32 v3, $0x2  }
0x13b: {  	v3 =	vand.u32 $0x7, v3;
	v4 =	vand.u32 $0xFFFFFFE0, v60  }
0x13c: {  	v3 =	vor.u32 v3, v4  }
0x13d: {  	v4 =	vperm.xlane v3, v0;
	_ =	sdelay $0x1  }
0x13e: {  	v4 =	vadd.s32 v1, v4;
	_ =	sdelay $0x1  }
0x13f: {  	v3 =	vperm.xlane v3, v2;
	_ =	sdelay $0x1  }
0x140: {  	v3 =	vadd.s32 v1, v3  }
0x141: {  	[tilespmem:s21], [sflag:$0x1] =	stream.indirect_vreg.gather [hbm4b:s2+s3], $0x80, v4, vm0, $0xb8;
	[tilespmem:$0x10100] =	vst v63  }
0x142: {  	s28 =	simm.s32 $0x900  }
0x143: {  	[tilespmem:s28], [sflag:$0x1] =	stream.indirect_vreg.gather [hbm4b:s4+s3], $0x80, v4, vm0, $0xb8;
	[tilespmem:$0x10100] =	vst v63  }
0x144: {  	s26 =	simm.s32 $0x1100  }
0x145: {  	[tilespmem:s26], [sflag:$0x1] =	stream.indirect_vreg.gather [hbm4b:s2+s3], $0x80, v3, vm0, $0xb8;
	[tilespmem:$0x10100] =	vst v63  }
0x146: {  	s28 =	simm.s32 $0x1900  }
0x147: {  	[tilespmem:s28], [sflag:$0x1] =	stream.indirect_vreg.gather [hbm4b:s4+s3], $0x80, v3, vm0, $0xb8;
	[tilespmem:$0x10100] =	vst v63  }
0x148: {  	v3 =	vld [tilespmem:$0x10];
	_ =	sdelay $0x4  }
0x149: {  	v61 =	vshll.u32 v3, $0x2  }
0x14a: {  	v3 =	vand.u32 $0x7, v3;
	v4 =	vand.u32 $0xFFFFFFE0, v61  }
0x14b: {  	v3 =	vor.u32 v3, v4  }
0x14c: {  	v4 =	vperm.xlane v3, v0;
	_ =	sdelay $0x1  }
0x14d: {  	v4 =	vadd.s32 v1, v4;
	_ =	sdelay $0x1  }
0x14e: {  	v3 =	vperm.xlane v3, v2;
	_ =	sdelay $0x1  }
0x14f: {  	s26 =	simm.s32 $0x2100;
	v3 =	vadd.s32 v1, v3  }
0x150: {  	[tilespmem:s26], [sflag:$0x1] =	stream.indirect_vreg.gather [hbm4b:s2+s3], $0x80, v4, vm0, $0xb8;
	[tilespmem:$0x10100] =	vst v63  }
0x151: {  	s28 =	simm.s32 $0x2900  }
0x152: {  	[tilespmem:s28], [sflag:$0x1] =	stream.indirect_vreg.gather [hbm4b:s4+s3], $0x80, v4, vm0, $0xb8;
	[tilespmem:$0x10100] =	vst v63  }
0x153: {  	s26 =	simm.s32 $0x3100  }
0x154: {  	[tilespmem:s26], [sflag:$0x1] =	stream.indirect_vreg.gather [hbm4b:s2+s3], $0x80, v3, vm0, $0xb8;
	[tilespmem:$0x10100] =	vst v63  }
0x155: {  	s28 =	simm.s32 $0x3900  }
0x156: {  	[tilespmem:s28], [sflag:$0x1] =	stream.indirect_vreg.gather [hbm4b:s4+s3], $0x80, v3, vm0, $0xb8;
	[tilespmem:$0x10100] =	vst v63  }
0x157: {  	v3 =	vld [tilespmem:$0x20];
	_ =	sdelay $0x4  }
0x158: {  	v62 =	vshll.u32 v3, $0x2  }
0x159: {  	v3 =	vand.u32 $0x7, v3;
	v4 =	vand.u32 $0xFFFFFFE0, v62  }
0x15a: {  	v3 =	vor.u32 v3, v4  }
0x15b: {  	v4 =	vperm.xlane v3, v0;
	_ =	sdelay $0x1  }
0x15c: {  	v4 =	vadd.s32 v1, v4;
	_ =	sdelay $0x1  }
0x15d: {  	v3 =	vperm.xlane v3, v2;
	_ =	sdelay $0x1  }
0x15e: {  	s26 =	simm.s32 $0x4100;
	v3 =	vadd.s32 v1, v3  }
0x15f: {  	[tilespmem:s26], [sflag:$0x1] =	stream.indirect_vreg.gather [hbm4b:s2+s3], $0x80, v4, vm0, $0xb8;
	[tilespmem:$0x10100] =	vst v63  }
0x160: {  	s28 =	simm.s32 $0x4900  }
0x161: {  	[tilespmem:s28], [sflag:$0x1] =	stream.indirect_vreg.gather [hbm4b:s4+s3], $0x80, v4, vm0, $0xb8;
	[tilespmem:$0x10100] =	vst v63  }
0x162: {  	s26 =	simm.s32 $0x5100  }
0x163: {  	[tilespmem:s26], [sflag:$0x1] =	stream.indirect_vreg.gather [hbm4b:s2+s3], $0x80, v3, vm0, $0xb8;
	[tilespmem:$0x10100] =	vst v63  }
0x164: {  	s28 =	simm.s32 $0x5900  }
0x165: {  	[tilespmem:s28], [sflag:$0x1] =	stream.indirect_vreg.gather [hbm4b:s4+s3], $0x80, v3, vm0, $0xb8;
	[tilespmem:$0x10100] =	vst v63  }
0x166: {  	v3 =	vld [tilespmem:$0x30];
	_ =	sdelay $0x4  }
0x167: {  	v63 =	vshll.u32 v3, $0x2  }
0x168: {  	v3 =	vand.u32 $0x7, v3;
	v4 =	vand.u32 $0xFFFFFFE0, v63  }
0x169: {  	v3 =	vor.u32 v3, v4  }
0x16a: {  	v4 =	vperm.xlane v3, v0;
	_ =	sdelay $0x1  }
0x16b: {  	v4 =	vadd.s32 v1, v4;
	_ =	sdelay $0x1  }
0x16c: {  	v3 =	vperm.xlane v3, v2;
	_ =	sdelay $0x1  }
0x16d: {  	s26 =	simm.s32 $0x6100;
	v3 =	vadd.s32 v1, v3  }
0x16e: {  	[tilespmem:s26], [sflag:$0x1] =	stream.indirect_vreg.gather [hbm4b:s2+s3], $0x80, v4, vm0, $0xb8;
	[tilespmem:$0x10100] =	vst v63  }
0x16f: {  	s28 =	simm.s32 $0x6900  }
0x170: {  	[tilespmem:s28], [sflag:$0x1] =	stream.indirect_vreg.gather [hbm4b:s4+s3], $0x80, v4, vm0, $0xb8;
	[tilespmem:$0x10100] =	vst v63  }
0x171: {  	_ = 	snop  }
0x172: {  	[tilespmem:s22], [sflag:$0x1] =	stream.indirect_vreg.gather [hbm4b:s2+s3], $0x80, v3, vm0, $0xb8;
	[tilespmem:$0x10100] =	vst v63  }
0x173: {  	_ = 	snop  }
0x174: {  	[tilespmem:s24], [sflag:$0x1] =	stream.indirect_vreg.gather [hbm4b:s4+s3], $0x80, v3, vm0, $0xb8;
	[tilespmem:$0x10100] =	vst v63  }
0x175: {  	_ =	swait.ge [sflag:s23], $0x8000  }
0x176: {  	[sflag:s23] =	ssyncset.done $0x0  }
0x177: {  	s8 =	rddreg [dreg:$0xb];
	[sflag:s23] =	ssyncadd.s32 $0xFFFF8000  }
0x178: {  	[hbm4b:s8+s3] =	stream.linear.scatter [tilespmem:s7], [sflag:$0x4], $0x8000, $0x38;
	[tilespmem:$0x10100] =	vst v63  }
0x179: {  	_ =	swait.ge [sflag:s0], $0x8000  }
0x17a: {  	[sflag:s0] =	ssyncset.done $0x0  }
0x17b: {  	s28 =	rddreg [dreg:$0xc];
	[sflag:s0] =	ssyncadd.s32 $0xFFFF8000  }
0x17c: {  	[hbm4b:s28+s3] =	stream.linear.scatter [tilespmem:s21], [sflag:$0x3], $0x8000, $0x38;
	[tilespmem:$0x10100] =	vst v63  }
0x17d: {  	p0 =	sne.s32 s5, $0x1;
	_ =	swait.ge [sflag:s1], $0x8000  }
.Ltmp0:
0x17e: {  	[sflag:s1] =	ssyncset.done $0x0;
	(pc) =	sbr.rel @p0 .LBB2_1-.Ltmp0, $4  }
0x17f: {  	[sflag:s1] =	ssyncadd.s32 $0xFFFF8000  }
0x180: {  	_ =	swait.ge [sflag:s25], $0x8000  }
0x181: {  	[sflag:s25] =	ssyncset.done $0x0  }
0x182: {  	s5 =	sadd.s32 $0xFFFFFFFF, s5;
	[sflag:s25] =	ssyncadd.s32 $0xFFFF8000  }
0x183: {  	_ =	sfence.sel $0x180000  }
0x184: {  	[bflag:$0x0] =	sbarrier.arrive $0xFFFF  }
0x185: {  	_ =	strace $0x9000004A  }
0x186: {  	s0 =	stileid.u32;
	[bflag:$0x2] =	sbarrier.arrive $0xFFFF  }
0x187: {  	p0 =	sne.s32 s0, $0x0;
	s0 =	rddreg [dreg:$0x2]  }
0x188: {  	s0 =	sadd.s32 @!p0 $0x100000, s0  }
0x189: {  	[sflag:s0] =	ssyncadd.tile.s32 @!p0 $0x1;
	_ =	shalt  }
.Lfunc_end2:
_tile_overlayer_lowered:
.L_overlay_start_2:
0x18a: {  	(tag) =	ssettag $0x2  }
0x18b: {  	s0 =	rddreg [dreg:$0x0];
	s2 =	stileid.u32  }
0x18c: {  	s1 =	rddreg [dreg:$0x1];
	p0 =	sne.s32 s2, $0x0  }
0x18d: {  	s3 =	rddreg [dreg:$0x2];
	[bflag:$0x3] =	sbarrier.arrive $0xFFFF;
	s2 =	simm.s32 @!p0 $0x1C05  }
0x18e: {  	[timem:s3], [sflag:s2] =	dma.local @!p0 [hbm:s0], s1  }
0x18f: {  	s0 =	simm.s32 @!p0 $0x5  }
0x190: {  	_ =	swait.ge @!p0 [sflag:s0], s1  }
0x191: {  	s1 =	ssub.s32 @!p0 $0x0, s1;
	[sflag:s0] =	ssyncset.done @!p0 $0x0  }
0x192: {  	[sflag:s0] =	ssyncadd.s32 @!p0 s1  }
0x193: {  	[bflag:$0x3] =	sbarrier.arrive $0xFFFF  }
0x194: {  	_ =	shalt  }

// kernel: sparse-core-data-format-call.cloned.1.call-start
scs
called_computation_lowered:
.L_overlay_start_0:
0x0: {  	s1 =	sld [smem:$0x3FD9]  }
0x1: {  	s2 =	sld [smem:$0x3FFE];
	_ =	sdelay $0x1  }
0x2: {  	s3 =	srdreg.scid  }
0x3: {  	s0 =	sand.u32 $0x1, s3  }
0x4: {  	s17 =	sshll.u32 s0, $0xA;
	s1 =	sadd.s32 s2, s1  }
0x5: {  	s1 =	sadd.s32 s1, s17  }
0x6: {  	[smem:$0x3FC0] =	sst s1  }
0x7: {  	_ = 	snop  }
0x8: {  	(tm) =	ssettm $0x1  }
0x9: {  	s18 =	sld [smem:$0x3FFB];
	_ =	sdelay $0x3  }
0xa: {  	_ =	strace s18  }
0xb: {  	s1 =	sld [smem:$0x3FFC];
	_ =	sdelay $0x3  }
0xc: {  	_ =	strace s1  }
0xd: {  	s1 =	sld [smem:$0x3FFD];
	_ =	sdelay $0x3  }
0xe: {  	_ =	strace s1  }
0xf: {  	_ =	strace $0x8FFFFFFF  }
0x10: {  	s19 =	sld [smem:$0x3FDB];
	_ =	sdelay $0x1  }
0x11: {  	s20 =	simm.s32 $_scs_section_size  }
0x12: {  	s4 =	simm.s32 $_size__tile_overlayer_lowered;
	s5 =	simm.s32 $_tile_overlayer_lowered  }
0x13: {  	s23 =	simm.s32 $0x1BFF;
	s22 =	sshll.u32 s5, $0x1;
	s1 =	sadd.s32 s20, s19  }
0x14: {  	s6 =	simm.s32 $0x0;
	s21 =	sshll.u32 s4, $0x1;
	s4 =	sadd.s32 s22, s1  }
0x15: {  	[timem:s6], [sflag:s23] =	dma.local [hbm:s4], s21  }
0x16: {  	_ =	swait.ge [sflag:s23], s21  }
0x17: {  	s2 =	ssub.s32 $0x0, s21;
	[sflag:s23] =	ssyncset.done $0x0  }
0x18: {  	[sflag:s23] =	ssyncadd.s32 s2;
	_ =	sdelay $0x1  }
0x19: {  	s24 =	simm.s32 $0x1B8B  }
0x1a: {  	_ =	swait.ge [sflag:s24], $0x1  }
0x1b: {  	[sflag:s24] =	ssyncset.done $0x0  }
0x1c: {  	s26 =	simm.s32 $0x1B8E;
	s25 =	sld [smem:$0x3FFE];
	[sflag:s24] =	ssyncadd.s32 $0xFFFFFFFF  }
0x1d: {  	s27 =	simm.s32 $execute0_lowered;
	[smem:$0x3FD2] =	sst s26  }
0x1e: {  	s4 =	sshll.u32 s27, $0x1;
	_ =	strace $0x8000004C;
	[dreg:$0x1] =	wrdreg $0xFFFFFFFF  }
0x1f: {  	s28 =	simm.s32 $_size_execute0_lowered;
	s1 =	sadd.s32 s1, s4;
	[dreg:$0x0] =	wrdreg $0x0  }
0x20: {  	s4 =	sshll.u32 s28, $0x1;
	[dreg:$0x2] =	wrdreg s1  }
0x21: {  	[dreg:$0x3] =	wrdreg s4  }
0x22: {  	[dreg:$0x4] =	wrdreg $0xC0  }
0x23: {  	_ =	task [dreg:s6], $0x5FFFF  }
0x24: {  	[dreg:$0x1] =	wrdreg $0xFFFFFFFF  }
0x25: {  	[dreg:$0x0] =	wrdreg $0x60  }
0x26: {  	[dreg:$0x2] =	wrdreg s25  }
0x27: {  	[dreg:$0x3] =	wrdreg $0x9  }
0x28: {  	_ =	task.clear_ibuf [dreg:s6], $0x4FFFF;
	_ =	strace $0x9000004C  }
0x29: {  	s29 =	simm.s32 $0x9;
	_ =	strace $0x8000004E  }
0x2a: {  	_ =	swait.ge [sflag:s29], $0x1  }
0x2b: {  	[sflag:s29] =	ssyncadd.s32 $0xFFFFFFFF  }
0x2c: {  	_ =	strace $0x9000004E  }
0x2d: {  	_ =	sfence  }
0x2e: {  	s30 =	sld [smem:$0x0];
	_ =	sdelay $0x2  }
0x2f: {  	s31 =	sshll.u32 s3, $0xD;
	s3 =	sshrl.u32 s3, $0x2  }
0x30: {  	s2 =	sand.u32 $0x4000, s31;
	s1 =	sadd.s32 s3, s30  }
0x31: {  	s0 =	sor.u32 s2, s0;
	s1 =	sshll.u32 s1, $0x11  }
0x32: {  	s0 =	sor.u32 s1, s0  }
0x33: {  	s0 =	sadd.s32 $0x8F2B, s0  }
0x34: {  	[sflag:s0] =	ssyncadd.remote.s32 $0x1  }
0x35: {  	_ =	sfence.sel $0xFFFF  }
0x36: {  	[dreg:$0x0] =	wrdreg $0xFFFFFFFF;
	(pc) =	sbr.abs _section_cstart, $3  }
0x37: {  	[dreg:$0x1] =	wrdreg $0xFFFFFFFF  }
0x38: {  	_ =	task.clear_ibuf [dreg:s6], $0x2FFFF;
	_ =	strace $0x9FFFFFFF  }
0x39: {  	(tm) =	ssettm $0x7FFFFFFF  }
tec
execute0_lowered:
.L_overlay_start_1:
0x0: {  	(tag) =	ssettag $0x1  }
0x1: {  	s0 =	stileid.u32;
	s1 =	srdreg.scid  }
0x2: {  	s7 =	rddreg [dreg:$0x0];
	s31 =	simm.s32 $0x2;
	s14 =	simm.s32 $0x0  }
0x3: {  	s13 =	simm.s32 $0x0;
	s12 =	simm.s32 $0x0;
	s2 =	sshll.u32 s0, $0x7  }
0x4: {  	s3 =	sshll.u32 s0, $0x4;
	s1 =	sshll.u32 s1, $0x8;
	s2 =	sand.u32 $0x380, s2  }
0x5: {  	s3 =	sor.u32 s3, s1;
	s1 =	rddreg [dreg:$0x1];
	_ =	strace $0x8000004D  }
0x6: {  	s3 =	sand.u32 $0x180, s3;
	s4 =	ssub.s32 $0x400, s2;
	s11 =	smov.u32 s2  }
0x7: {  	s5 =	sand.u32 $0x380, s4;
	s6 =	ssub.s32 $0x2800, s3;
	s9 =	sshrl.u32 s4, $0xA  }
0x8: {  	p0 =	sne.s32 s5, $0x0;
	s5 =	simm.s32 $0x1;
	s8 =	sand.u32 $0x180, s6  }
0x9: {  	s5 =	simm.s32 @!p0 $0x0;
	p0 =	sne.s32 s8, $0x0;
	s8 =	simm.s32 $0x1  }
.Ltmp0:
0xa: {  	s6 =	sshrl.u32 s6, $0x9;
	s8 =	simm.s32 @!p0 $0x0;
	(pc) =	sbr.rel .LBB1_1-.Ltmp0, $4  }
0xb: {  	s4 =	simm.s32 $0x1;
	s5 =	sadd.s32 s5, s9;
	s6 =	sadd.s32 s8, s6  }
0xc: {  	s10 =	smov.u32 s3;
	[sflag:s4] =	ssyncpa.u1 $0x0;
	s5 =	smul.u32 s5, s6  }
0xd: {  	[sflag:s31] =	ssyncpa.u1 $0x0;
	p0 =	por $0x0, $0x0;
	s9 =	simm.s32 $0x2000  }
0xe: {  	s6 =	sadd.s32 $0x220600, s7;
	s7 =	sadd.s32 $0x40600, s7;
	s8 =	sadd.s32 $0x1, s5  }
.LBB1_4:
0xf: {  	v5 =	vld [tilespmem:s18+$0xFFFFFFD0];
	[tilespmem:s17+$0x2040 ss:$0x81] =	vst.msk $0xffff, v4;
	s20 =	sshll.u32 s14, $0xA;
	s21 =	sshll.u32 s13, $0x3  }
0x10: {  	v58 =	vld [tilespmem:s18+$0xFFFFFFE0];
	[tilespmem:s17+$0x2850 ss:$0x81] =	vst.msk $0xffff, v3;
	s20 =	sand.u32 $0xFFFFE000, s20;
	s21 =	sand.u32 $0xFFFFFC00, s21  }
0x11: {  	s19 =	sshra.s32 s19, $0x2;
	v59 =	vld [tilespmem:s18+$0xFFFFFFF0];
	[tilespmem:s17+$0x3060 ss:$0x81] =	vst.msk $0xffff, v2;
	s20 =	sadd.s32 s21, s20  }
0x12: {  	v60 =	vld [tilespmem:s18+$0x0];
	[tilespmem:s17+$0x0 ss:$0x81] =	vst.msk $0xffff, v0;
	s16 =	sadd.s32 s19, s16;
	s26 =	sshrl.u32 s20, $0xA  }
0x13: {  	v61 =	vld [tilespmem:s18+$0x10];
	[tilespmem:s16+$0x3870 ss:$0x81] =	vst.msk $0xffff, v1;
	s27 =	smulhi.u32 $0xCCCCD, s26  }
0x14: {  	v62 =	vld [tilespmem:s18+$0x20];
	[tilespmem:s16+$0x810 ss:$0x81] =	vst.msk $0xffff, v5  }
0x15: {  	v63 =	vld [tilespmem:s18+$0xFFFFFFC0];
	s28 =	sshll.u32 s14, $0x7;
	[tilespmem:s16+$0x1020 ss:$0x81] =	vst.msk $0xffff, v58;
	s29 =	sshrl.u32 s27, $0x1  }
0x16: {  	s30 =	sand.u32 $0x78, s13;
	s14 =	sand.u32 $0x380, s28;
	[tilespmem:s16+$0x1830 ss:$0x81] =	vst.msk $0xffff, v59;
	s18 =	smul.u32 $0x2800, s29  }
0x17: {  	s14 =	sor.u32 s30, s14;
	[tilespmem:s16+$0x2040 ss:$0x81] =	vst.msk $0xffff, v60  }
0x18: {  	s31 =	sand.u32 $0x7, s13;
	s14 =	sshrl.u32 s14, $0x3;
	[tilespmem:s16+$0x2850 ss:$0x81] =	vst.msk $0xffff, v61;
	s17 =	ssub.s32 s26, s18  }
0x19: {  	s13 =	sshll.u32 s31, $0x12;
	s14 =	sadd.s32 s7, s14;
	[tilespmem:s16+$0x3060 ss:$0x81] =	vst.msk $0xffff, v62;
	s17 =	sshll.u32 s17, $0x7  }
0x1a: {  	s13 =	sor.u32 $0x400, s13;
	[tilespmem:s16+$0x0 ss:$0x81] =	vst.msk $0xffff, v63;
	s14 =	sadd.s32 s17, s14  }
0x1b: {  	[hbm4b:s14+s13] =	stream.strided.scatter [tilespmem:s15], [sflag:$0x2], $0x4000, s9, s13, $0x20;
	[tilespmem:$0x10100] =	vst v63  }
.LBB1_5:
0x1c: {  	s15 =	sadd.s32 $0x200, s10  }
0x1d: {  	s13 =	sadd.s32 $0x400, s11;
	s17 =	smov.u32 s11;
	p2 =	sgt.s32 s15, $0x27FF  }
0x1e: {  	s17 =	smov.u32 @p2 s13  }
0x1f: {  	s15 =	smov.u32 @p2 s3;
	p2 =	sgt.s32 s17, $0x3FF  }
0x20: {  	s17 =	smov.u32 @p2 s2;
	p2 =	sne.s32 s12, s8  }
.Ltmp1:
0x21: {  	p1 =	slt.u32 s12, $0x2;
	(pc) =	sbr.rel @!p2 .LBB1_6-.Ltmp1, $4  }
0x22: {  	s16 =	simm.s32 @!p1 $0x2  }
0x23: {  	s14 =	smov.u32 s10;
	p0 =	por !p0, !p0;
	_ =	swait.ge @!p1 [sflag:s16], $0x4000  }
0x24: {  	s13 =	smov.u32 s11;
	[sflag:s16] =	ssyncset.done @!p1 $0x0;
	s10 =	smov.u32 s15  }
0x25: {  	s12 =	sadd.s32 $0x1, s12;
	[sflag:s16] =	ssyncadd.s32 @!p1 $0xFFFFC000;
	s11 =	smov.u32 s17  }
.LBB1_1:
0x26: {  	p1 =	sge.u32 s12, s5  }
0x27: {  	s15 =	sshrl.u32 @!p1 s11, $0x3  }
0x28: {  	s16 =	sshll.u32 @!p1 s10, $0x3;
	s17 =	sshll.u32 @!p1 s11, $0x7;
	s15 =	smul.u32 @!p1 $0x14000, s15  }
0x29: {  	s18 =	sand.u32 @!p1 $0x7F, s10;
	s16 =	sand.u32 @!p1 $0xFFFFFC00, s16;
	s17 =	sand.u32 @!p1 $0x380, s17  }
0x2a: {  	s15 =	sadd.s32 @!p1 s15, s16;
	s16 =	sor.u32 @!p1 s18, s17  }
0x2b: {  	s16 =	sor.u32 @!p1 s15, s16  }
0x2c: {  	s17 =	smulhi.u32 @!p1 $0xCCCCCCCD, s16;
	_ =	sdelay $0x1  }
0x2d: {  	s15 =	smulhi.u32 @!p1 $0xCCCCCCCD, s15;
	s17 =	sshrl.u32 @!p1 s17, $0xD  }
0x2e: {  	s17 =	smul.u32 @!p1 $0x2800, s17  }
0x2f: {  	s31 =	sadd.s32 $0xFFFFFFFF, s12;
	s18 =	sxor.u32 @!p1 $0xFFFFFFFF, s12;
	s15 =	sshrl.u32 @!p1 s15, $0xD  }
0x30: {  	s18 =	sshll.u32 @!p1 s18, $0xE;
	s15 =	sand.u32 @!p1 $0x3FF, s15;
	s16 =	ssub.s32 @!p1 s16, s17  }
0x31: {  	s15 =	smul.u32 @!p1 $0x500, s15;
	s17 =	sshrl.u32 @!p1 s16, $0x3;
	s16 =	sand.u32 @!p1 $0x7, s16  }
0x32: {  	s18 =	sand.u32 @!p1 $0x4000, s18;
	s17 =	sadd.s32 @!p1 s6, s17;
	s16 =	sshll.u32 @!p1 s16, $0x12  }
0x33: {  	s15 =	sadd.s32 @!p1 s15, s17;
	s16 =	sor.u32 @!p1 $0x400, s16;
	s17 =	simm.s32 @!p1 $0x14000  }
0x34: {  	[tilespmem:s18], [sflag:$0x1] =	stream.strided.gather @!p1 [hbm4b:s15+s16], $0x4000, s17, s16, $0x38;
	[tilespmem:$0x10100] =	vst v63  }
0x35: {  	p1 =	sge.u32 s31, s5  }
.Ltmp2:
0x36: {  	_ = 	snop;
	(pc) =	sbr.rel @p1 .LBB1_5-.Ltmp2, $1  }
0x37: {  	_ =	sdelay $0x3  }
0x38: {  	s15 =	simm.s32 $0x1  }
0x39: {  	_ =	swait.ge [sflag:s4], $0x4000;
	s15 =	simm.s32 @!p0 $0x0  }
0x3a: {  	[sflag:s4] =	ssyncset.done $0x0;
	s16 =	sshll.u32 s15, $0xE  }
0x3b: {  	[sflag:s4] =	ssyncadd.s32 $0xFFFFC000;
	s18 =	sor.u32 $0x40, s16  }
0x3c: {  	s15 =	smul.u32 $0x10200, s15;
	v0 =	vld [tilespmem:s18+$0x30]  }
0x3d: {  	v1 =	vld [tilespmem:s18+$0xFFFFFFD0]  }
0x3e: {  	s15 =	sshrl.u32 s15, $0x2;
	v5 =	vld [tilespmem:s18+$0xFFFFFFE0]  }
0x3f: {  	v6 =	vld [tilespmem:s18+$0xFFFFFFF0];
	s16 =	sor.u32 $0x8000, s15  }
0x40: {  	s31 =	sand.u32 $0x1, s12;
	v4 =	vld [tilespmem:s18+$0x0];
	s17 =	sadd.s32 $0x0, s16  }
0x41: {  	v3 =	vld [tilespmem:s18+$0x10];
	s15 =	smul.u32 $0x10200, s31;
	[tilespmem:s17+$0x3870 ss:$0x81] =	vst.msk $0xffff, v0  }
0x42: {  	v2 =	vld [tilespmem:s18+$0x20];
	[tilespmem:s17+$0x810 ss:$0x81] =	vst.msk $0xffff, v1  }
0x43: {  	s15 =	sshrl.u32 s15, $0x2;
	v0 =	vld [tilespmem:s18+$0xFFFFFFC0];
	[tilespmem:s17+$0x1020 ss:$0x81] =	vst.msk $0xffff, v5;
	s18 =	sadd.s32 $0x80, s18  }
0x44: {  	s19 =	simm.s32 $0x4;
	s20 =	simm.s32 $0x8;
	s15 =	sor.u32 $0x8000, s15;
	[tilespmem:s17+$0x1830 ss:$0x81] =	vst.msk $0xffff, v6;
	v1 =	vld [tilespmem:s18+$0x30]  }
.LBB1_3:
0x45: {  	p1 =	sne.s32 s20, $0x1FC;
	v5 =	vld [tilespmem:s18+$0xFFFFFFD0];
	[tilespmem:s17+$0x2040 ss:$0x81] =	vst.msk $0xffff, v4  }
0x46: {  	v6 =	vld [tilespmem:s18+$0xFFFFFFE0];
	[tilespmem:s17+$0x2850 ss:$0x81] =	vst.msk $0xffff, v3  }
0x47: {  	s21 =	sshra.s32 s19, $0x2;
	s19 =	smov.u32 s20;
	v7 =	vld [tilespmem:s18+$0xFFFFFFF0];
	[tilespmem:s17+$0x3060 ss:$0x81] =	vst.msk $0xffff, v2  }
.Ltmp3:
0x48: {  	v4 =	vld [tilespmem:s18+$0x0];
	[tilespmem:s17+$0x0 ss:$0x81] =	vst.msk $0xffff, v0;
	s17 =	sadd.s32 s21, s16;
	(pc) =	sbr.rel @p1 .LBB1_3-.Ltmp3, $4  }
0x49: {  	v3 =	vld [tilespmem:s18+$0x10];
	[tilespmem:s17+$0x3870 ss:$0x81] =	vst.msk $0xffff, v1  }
0x4a: {  	[tilespmem:s17+$0x810 ss:$0x81] =	vst.msk $0xffff, v5;
	v2 =	vld [tilespmem:s18+$0x20]  }
0x4b: {  	v0 =	vld [tilespmem:s18+$0xFFFFFFC0];
	[tilespmem:s17+$0x1020 ss:$0x81] =	vst.msk $0xffff, v6;
	s18 =	sadd.s32 $0x80, s18  }
0x4c: {  	s20 =	sadd.s32 $0x4, s20;
	v1 =	vld [tilespmem:s18+$0x30];
	[tilespmem:s17+$0x1830 ss:$0x81] =	vst.msk $0xffff, v7  }
.Ltmp4:
0x4d: {  	_ = 	snop;
	(pc) =	sbr.rel .LBB1_4-.Ltmp4, $1  }
0x4e: {  	_ =	sdelay $0x3  }
.LBB1_6:
0x4f: {  	_ =	sfence.sel $0x180000  }
0x50: {  	s2 =	simm.s32 $0x1;
	[bflag:$0x0] =	sbarrier.arrive $0xFFFF  }
0x51: {  	s31 =	simm.s32 $0x2;
	[sflag:s2] =	ssyncpa.u1 $0x1  }
0x52: {  	[sflag:s31] =	ssyncpa.u1 $0x1  }
0x53: {  	p0 =	sne.s32 s0, $0x0;
	_ =	strace $0x9000004D  }
0x54: {  	s0 =	sadd.s32 @!p0 $0x100000, s1;
	[bflag:$0x2] =	sbarrier.arrive $0xFFFF  }
0x55: {  	[sflag:s0] =	ssyncadd.tile.s32 @!p0 $0x1;
	_ =	shalt  }
.Lfunc_end1:
_tile_overlayer_lowered:
.L_overlay_start_2:
0x56: {  	(tag) =	ssettag $0x2  }
0x57: {  	s0 =	rddreg [dreg:$0x0];
	s2 =	stileid.u32  }
0x58: {  	s1 =	rddreg [dreg:$0x1];
	p0 =	sne.s32 s2, $0x0  }
0x59: {  	s3 =	rddreg [dreg:$0x2];
	[bflag:$0x3] =	sbarrier.arrive $0xFFFF;
	s2 =	simm.s32 @!p0 $0x1C01  }
0x5a: {  	[timem:s3], [sflag:s2] =	dma.local @!p0 [hbm:s0], s1  }
0x5b: {  	s0 =	simm.s32 @!p0 $0x1  }
0x5c: {  	_ =	swait.ge @!p0 [sflag:s0], s1  }
0x5d: {  	s1 =	ssub.s32 @!p0 $0x0, s1;
	[sflag:s0] =	ssyncset.done @!p0 $0x0  }
0x5e: {  	[sflag:s0] =	ssyncadd.s32 @!p0 s1  }
0x5f: {  	[bflag:$0x3] =	sbarrier.arrive $0xFFFF  }
0x60: {  	_ =	shalt  }

</sc_bundles>
